<compile_context>
chip_gen: v7x
topology: tpu7x:2x2x1
jax: 0.10.2.dev20260603
libtpu: 0.0.44.dev20260713+nightly
codegen_flags: <defaults>
</compile_context>

<pallas_src>
import dataclasses
import functools

import jax
import jax.numpy as jnp
from jax import lax
from jax.experimental import pallas as pl
from jax.experimental.pallas import tpu as pltpu
from jax.experimental.pallas import tpu_sc as plsc

L = 16
NC = 2
NS = 16
K = 48
RZ = 40


@functools.lru_cache(maxsize=None)
def _build(NP: int, CH: int, n_chunks: int):
    mesh = plsc.VectorSubcoreMesh(core_axis_name="c", subcore_axis_name="s")
    cp = pltpu.CompilerParams()
    if "needs_layout_passes" in pltpu.CompilerParams.__dataclass_fields__:
        cp = dataclasses.replace(cp, needs_layout_passes=False)

    @functools.partial(
        pl.kernel,
        out_type=jax.ShapeDtypeStruct((NC * NP, CH), jnp.float32),
        mesh=mesh,
        compiler_params=cp,
        scratch_types=[
            [pltpu.VMEM((K,), jnp.int32) for _ in range(2)],
            [pltpu.VMEM((K,), jnp.int32) for _ in range(2)],
            [pltpu.VMEM((K,), jnp.float32) for _ in range(2)],
            [pltpu.VMEM((K,), jnp.float32) for _ in range(2)],
            [pltpu.VMEM((2 * K,), jnp.int32) for _ in range(2)],
            [pltpu.VMEM((K,), jnp.int32) for _ in range(4)],
            [pltpu.VMEM((K,), jnp.int32) for _ in range(4)],
            [pltpu.VMEM((2 * K, 128), jnp.float32) for _ in range(2)],
            pltpu.VMEM((K, 128), jnp.float32),
            pltpu.VMEM((K, 128), jnp.float32),
            pltpu.VMEM_SHARED((NP, 128), jnp.float32),
            [pltpu.SemaphoreType.DMA for _ in range(2)],
            [pltpu.SemaphoreType.DMA for _ in range(2)],
            [pltpu.SemaphoreType.DMA for _ in range(2)],
        ],
    )
    def graph_lap(xt_hbm, w_hbm, ii_hbm, jj_hbm, out_hbm,
                  ii_v, jj_v, w_v, w2_v, gij_v, si_v, sj_v,
                  gAB, dA, dB, acc_sh, sem_g, sem_ix, sem_sc):
        cid = lax.axis_index("c")
        sid = lax.axis_index("s")
        zeros = jnp.zeros((L,), jnp.float32)
        off = cid * NP

        def load_idx_sync(k, s):
            base = (sid * n_chunks + k) * K
            pltpu.sync_copy(ii_hbm.at[pl.ds(base, K)], ii_v[s])
            pltpu.sync_copy(jj_hbm.at[pl.ds(base, K)], jj_v[s])
            pltpu.sync_copy(w_hbm.at[pl.ds(base, K)], w_v[s])

        def load_idx_async(k, s):
            base = (sid * n_chunks + k) * K
            pltpu.async_copy(ii_hbm.at[pl.ds(base, K)], ii_v[s], sem_ix[s])
            pltpu.async_copy(jj_hbm.at[pl.ds(base, K)], jj_v[s], sem_ix[s])
            pltpu.async_copy(w_hbm.at[pl.ds(base, K)], w_v[s], sem_ix[s])

        def wait_idx(s):
            pltpu.make_async_copy(ii_hbm.at[pl.ds(0, K)], ii_v[s], sem_ix[s]).wait()
            pltpu.make_async_copy(jj_hbm.at[pl.ds(0, K)], jj_v[s], sem_ix[s]).wait()
            pltpu.make_async_copy(w_hbm.at[pl.ds(0, K)], w_v[s], sem_ix[s]).wait()

        def prep(s, s4):
            @pl.loop(0, K // L)
            def _(t):
                sl = pl.ds(t * L, L)
                wv = w_v[s][sl]
                w2_v[s][sl] = wv * wv
                iv = ii_v[s][sl]
                jv = jj_v[s][sl]
                gij_v[s][sl] = iv + off
                gij_v[s][pl.ds(K + t * L, L)] = jv + off
                si_v[s4][sl] = iv
                sj_v[s4][sl] = jv

        def fire_gather(s):
            pltpu.async_copy(xt_hbm.at[gij_v[s]], gAB[s], sem_g[s])

        def wait_gather(s):
            pltpu.make_async_copy(xt_hbm.at[gij_v[s]], gAB[s], sem_g[s]).wait()

        def fire_scatter(s, s4):
            pltpu.async_copy(dA, acc_sh.at[si_v[s4]], sem_sc[s], add=True)
            pltpu.async_copy(dB, acc_sh.at[sj_v[s4]], sem_sc[s], add=True)

        def wait_scatter(s, s4):
            pltpu.make_async_copy(dA, acc_sh.at[si_v[s4]], sem_sc[s]).wait()
            pltpu.make_async_copy(dB, acc_sh.at[sj_v[s4]], sem_sc[s]).wait()

        def compute(s):
            w2r = w2_v[s]
            gr = gAB[s]
            NCH = 128 // L

            @pl.loop(0, K, step=2)
            def _(e0):
                e1 = e0 + 1
                w2b0 = plsc.load_gather(w2r, [jnp.zeros((L,), jnp.int32) + e0])
                w2b1 = plsc.load_gather(w2r, [jnp.zeros((L,), jnp.int32) + e1])

                def emit(e, w2b, c, a, b):
                    sl = pl.ds(c * L, L)
                    d = w2b * (a - b)
                    dA[e, sl] = d
                    dB[e, sl] = -d

                prev = None
                for c in range(NCH):
                    sl = pl.ds(c * L, L)
                    a0 = gr[e0, sl]
                    b0 = gr[K + e0, sl]
                    a1 = gr[e1, sl]
                    b1 = gr[K + e1, sl]
                    if prev is not None:
                        pc, pa0, pb0, pa1, pb1 = prev
                        emit(e0, w2b0, pc, pa0, pb0)
                        emit(e1, w2b1, pc, pa1, pb1)
                    prev = (c, a0, b0, a1, b1)
                pc, pa0, pb0, pa1, pb1 = prev
                emit(e0, w2b0, pc, pa0, pb0)
                emit(e1, w2b1, pc, pa1, pb1)

        @pl.loop(0, RZ)
        def _(r):
            for c in range(128 // L):
                dA[r, pl.ds(c * L, L)] = zeros

        rows_per_tile = NP // NS
        @pl.loop(0, rows_per_tile // RZ)
        def _(k):
            pltpu.sync_copy(
                dA.at[pl.ds(0, RZ)],
                acc_sh.at[pl.ds(sid * rows_per_tile + k * RZ, RZ)])

        load_idx_sync(0, 0)
        load_idx_sync(1, 1)
        prep(0, 0)
        fire_gather(0)
        plsc.subcore_barrier()

        @pl.loop(0, n_chunks // 4)
        def _(k4):
            for p in range(4):
                k = k4 * 4 + p
                p2 = p % 2
                q2 = 1 - p2

                wait_gather(p2)

                @pl.when(jnp.logical_and(k >= 1, k + 1 < n_chunks))
                def _():
                    wait_idx(q2)

                @pl.when(k + 1 < n_chunks)
                def _():
                    prep(q2, (p + 1) % 4)
                    fire_gather(q2)

                @pl.when(k + 2 < n_chunks)
                def _():
                    load_idx_async(k + 2, p2)

                @pl.when(k >= 1)
                def _():
                    wait_scatter(q2, (p + 3) % 4)

                compute(p2)
                fire_scatter(p2, p)

        wait_scatter((n_chunks - 1) % 2, (n_chunks - 1) % 4)
        plsc.subcore_barrier()

        @pl.loop(0, rows_per_tile // RZ)
        def _(k):
            r0 = sid * rows_per_tile + k * RZ
            pltpu.sync_copy(acc_sh.at[pl.ds(r0, RZ)], dA.at[pl.ds(0, RZ)])
            pltpu.sync_copy(dA.at[pl.ds(0, RZ)],
                            out_hbm.at[pl.ds(cid * NP + r0, RZ)])

    return graph_lap


def kernel(x, W, iInd, jInd):
    B, C, N = x.shape
    E = iInd.shape[0]
    CH = C // NC

    n_chunks = -(-E // (NS * K))
    n_chunks = -(-n_chunks // 4) * 4
    E_pad = NS * K * n_chunks
    pad = E_pad - E
    ii = jnp.concatenate([iInd.astype(jnp.int32), jnp.zeros((pad,), jnp.int32)])
    jj = jnp.concatenate([jInd.astype(jnp.int32), jnp.zeros((pad,), jnp.int32)])
    w = jnp.concatenate([W[0, 0].astype(jnp.float32), jnp.zeros((pad,), jnp.float32)])

    NP = -(-N // (NS * RZ)) * (NS * RZ)
    xt = x[0].T.reshape(N, NC, CH).transpose(1, 0, 2).reshape(NC * N, CH)
    xt = jnp.pad(xt.reshape(NC, N, CH), ((0, 0), (0, NP - N), (0, 0))).reshape(NC * NP, CH)

    out2 = _build(NP, CH, n_chunks)(xt, w, ii, jj)
    return out2.reshape(NC, NP, CH)[:, :N].transpose(0, 2, 1).reshape(1, C, N)

# --- scband reference (transcript-rebuilt; emitter-appended) ---
"""Pipeline reference for scband-graph-57672820850819 (READ-ONLY COPY).

The authoritative reference and input builder live on the scoring server;
editing this copy changes nothing except your own understanding.
"""

import jax, jax.numpy as jnp
import numpy as np

B, C, N, E = 1, 256, 10000, 160000

def setup_inputs(seed: int = 0) -> dict:
    key = jax.random.key(seed)
    k1, k2, k3, k4 = jax.random.split(key, 4)
    x = jax.random.normal(k1, (B, C, N), dtype=jnp.float32)
    W = jax.random.uniform(k2, (B, 1, E), dtype=jnp.float32)
    iInd = jax.random.randint(k3, (E,), 0, N)
    jInd = jax.random.randint(k4, (E,), 0, N)
    return {"x": x, "W": W, "iInd": iInd, "jInd": jInd}

def reference(x, W, iInd, jInd):
    # graph.nodeLap with explicit edge weights W (module's self.iD2 equivalent):
    # nodeGrad: g = W * (x[:, :, iInd] - x[:, :, jInd])
    g = W * (jnp.take(x, iInd, axis=2) - jnp.take(x, jInd, axis=2))
    # edgeDiv: scatter-add +/- (W * g) into node accumulator along node axis
    Wg = W[:, :g.shape[1], :] * g
    out = jnp.zeros((g.shape[0], g.shape[1], x.shape[2]), dtype=g.dtype)
    out = out.at[:, :, iInd].add(Wg)
    out = out.at[:, :, jInd].add(-Wg)
    return out

if __name__ == "__main__":
    import jax
    _d = setup_inputs()
    print(jax.jit(kernel)(*tuple(_d.values())))

</pallas_src>

<mosaic_0001>
#map = affine_map<(d0, d1) -> (0, 0)>
#map1 = affine_map<(d0, d1) -> (0)>
module attributes {stable_mosaic.version = 14 : i64} {
  func.func @graph_lap(%arg0: i32, %arg1: i32, %arg2: memref<20480x128xf32, #tpu.memory_space<hbm>>, %arg3: memref<162816xf32, #tpu.memory_space<hbm>>, %arg4: memref<162816xi32, #tpu.memory_space<hbm>>, %arg5: memref<162816xi32, #tpu.memory_space<hbm>>, %arg6: memref<20480x128xf32, #tpu.memory_space<hbm>>, %arg7: memref<48xi32, #tpu.memory_space<vmem>>, %arg8: memref<48xi32, #tpu.memory_space<vmem>>, %arg9: memref<48xi32, #tpu.memory_space<vmem>>, %arg10: memref<48xi32, #tpu.memory_space<vmem>>, %arg11: memref<48xf32, #tpu.memory_space<vmem>>, %arg12: memref<48xf32, #tpu.memory_space<vmem>>, %arg13: memref<48xf32, #tpu.memory_space<vmem>>, %arg14: memref<48xf32, #tpu.memory_space<vmem>>, %arg15: memref<96xi32, #tpu.memory_space<vmem>>, %arg16: memref<96xi32, #tpu.memory_space<vmem>>, %arg17: memref<48xi32, #tpu.memory_space<vmem>>, %arg18: memref<48xi32, #tpu.memory_space<vmem>>, %arg19: memref<48xi32, #tpu.memory_space<vmem>>, %arg20: memref<48xi32, #tpu.memory_space<vmem>>, %arg21: memref<48xi32, #tpu.memory_space<vmem>>, %arg22: memref<48xi32, #tpu.memory_space<vmem>>, %arg23: memref<48xi32, #tpu.memory_space<vmem>>, %arg24: memref<48xi32, #tpu.memory_space<vmem>>, %arg25: memref<96x128xf32, #tpu.memory_space<vmem>>, %arg26: memref<96x128xf32, #tpu.memory_space<vmem>>, %arg27: memref<48x128xf32, #tpu.memory_space<vmem>>, %arg28: memref<48x128xf32, #tpu.memory_space<vmem>>, %arg29: memref<10240x128xf32, #tpu.memory_space<vmem_shared>>, %arg30: memref<!tpu.dma_semaphore, #tpu.memory_space<semaphore_mem>>, %arg31: memref<!tpu.dma_semaphore, #tpu.memory_space<semaphore_mem>>, %arg32: memref<!tpu.dma_semaphore, #tpu.memory_space<semaphore_mem>>, %arg33: memref<!tpu.dma_semaphore, #tpu.memory_space<semaphore_mem>>, %arg34: memref<!tpu.dma_semaphore, #tpu.memory_space<semaphore_mem>>, %arg35: memref<!tpu.dma_semaphore, #tpu.memory_space<semaphore_mem>>) attributes {dimension_semantics = [#tpu.dimension_semantics<core_parallel>, #tpu.dimension_semantics<subcore_parallel>], iteration_bounds = array<i64: 2, 16>, scalar_prefetch = 0 : i64, scratch_operands = 29 : i64, tpu.core_type = #tpu.core_type<sc_vector_subcore>, window_params = [{transform_indices = #map}, {transform_indices = #map1}, {transform_indices = #map1}, {transform_indices = #map1}, {transform_indices = #map}]} {
    %broadcast_in_dim3A = arith.constant 0.000000e+00 : f32
    %broadcast_in_dim3A_0 = vector.broadcast %broadcast_in_dim3A : f32 to vector<16xf32>
    %mul3A = arith.constant 10240 : i32
    %mul3A_1 = arith.muli %arg0, %mul3A : i32
    %scan3A = arith.constant 0 : i32
    %scan3A_2 = arith.constant 40 : i32
    %scan3A_3 = arith.addi %scan3A, %scan3A_2 : i32
    %scan3A_4 = arith.constant 1 : i32
    scf.for %scan3A_45 = %scan3A to %scan3A_3 step %scan3A_4  : i32 {
      %mul3A_46 = arith.constant 1 : i32
      %mul3A_47 = arith.muli %scan3A_45, %mul3A_46 : i32
      %add3A_48 = arith.constant 0 : i32
      %add3A_49 = arith.addi %add3A_48, %mul3A_47 : i32
      %swap3A = arith.index_cast %add3A_49 : i32 to index
      %swap3A_50 = arith.constant 0 : index
      %swap3A_51 = tpu.vector_load %arg27[%swap3A, %swap3A_50] {strides = array<i32>} : memref<48x128xf32, #tpu.memory_space<vmem>>, vector<16xf32>,
      tpu.vector_store %arg27[%swap3A, %swap3A_50], %broadcast_in_dim3A_0 {strides = array<i32>} : memref<48x128xf32, #tpu.memory_space<vmem>>, vector<16xf32>,
      %swap3A_52 = arith.index_cast %add3A_49 : i32 to index
      %swap3A_53 = arith.constant 16 : index
      %swap3A_54 = tpu.vector_load %arg27[%swap3A_52, %swap3A_53] {strides = array<i32>} : memref<48x128xf32, #tpu.memory_space<vmem>>, vector<16xf32>,
      tpu.vector_store %arg27[%swap3A_52, %swap3A_53], %broadcast_in_dim3A_0 {strides = array<i32>} : memref<48x128xf32, #tpu.memory_space<vmem>>, vector<16xf32>,
      %swap3A_55 = arith.index_cast %add3A_49 : i32 to index
      %swap3A_56 = arith.constant 32 : index
      %swap3A_57 = tpu.vector_load %arg27[%swap3A_55, %swap3A_56] {strides = array<i32>} : memref<48x128xf32, #tpu.memory_space<vmem>>, vector<16xf32>,
      tpu.vector_store %arg27[%swap3A_55, %swap3A_56], %broadcast_in_dim3A_0 {strides = array<i32>} : memref<48x128xf32, #tpu.memory_space<vmem>>, vector<16xf32>,
      %swap3A_58 = arith.index_cast %add3A_49 : i32 to index
      %swap3A_59 = arith.constant 48 : index
      %swap3A_60 = tpu.vector_load %arg27[%swap3A_58, %swap3A_59] {strides = array<i32>} : memref<48x128xf32, #tpu.memory_space<vmem>>, vector<16xf32>,
      tpu.vector_store %arg27[%swap3A_58, %swap3A_59], %broadcast_in_dim3A_0 {strides = array<i32>} : memref<48x128xf32, #tpu.memory_space<vmem>>, vector<16xf32>,
      %swap3A_61 = arith.index_cast %add3A_49 : i32 to index
      %swap3A_62 = arith.constant 64 : index
      %swap3A_63 = tpu.vector_load %arg27[%swap3A_61, %swap3A_62] {strides = array<i32>} : memref<48x128xf32, #tpu.memory_space<vmem>>, vector<16xf32>,
      tpu.vector_store %arg27[%swap3A_61, %swap3A_62], %broadcast_in_dim3A_0 {strides = array<i32>} : memref<48x128xf32, #tpu.memory_space<vmem>>, vector<16xf32>,
      %swap3A_64 = arith.index_cast %add3A_49 : i32 to index
      %swap3A_65 = arith.constant 80 : index
      %swap3A_66 = tpu.vector_load %arg27[%swap3A_64, %swap3A_65] {strides = array<i32>} : memref<48x128xf32, #tpu.memory_space<vmem>>, vector<16xf32>,
      tpu.vector_store %arg27[%swap3A_64, %swap3A_65], %broadcast_in_dim3A_0 {strides = array<i32>} : memref<48x128xf32, #tpu.memory_space<vmem>>, vector<16xf32>,
      %swap3A_67 = arith.index_cast %add3A_49 : i32 to index
      %swap3A_68 = arith.constant 96 : index
      %swap3A_69 = tpu.vector_load %arg27[%swap3A_67, %swap3A_68] {strides = array<i32>} : memref<48x128xf32, #tpu.memory_space<vmem>>, vector<16xf32>,
      tpu.vector_store %arg27[%swap3A_67, %swap3A_68], %broadcast_in_dim3A_0 {strides = array<i32>} : memref<48x128xf32, #tpu.memory_space<vmem>>, vector<16xf32>,
      %swap3A_70 = arith.index_cast %add3A_49 : i32 to index
      %swap3A_71 = arith.constant 112 : index
      %swap3A_72 = tpu.vector_load %arg27[%swap3A_70, %swap3A_71] {strides = array<i32>} : memref<48x128xf32, #tpu.memory_space<vmem>>, vector<16xf32>,
      tpu.vector_store %arg27[%swap3A_70, %swap3A_71], %broadcast_in_dim3A_0 {strides = array<i32>} : memref<48x128xf32, #tpu.memory_space<vmem>>, vector<16xf32>,
    }
    %scan3A_5 = arith.constant 40 : i32
    %scan3A_6 = arith.constant 0 : i32
    %scan3A_7 = arith.constant 16 : i32
    %scan3A_8 = arith.addi %scan3A_6, %scan3A_7 : i32
    %scan3A_9 = arith.constant 1 : i32
    scf.for %scan3A_45 = %scan3A_6 to %scan3A_8 step %scan3A_9  : i32 {
      %mul3A_46 = arith.constant 1 : i32
      %mul3A_47 = arith.muli %scan3A_45, %mul3A_46 : i32
      %add3A_48 = arith.constant 0 : i32
      %add3A_49 = arith.addi %add3A_48, %mul3A_47 : i32
      %mul3A_50 = arith.constant 640 : i32
      %mul3A_51 = arith.muli %arg1, %mul3A_50 : i32
      %mul3A_52 = arith.constant 40 : i32
      %mul3A_53 = arith.muli %add3A_49, %mul3A_52 : i32
      %add3A_54 = arith.addi %mul3A_51, %mul3A_53 : i32
      "tpu.region"() ({
        %run_scoped3A = tpu.sem_alloc : memref<!tpu.dma_semaphore, #tpu.memory_space<semaphore_mem>>
        %dma_start3A_55 = arith.constant 0 : i32
        %dma_start3A_56 = arith.constant 0 : i32
        %dma_start3A_57 = tpu.memref_slice %arg27[%dma_start3A_55, %dma_start3A_56] : memref<48x128xf32, #tpu.memory_space<vmem>> -> memref<40x128xf32, #tpu.memory_space<vmem>>
        %dma_start3A_58 = arith.constant 0 : i32
        %dma_start3A_59 = tpu.memref_slice %arg29[%add3A_54, %dma_start3A_58] : memref<10240x128xf32, #tpu.memory_space<vmem_shared>> -> memref<40x128xf32, #tpu.memory_space<vmem_shared>>
        %dma_start3A_60 = arith.constant 0 : i32
        %dma_start3A_61 = tpu.memref_slice %arg29[%add3A_54, %dma_start3A_60] : memref<10240x128xf32, #tpu.memory_space<vmem_shared>> -> memref<40x128xf32, #tpu.memory_space<vmem_shared>>
        %dma_start3A_62 = arith.constant 0 : i32
        %dma_start3A_63 = arith.constant 0 : i32
        %dma_start3A_64 = tpu.memref_slice %arg27[%dma_start3A_62, %dma_start3A_63] : memref<48x128xf32, #tpu.memory_space<vmem>> -> memref<40x128xf32, #tpu.memory_space<vmem>>
        tpu.enqueue_dma source(%dma_start3A_64 : memref<40x128xf32, #tpu.memory_space<vmem>>) target(%dma_start3A_61 : memref<40x128xf32, #tpu.memory_space<vmem_shared>>) target_semaphore(%run_scoped3A : memref<!tpu.dma_semaphore, #tpu.memory_space<semaphore_mem>>)
        %dma_wait3A_65 = arith.constant 0 : i32
        %dma_wait3A_66 = arith.constant 0 : i32
        %dma_wait3A_67 = tpu.memref_slice %arg27[%dma_wait3A_65, %dma_wait3A_66] : memref<48x128xf32, #tpu.memory_space<vmem>> -> memref<40x128xf32, #tpu.memory_space<vmem>>
        %dma_wait3A_68 = arith.constant 0 : i32
        %dma_wait3A_69 = tpu.memref_slice %arg29[%add3A_54, %dma_wait3A_68] : memref<10240x128xf32, #tpu.memory_space<vmem_shared>> -> memref<40x128xf32, #tpu.memory_space<vmem_shared>>
        %dma_wait3A_70 = arith.constant 0 : i32
        %dma_wait3A_71 = tpu.memref_slice %arg29[%add3A_54, %dma_wait3A_70] : memref<10240x128xf32, #tpu.memory_space<vmem_shared>> -> memref<40x128xf32, #tpu.memory_space<vmem_shared>>
        %dma_wait3A_72 = arith.constant 0 : i32
        %dma_wait3A_73 = arith.constant 0 : i32
        %dma_wait3A_74 = tpu.memref_slice %arg27[%dma_wait3A_72, %dma_wait3A_73] : memref<48x128xf32, #tpu.memory_space<vmem>> -> memref<40x128xf32, #tpu.memory_space<vmem>>
        tpu.wait_dma2 semaphore(%run_scoped3A : memref<!tpu.dma_semaphore, #tpu.memory_space<semaphore_mem>>) src(%dma_wait3A_74 : memref<40x128xf32, #tpu.memory_space<vmem>>) dst(%dma_wait3A_71 : memref<40x128xf32, #tpu.memory_space<vmem_shared>>)
        tpu.yield
      }) : () -> ()
    }
    %scan3A_10 = arith.constant 16 : i32
    %mul3A_11 = arith.constant 212 : i32
    %mul3A_12 = arith.muli %arg1, %mul3A_11 : i32
    %add3A = arith.constant 0 : i32
    %add3A_13 = arith.addi %mul3A_12, %add3A : i32
    %mul3A_14 = arith.constant 48 : i32
    %mul3A_15 = arith.muli %add3A_13, %mul3A_14 : i32
    "tpu.region"() ({
      %run_scoped3A = tpu.sem_alloc : memref<!tpu.dma_semaphore, #tpu.memory_space<semaphore_mem>>
      %dma_start3A_45 = tpu.memref_slice %arg4[%mul3A_15] : memref<162816xi32, #tpu.memory_space<hbm>> -> memref<48xi32, #tpu.memory_space<hbm>>
      %dma_start3A_46 = tpu.memref_slice %arg4[%mul3A_15] : memref<162816xi32, #tpu.memory_space<hbm>> -> memref<48xi32, #tpu.memory_space<hbm>>
      tpu.enqueue_dma source(%dma_start3A_46 : memref<48xi32, #tpu.memory_space<hbm>>) target(%arg7 : memref<48xi32, #tpu.memory_space<vmem>>) target_semaphore(%run_scoped3A : memref<!tpu.dma_semaphore, #tpu.memory_space<semaphore_mem>>)
      %dma_wait3A_47 = tpu.memref_slice %arg4[%mul3A_15] : memref<162816xi32, #tpu.memory_space<hbm>> -> memref<48xi32, #tpu.memory_space<hbm>>
      %dma_wait3A_48 = tpu.memref_slice %arg4[%mul3A_15] : memref<162816xi32, #tpu.memory_space<hbm>> -> memref<48xi32, #tpu.memory_space<hbm>>
      tpu.wait_dma2 semaphore(%run_scoped3A : memref<!tpu.dma_semaphore, #tpu.memory_space<semaphore_mem>>) src(%dma_wait3A_48 : memref<48xi32, #tpu.memory_space<hbm>>) dst(%arg7 : memref<48xi32, #tpu.memory_space<vmem>>)
      tpu.yield
    }) : () -> ()
    "tpu.region"() ({
      %run_scoped3A = tpu.sem_alloc : memref<!tpu.dma_semaphore, #tpu.memory_space<semaphore_mem>>
      %dma_start3A_45 = tpu.memref_slice %arg5[%mul3A_15] : memref<162816xi32, #tpu.memory_space<hbm>> -> memref<48xi32, #tpu.memory_space<hbm>>
      %dma_start3A_46 = tpu.memref_slice %arg5[%mul3A_15] : memref<162816xi32, #tpu.memory_space<hbm>> -> memref<48xi32, #tpu.memory_space<hbm>>
      tpu.enqueue_dma source(%dma_start3A_46 : memref<48xi32, #tpu.memory_space<hbm>>) target(%arg9 : memref<48xi32, #tpu.memory_space<vmem>>) target_semaphore(%run_scoped3A : memref<!tpu.dma_semaphore, #tpu.memory_space<semaphore_mem>>)
      %dma_wait3A_47 = tpu.memref_slice %arg5[%mul3A_15] : memref<162816xi32, #tpu.memory_space<hbm>> -> memref<48xi32, #tpu.memory_space<hbm>>
      %dma_wait3A_48 = tpu.memref_slice %arg5[%mul3A_15] : memref<162816xi32, #tpu.memory_space<hbm>> -> memref<48xi32, #tpu.memory_space<hbm>>
      tpu.wait_dma2 semaphore(%run_scoped3A : memref<!tpu.dma_semaphore, #tpu.memory_space<semaphore_mem>>) src(%dma_wait3A_48 : memref<48xi32, #tpu.memory_space<hbm>>) dst(%arg9 : memref<48xi32, #tpu.memory_space<vmem>>)
      tpu.yield
    }) : () -> ()
    "tpu.region"() ({
      %run_scoped3A = tpu.sem_alloc : memref<!tpu.dma_semaphore, #tpu.memory_space<semaphore_mem>>
      %dma_start3A_45 = tpu.memref_slice %arg3[%mul3A_15] : memref<162816xf32, #tpu.memory_space<hbm>> -> memref<48xf32, #tpu.memory_space<hbm>>
      %dma_start3A_46 = tpu.memref_slice %arg3[%mul3A_15] : memref<162816xf32, #tpu.memory_space<hbm>> -> memref<48xf32, #tpu.memory_space<hbm>>
      tpu.enqueue_dma source(%dma_start3A_46 : memref<48xf32, #tpu.memory_space<hbm>>) target(%arg11 : memref<48xf32, #tpu.memory_space<vmem>>) target_semaphore(%run_scoped3A : memref<!tpu.dma_semaphore, #tpu.memory_space<semaphore_mem>>)
      %dma_wait3A_47 = tpu.memref_slice %arg3[%mul3A_15] : memref<162816xf32, #tpu.memory_space<hbm>> -> memref<48xf32, #tpu.memory_space<hbm>>
      %dma_wait3A_48 = tpu.memref_slice %arg3[%mul3A_15] : memref<162816xf32, #tpu.memory_space<hbm>> -> memref<48xf32, #tpu.memory_space<hbm>>
      tpu.wait_dma2 semaphore(%run_scoped3A : memref<!tpu.dma_semaphore, #tpu.memory_space<semaphore_mem>>) src(%dma_wait3A_48 : memref<48xf32, #tpu.memory_space<hbm>>) dst(%arg11 : memref<48xf32, #tpu.memory_space<vmem>>)
      tpu.yield
    }) : () -> ()
    %mul3A_16 = arith.constant 212 : i32
    %mul3A_17 = arith.muli %arg1, %mul3A_16 : i32
    %add3A_18 = arith.constant 1 : i32
    %add3A_19 = arith.addi %mul3A_17, %add3A_18 : i32
    %mul3A_20 = arith.constant 48 : i32
    %mul3A_21 = arith.muli %add3A_19, %mul3A_20 : i32
    "tpu.region"() ({
      %run_scoped3A = tpu.sem_alloc : memref<!tpu.dma_semaphore, #tpu.memory_space<semaphore_mem>>
      %dma_start3A_45 = tpu.memref_slice %arg4[%mul3A_21] : memref<162816xi32, #tpu.memory_space<hbm>> -> memref<48xi32, #tpu.memory_space<hbm>>
      %dma_start3A_46 = tpu.memref_slice %arg4[%mul3A_21] : memref<162816xi32, #tpu.memory_space<hbm>> -> memref<48xi32, #tpu.memory_space<hbm>>
      tpu.enqueue_dma source(%dma_start3A_46 : memref<48xi32, #tpu.memory_space<hbm>>) target(%arg8 : memref<48xi32, #tpu.memory_space<vmem>>) target_semaphore(%run_scoped3A : memref<!tpu.dma_semaphore, #tpu.memory_space<semaphore_mem>>)
      %dma_wait3A_47 = tpu.memref_slice %arg4[%mul3A_21] : memref<162816xi32, #tpu.memory_space<hbm>> -> memref<48xi32, #tpu.memory_space<hbm>>
      %dma_wait3A_48 = tpu.memref_slice %arg4[%mul3A_21] : memref<162816xi32, #tpu.memory_space<hbm>> -> memref<48xi32, #tpu.memory_space<hbm>>
      tpu.wait_dma2 semaphore(%run_scoped3A : memref<!tpu.dma_semaphore, #tpu.memory_space<semaphore_mem>>) src(%dma_wait3A_48 : memref<48xi32, #tpu.memory_space<hbm>>) dst(%arg8 : memref<48xi32, #tpu.memory_space<vmem>>)
      tpu.yield
    }) : () -> ()
    "tpu.region"() ({
      %run_scoped3A = tpu.sem_alloc : memref<!tpu.dma_semaphore, #tpu.memory_space<semaphore_mem>>
      %dma_start3A_45 = tpu.memref_slice %arg5[%mul3A_21] : memref<162816xi32, #tpu.memory_space<hbm>> -> memref<48xi32, #tpu.memory_space<hbm>>
      %dma_start3A_46 = tpu.memref_slice %arg5[%mul3A_21] : memref<162816xi32, #tpu.memory_space<hbm>> -> memref<48xi32, #tpu.memory_space<hbm>>
      tpu.enqueue_dma source(%dma_start3A_46 : memref<48xi32, #tpu.memory_space<hbm>>) target(%arg10 : memref<48xi32, #tpu.memory_space<vmem>>) target_semaphore(%run_scoped3A : memref<!tpu.dma_semaphore, #tpu.memory_space<semaphore_mem>>)
      %dma_wait3A_47 = tpu.memref_slice %arg5[%mul3A_21] : memref<162816xi32, #tpu.memory_space<hbm>> -> memref<48xi32, #tpu.memory_space<hbm>>
      %dma_wait3A_48 = tpu.memref_slice %arg5[%mul3A_21] : memref<162816xi32, #tpu.memory_space<hbm>> -> memref<48xi32, #tpu.memory_space<hbm>>
      tpu.wait_dma2 semaphore(%run_scoped3A : memref<!tpu.dma_semaphore, #tpu.memory_space<semaphore_mem>>) src(%dma_wait3A_48 : memref<48xi32, #tpu.memory_space<hbm>>) dst(%arg10 : memref<48xi32, #tpu.memory_space<vmem>>)
      tpu.yield
    }) : () -> ()
    "tpu.region"() ({
      %run_scoped3A = tpu.sem_alloc : memref<!tpu.dma_semaphore, #tpu.memory_space<semaphore_mem>>
      %dma_start3A_45 = tpu.memref_slice %arg3[%mul3A_21] : memref<162816xf32, #tpu.memory_space<hbm>> -> memref<48xf32, #tpu.memory_space<hbm>>
      %dma_start3A_46 = tpu.memref_slice %arg3[%mul3A_21] : memref<162816xf32, #tpu.memory_space<hbm>> -> memref<48xf32, #tpu.memory_space<hbm>>
      tpu.enqueue_dma source(%dma_start3A_46 : memref<48xf32, #tpu.memory_space<hbm>>) target(%arg12 : memref<48xf32, #tpu.memory_space<vmem>>) target_semaphore(%run_scoped3A : memref<!tpu.dma_semaphore, #tpu.memory_space<semaphore_mem>>)
      %dma_wait3A_47 = tpu.memref_slice %arg3[%mul3A_21] : memref<162816xf32, #tpu.memory_space<hbm>> -> memref<48xf32, #tpu.memory_space<hbm>>
      %dma_wait3A_48 = tpu.memref_slice %arg3[%mul3A_21] : memref<162816xf32, #tpu.memory_space<hbm>> -> memref<48xf32, #tpu.memory_space<hbm>>
      tpu.wait_dma2 semaphore(%run_scoped3A : memref<!tpu.dma_semaphore, #tpu.memory_space<semaphore_mem>>) src(%dma_wait3A_48 : memref<48xf32, #tpu.memory_space<hbm>>) dst(%arg12 : memref<48xf32, #tpu.memory_space<vmem>>)
      tpu.yield
    }) : () -> ()
    %scan3A_22 = arith.constant 0 : i32
    %scan3A_23 = arith.constant 3 : i32
    %scan3A_24 = arith.addi %scan3A_22, %scan3A_23 : i32
    %scan3A_25 = arith.constant 1 : i32
    scf.for %scan3A_45 = %scan3A_22 to %scan3A_24 step %scan3A_25  : i32 {
      %mul3A_46 = arith.constant 1 : i32
      %mul3A_47 = arith.muli %scan3A_45, %mul3A_46 : i32
      %add3A_48 = arith.constant 0 : i32
      %add3A_49 = arith.addi %add3A_48, %mul3A_47 : i32
      %mul3A_50 = arith.constant 16 : i32
      %mul3A_51 = arith.muli %add3A_49, %mul3A_50 : i32
      %get3A = arith.index_cast %mul3A_51 : i32 to index
      %get3A_52 = tpu.vector_load %arg11[%get3A] {strides = array<i32>} : memref<48xf32, #tpu.memory_space<vmem>>, vector<16xf32>,
      %mul3A_53 = arith.mulf %get3A_52, %get3A_52 : vector<16xf32>
      %swap3A = arith.index_cast %mul3A_51 : i32 to index
      %swap3A_54 = tpu.vector_load %arg13[%swap3A] {strides = array<i32>} : memref<48xf32, #tpu.memory_space<vmem>>, vector<16xf32>,
      tpu.vector_store %arg13[%swap3A], %mul3A_53 {strides = array<i32>} : memref<48xf32, #tpu.memory_space<vmem>>, vector<16xf32>,
      %get3A_55 = arith.index_cast %mul3A_51 : i32 to index
      %get3A_56 = tpu.vector_load %arg7[%get3A_55] {strides = array<i32>} : memref<48xi32, #tpu.memory_space<vmem>>, vector<16xi32>,
      %get3A_57 = arith.index_cast %mul3A_51 : i32 to index
      %get3A_58 = tpu.vector_load %arg9[%get3A_57] {strides = array<i32>} : memref<48xi32, #tpu.memory_space<vmem>>, vector<16xi32>,
      %add3A_59 = vector.broadcast %mul3A_1 : i32 to vector<16xi32>
      %add3A_60 = arith.addi %get3A_56, %add3A_59 : vector<16xi32>
      %swap3A_61 = arith.index_cast %mul3A_51 : i32 to index
      %swap3A_62 = tpu.vector_load %arg15[%swap3A_61] {strides = array<i32>} : memref<96xi32, #tpu.memory_space<vmem>>, vector<16xi32>,
      tpu.vector_store %arg15[%swap3A_61], %add3A_60 {strides = array<i32>} : memref<96xi32, #tpu.memory_space<vmem>>, vector<16xi32>,
      %add3A_63 = vector.broadcast %mul3A_1 : i32 to vector<16xi32>
      %add3A_64 = arith.addi %get3A_58, %add3A_63 : vector<16xi32>
      %mul3A_65 = arith.constant 16 : i32
      %mul3A_66 = arith.muli %add3A_49, %mul3A_65 : i32
      %add3A_67 = arith.constant 48 : i32
      %add3A_68 = arith.addi %add3A_67, %mul3A_66 : i32
      %swap3A_69 = arith.index_cast %add3A_68 : i32 to index
      %swap3A_70 = tpu.vector_load %arg15[%swap3A_69] {strides = array<i32>} : memref<96xi32, #tpu.memory_space<vmem>>, vector<16xi32>,
      tpu.vector_store %arg15[%swap3A_69], %add3A_64 {strides = array<i32>} : memref<96xi32, #tpu.memory_space<vmem>>, vector<16xi32>,
      %swap3A_71 = arith.index_cast %mul3A_51 : i32 to index
      %swap3A_72 = tpu.vector_load %arg17[%swap3A_71] {strides = array<i32>} : memref<48xi32, #tpu.memory_space<vmem>>, vector<16xi32>,
      tpu.vector_store %arg17[%swap3A_71], %get3A_56 {strides = array<i32>} : memref<48xi32, #tpu.memory_space<vmem>>, vector<16xi32>,
      %swap3A_73 = arith.index_cast %mul3A_51 : i32 to index
      %swap3A_74 = tpu.vector_load %arg21[%swap3A_73] {strides = array<i32>} : memref<48xi32, #tpu.memory_space<vmem>>, vector<16xi32>,
      tpu.vector_store %arg21[%swap3A_73], %get3A_58 {strides = array<i32>} : memref<48xi32, #tpu.memory_space<vmem>>, vector<16xi32>,
    }
    %scan3A_26 = arith.constant 3 : i32
    %dma_start3A = arith.constant 0 : i32
    %dma_start3A_27 = arith.constant 0 : i32
    %dma_start3A_28 = tpu.memref_slice %arg2[%dma_start3A, %dma_start3A_27] : memref<20480x128xf32, #tpu.memory_space<hbm>> -> memref<20480x128xf32, #tpu.memory_space<hbm>>
    tpu.enqueue_indirect_dma source(%dma_start3A_28 : memref<20480x128xf32, #tpu.memory_space<hbm>>) target(%arg25 : memref<96x128xf32, #tpu.memory_space<vmem>>) offsets(%arg15 : memref<96xi32, #tpu.memory_space<vmem>>) semaphore(%arg30 : memref<!tpu.dma_semaphore, #tpu.memory_space<semaphore_mem>>)
    %barrier3A = arith.constant 0 : index
    tpu.barrier barrier_id(%barrier3A)
    %scan3A_29 = arith.constant 0 : i32
    %scan3A_30 = arith.constant 53 : i32
    %scan3A_31 = arith.addi %scan3A_29, %scan3A_30 : i32
    %scan3A_32 = arith.constant 1 : i32
    scf.for %scan3A_45 = %scan3A_29 to %scan3A_31 step %scan3A_32  : i32 {
      %mul3A_46 = arith.constant 1 : i32
      %mul3A_47 = arith.muli %scan3A_45, %mul3A_46 : i32
      %add3A_48 = arith.constant 0 : i32
      %add3A_49 = arith.addi %add3A_48, %mul3A_47 : i32
      %mul3A_50 = arith.constant 4 : i32
      %mul3A_51 = arith.muli %add3A_49, %mul3A_50 : i32
      %add3A_52 = arith.constant 0 : i32
      %add3A_53 = arith.addi %mul3A_51, %add3A_52 : i32
      %dma_wait3A_54 = arith.constant 0 : i32
      %dma_wait3A_55 = arith.constant 0 : i32
      %dma_wait3A_56 = tpu.memref_slice %arg2[%dma_wait3A_54, %dma_wait3A_55] : memref<20480x128xf32, #tpu.memory_space<hbm>> -> memref<20480x128xf32, #tpu.memory_space<hbm>>
      tpu.wait_indirect_dma semaphore(%arg30 : memref<!tpu.dma_semaphore, #tpu.memory_space<semaphore_mem>>) src(%dma_wait3A_56 : memref<20480x128xf32, #tpu.memory_space<hbm>>) dst(%arg25 : memref<96x128xf32, #tpu.memory_space<vmem>>)
      %ge3A = arith.constant 1 : i32
      %ge3A_57 = arith.cmpi sge, %add3A_53, %ge3A : i32
      %add3A_58 = arith.constant 1 : i32
      %add3A_59 = arith.addi %add3A_53, %add3A_58 : i32
      %lt3A = arith.constant 212 : i32
      %lt3A_60 = arith.cmpi slt, %add3A_59, %lt3A : i32
      %and3A = arith.andi %ge3A_57, %lt3A_60 : i1
      %convert_element_type3A = arith.extui %and3A : i1 to i32
      %cond3A = arith.constant 0 : i32
      %cond3A_61 = arith.cmpi ne, %convert_element_type3A, %cond3A : i32
      scf.if %cond3A_61 {
        %dma_wait3A_233 = arith.constant 0 : i32
        %dma_wait3A_234 = tpu.memref_slice %arg4[%dma_wait3A_233] : memref<162816xi32, #tpu.memory_space<hbm>> -> memref<48xi32, #tpu.memory_space<hbm>>
        %dma_wait3A_235 = arith.constant 0 : i32
        %dma_wait3A_236 = tpu.memref_slice %arg4[%dma_wait3A_235] : memref<162816xi32, #tpu.memory_space<hbm>> -> memref<48xi32, #tpu.memory_space<hbm>>
        tpu.wait_dma2 semaphore(%arg33 : memref<!tpu.dma_semaphore, #tpu.memory_space<semaphore_mem>>) src(%dma_wait3A_236 : memref<48xi32, #tpu.memory_space<hbm>>) dst(%arg8 : memref<48xi32, #tpu.memory_space<vmem>>)
        %dma_wait3A_237 = arith.constant 0 : i32
        %dma_wait3A_238 = tpu.memref_slice %arg5[%dma_wait3A_237] : memref<162816xi32, #tpu.memory_space<hbm>> -> memref<48xi32, #tpu.memory_space<hbm>>
        %dma_wait3A_239 = arith.constant 0 : i32
        %dma_wait3A_240 = tpu.memref_slice %arg5[%dma_wait3A_239] : memref<162816xi32, #tpu.memory_space<hbm>> -> memref<48xi32, #tpu.memory_space<hbm>>
        tpu.wait_dma2 semaphore(%arg33 : memref<!tpu.dma_semaphore, #tpu.memory_space<semaphore_mem>>) src(%dma_wait3A_240 : memref<48xi32, #tpu.memory_space<hbm>>) dst(%arg10 : memref<48xi32, #tpu.memory_space<vmem>>)
        %dma_wait3A_241 = arith.constant 0 : i32
        %dma_wait3A_242 = tpu.memref_slice %arg3[%dma_wait3A_241] : memref<162816xf32, #tpu.memory_space<hbm>> -> memref<48xf32, #tpu.memory_space<hbm>>
        %dma_wait3A_243 = arith.constant 0 : i32
        %dma_wait3A_244 = tpu.memref_slice %arg3[%dma_wait3A_243] : memref<162816xf32, #tpu.memory_space<hbm>> -> memref<48xf32, #tpu.memory_space<hbm>>
        tpu.wait_dma2 semaphore(%arg33 : memref<!tpu.dma_semaphore, #tpu.memory_space<semaphore_mem>>) src(%dma_wait3A_244 : memref<48xf32, #tpu.memory_space<hbm>>) dst(%arg12 : memref<48xf32, #tpu.memory_space<vmem>>)
      } else {
      }
      %add3A_62 = arith.constant 1 : i32
      %add3A_63 = arith.addi %add3A_53, %add3A_62 : i32
      %lt3A_64 = arith.constant 212 : i32
      %lt3A_65 = arith.cmpi slt, %add3A_63, %lt3A_64 : i32
      %convert_element_type3A_66 = arith.extui %lt3A_65 : i1 to i32
      %cond3A_67 = arith.constant 0 : i32
      %cond3A_68 = arith.cmpi ne, %convert_element_type3A_66, %cond3A_67 : i32
      scf.if %cond3A_68 {
        %scan3A_233 = arith.constant 0 : i32
        %scan3A_234 = arith.constant 3 : i32
        %scan3A_235 = arith.addi %scan3A_233, %scan3A_234 : i32
        %scan3A_236 = arith.constant 1 : i32
        scf.for %scan3A_241 = %scan3A_233 to %scan3A_235 step %scan3A_236  : i32 {
          %mul3A_242 = arith.constant 1 : i32
          %mul3A_243 = arith.muli %scan3A_241, %mul3A_242 : i32
          %add3A_244 = arith.constant 0 : i32
          %add3A_245 = arith.addi %add3A_244, %mul3A_243 : i32
          %mul3A_246 = arith.constant 16 : i32
          %mul3A_247 = arith.muli %add3A_245, %mul3A_246 : i32
          %get3A = arith.index_cast %mul3A_247 : i32 to index
          %get3A_248 = tpu.vector_load %arg12[%get3A] {strides = array<i32>} : memref<48xf32, #tpu.memory_space<vmem>>, vector<16xf32>,
          %mul3A_249 = arith.mulf %get3A_248, %get3A_248 : vector<16xf32>
          %swap3A = arith.index_cast %mul3A_247 : i32 to index
          %swap3A_250 = tpu.vector_load %arg14[%swap3A] {strides = array<i32>} : memref<48xf32, #tpu.memory_space<vmem>>, vector<16xf32>,
          tpu.vector_store %arg14[%swap3A], %mul3A_249 {strides = array<i32>} : memref<48xf32, #tpu.memory_space<vmem>>, vector<16xf32>,
          %get3A_251 = arith.index_cast %mul3A_247 : i32 to index
          %get3A_252 = tpu.vector_load %arg8[%get3A_251] {strides = array<i32>} : memref<48xi32, #tpu.memory_space<vmem>>, vector<16xi32>,
          %get3A_253 = arith.index_cast %mul3A_247 : i32 to index
          %get3A_254 = tpu.vector_load %arg10[%get3A_253] {strides = array<i32>} : memref<48xi32, #tpu.memory_space<vmem>>, vector<16xi32>,
          %add3A_255 = vector.broadcast %mul3A_1 : i32 to vector<16xi32>
          %add3A_256 = arith.addi %get3A_252, %add3A_255 : vector<16xi32>
          %swap3A_257 = arith.index_cast %mul3A_247 : i32 to index
          %swap3A_258 = tpu.vector_load %arg16[%swap3A_257] {strides = array<i32>} : memref<96xi32, #tpu.memory_space<vmem>>, vector<16xi32>,
          tpu.vector_store %arg16[%swap3A_257], %add3A_256 {strides = array<i32>} : memref<96xi32, #tpu.memory_space<vmem>>, vector<16xi32>,
          %add3A_259 = vector.broadcast %mul3A_1 : i32 to vector<16xi32>
          %add3A_260 = arith.addi %get3A_254, %add3A_259 : vector<16xi32>
          %mul3A_261 = arith.constant 16 : i32
          %mul3A_262 = arith.muli %add3A_245, %mul3A_261 : i32
          %add3A_263 = arith.constant 48 : i32
          %add3A_264 = arith.addi %add3A_263, %mul3A_262 : i32
          %swap3A_265 = arith.index_cast %add3A_264 : i32 to index
          %swap3A_266 = tpu.vector_load %arg16[%swap3A_265] {strides = array<i32>} : memref<96xi32, #tpu.memory_space<vmem>>, vector<16xi32>,
          tpu.vector_store %arg16[%swap3A_265], %add3A_260 {strides = array<i32>} : memref<96xi32, #tpu.memory_space<vmem>>, vector<16xi32>,
          %swap3A_267 = arith.index_cast %mul3A_247 : i32 to index
          %swap3A_268 = tpu.vector_load %arg18[%swap3A_267] {strides = array<i32>} : memref<48xi32, #tpu.memory_space<vmem>>, vector<16xi32>,
          tpu.vector_store %arg18[%swap3A_267], %get3A_252 {strides = array<i32>} : memref<48xi32, #tpu.memory_space<vmem>>, vector<16xi32>,
          %swap3A_269 = arith.index_cast %mul3A_247 : i32 to index
          %swap3A_270 = tpu.vector_load %arg22[%swap3A_269] {strides = array<i32>} : memref<48xi32, #tpu.memory_space<vmem>>, vector<16xi32>,
          tpu.vector_store %arg22[%swap3A_269], %get3A_254 {strides = array<i32>} : memref<48xi32, #tpu.memory_space<vmem>>, vector<16xi32>,
        }
        %scan3A_237 = arith.constant 3 : i32
        %dma_start3A_238 = arith.constant 0 : i32
        %dma_start3A_239 = arith.constant 0 : i32
        %dma_start3A_240 = tpu.memref_slice %arg2[%dma_start3A_238, %dma_start3A_239] : memref<20480x128xf32, #tpu.memory_space<hbm>> -> memref<20480x128xf32, #tpu.memory_space<hbm>>
        tpu.enqueue_indirect_dma source(%dma_start3A_240 : memref<20480x128xf32, #tpu.memory_space<hbm>>) target(%arg26 : memref<96x128xf32, #tpu.memory_space<vmem>>) offsets(%arg16 : memref<96xi32, #tpu.memory_space<vmem>>) semaphore(%arg31 : memref<!tpu.dma_semaphore, #tpu.memory_space<semaphore_mem>>)
      } else {
      }
      %add3A_69 = arith.constant 2 : i32
      %add3A_70 = arith.addi %add3A_53, %add3A_69 : i32
      %lt3A_71 = arith.constant 212 : i32
      %lt3A_72 = arith.cmpi slt, %add3A_70, %lt3A_71 : i32
      %convert_element_type3A_73 = arith.extui %lt3A_72 : i1 to i32
      %cond3A_74 = arith.constant 0 : i32
      %cond3A_75 = arith.cmpi ne, %convert_element_type3A_73, %cond3A_74 : i32
      scf.if %cond3A_75 {
        %add3A_233 = arith.constant 2 : i32
        %add3A_234 = arith.addi %add3A_53, %add3A_233 : i32
        %mul3A_235 = arith.constant 212 : i32
        %mul3A_236 = arith.muli %arg1, %mul3A_235 : i32
        %add3A_237 = arith.addi %mul3A_236, %add3A_234 : i32
        %mul3A_238 = arith.constant 48 : i32
        %mul3A_239 = arith.muli %add3A_237, %mul3A_238 : i32
        %dma_start3A_240 = tpu.memref_slice %arg4[%mul3A_239] : memref<162816xi32, #tpu.memory_space<hbm>> -> memref<48xi32, #tpu.memory_space<hbm>>
        %dma_start3A_241 = tpu.memref_slice %arg4[%mul3A_239] : memref<162816xi32, #tpu.memory_space<hbm>> -> memref<48xi32, #tpu.memory_space<hbm>>
        tpu.enqueue_dma source(%dma_start3A_241 : memref<48xi32, #tpu.memory_space<hbm>>) target(%arg7 : memref<48xi32, #tpu.memory_space<vmem>>) target_semaphore(%arg32 : memref<!tpu.dma_semaphore, #tpu.memory_space<semaphore_mem>>)
        %dma_start3A_242 = tpu.memref_slice %arg5[%mul3A_239] : memref<162816xi32, #tpu.memory_space<hbm>> -> memref<48xi32, #tpu.memory_space<hbm>>
        %dma_start3A_243 = tpu.memref_slice %arg5[%mul3A_239] : memref<162816xi32, #tpu.memory_space<hbm>> -> memref<48xi32, #tpu.memory_space<hbm>>
        tpu.enqueue_dma source(%dma_start3A_243 : memref<48xi32, #tpu.memory_space<hbm>>) target(%arg9 : memref<48xi32, #tpu.memory_space<vmem>>) target_semaphore(%arg32 : memref<!tpu.dma_semaphore, #tpu.memory_space<semaphore_mem>>)
        %dma_start3A_244 = tpu.memref_slice %arg3[%mul3A_239] : memref<162816xf32, #tpu.memory_space<hbm>> -> memref<48xf32, #tpu.memory_space<hbm>>
        %dma_start3A_245 = tpu.memref_slice %arg3[%mul3A_239] : memref<162816xf32, #tpu.memory_space<hbm>> -> memref<48xf32, #tpu.memory_space<hbm>>
        tpu.enqueue_dma source(%dma_start3A_245 : memref<48xf32, #tpu.memory_space<hbm>>) target(%arg11 : memref<48xf32, #tpu.memory_space<vmem>>) target_semaphore(%arg32 : memref<!tpu.dma_semaphore, #tpu.memory_space<semaphore_mem>>)
      } else {
      }
      %ge3A_76 = arith.constant 1 : i32
      %ge3A_77 = arith.cmpi sge, %add3A_53, %ge3A_76 : i32
      %convert_element_type3A_78 = arith.extui %ge3A_77 : i1 to i32
      %cond3A_79 = arith.constant 0 : i32
      %cond3A_80 = arith.cmpi ne, %convert_element_type3A_78, %cond3A_79 : i32
      scf.if %cond3A_80 {
        %dma_wait3A_233 = arith.constant 0 : i32
        %dma_wait3A_234 = arith.constant 0 : i32
        %dma_wait3A_235 = tpu.memref_slice %arg29[%dma_wait3A_233, %dma_wait3A_234] : memref<10240x128xf32, #tpu.memory_space<vmem_shared>> -> memref<10240x128xf32, #tpu.memory_space<vmem_shared>>
        tpu.wait_indirect_dma semaphore(%arg35 : memref<!tpu.dma_semaphore, #tpu.memory_space<semaphore_mem>>) src(%arg27 : memref<48x128xf32, #tpu.memory_space<vmem>>) dst(%dma_wait3A_235 : memref<10240x128xf32, #tpu.memory_space<vmem_shared>>)
        %dma_wait3A_236 = arith.constant 0 : i32
        %dma_wait3A_237 = arith.constant 0 : i32
        %dma_wait3A_238 = tpu.memref_slice %arg29[%dma_wait3A_236, %dma_wait3A_237] : memref<10240x128xf32, #tpu.memory_space<vmem_shared>> -> memref<10240x128xf32, #tpu.memory_space<vmem_shared>>
        tpu.wait_indirect_dma semaphore(%arg35 : memref<!tpu.dma_semaphore, #tpu.memory_space<semaphore_mem>>) src(%arg28 : memref<48x128xf32, #tpu.memory_space<vmem>>) dst(%dma_wait3A_238 : memref<10240x128xf32, #tpu.memory_space<vmem_shared>>)
      } else {
      }
      %scan3A_81 = arith.constant 0 : i32
      %scan3A_82 = arith.constant 24 : i32
      %scan3A_83 = arith.addi %scan3A_81, %scan3A_82 : i32
      %scan3A_84 = arith.constant 1 : i32
      scf.for %scan3A_233 = %scan3A_81 to %scan3A_83 step %scan3A_84  : i32 {
        %mul3A_234 = arith.constant 2 : i32
        %mul3A_235 = arith.muli %scan3A_233, %mul3A_234 : i32
        %add3A_236 = arith.constant 0 : i32
        %add3A_237 = arith.addi %add3A_236, %mul3A_235 : i32
        %add3A_238 = arith.constant 1 : i32
        %add3A_239 = arith.addi %add3A_237, %add3A_238 : i32
        %broadcast_in_dim3A_240 = arith.constant 0 : i32
        %broadcast_in_dim3A_241 = vector.broadcast %broadcast_in_dim3A_240 : i32 to vector<16xi32>
        %add3A_242 = vector.broadcast %add3A_237 : i32 to vector<16xi32>
        %add3A_243 = arith.addi %broadcast_in_dim3A_241, %add3A_242 : vector<16xi32>
        %gather3A = tpu.vector_load_idx %arg13[%add3A_243] : memref<48xf32, #tpu.memory_space<vmem>>[vector<16xi32>], vector<16xf32>,
        %broadcast_in_dim3A_244 = arith.constant 0 : i32
        %broadcast_in_dim3A_245 = vector.broadcast %broadcast_in_dim3A_244 : i32 to vector<16xi32>
        %add3A_246 = vector.broadcast %add3A_239 : i32 to vector<16xi32>
        %add3A_247 = arith.addi %broadcast_in_dim3A_245, %add3A_246 : vector<16xi32>
        %gather3A_248 = tpu.vector_load_idx %arg13[%add3A_247] : memref<48xf32, #tpu.memory_space<vmem>>[vector<16xi32>], vector<16xf32>,
        %get3A = arith.index_cast %add3A_237 : i32 to index
        %get3A_249 = arith.constant 0 : index
        %get3A_250 = tpu.vector_load %arg25[%get3A, %get3A_249] {strides = array<i32>} : memref<96x128xf32, #tpu.memory_space<vmem>>, vector<16xf32>,
        %add3A_251 = arith.constant 48 : i32
        %add3A_252 = arith.addi %add3A_251, %add3A_237 : i32
        %get3A_253 = arith.index_cast %add3A_252 : i32 to index
        %get3A_254 = arith.constant 0 : index
        %get3A_255 = tpu.vector_load %arg25[%get3A_253, %get3A_254] {strides = array<i32>} : memref<96x128xf32, #tpu.memory_space<vmem>>, vector<16xf32>,
        %get3A_256 = arith.index_cast %add3A_239 : i32 to index
        %get3A_257 = arith.constant 0 : index
        %get3A_258 = tpu.vector_load %arg25[%get3A_256, %get3A_257] {strides = array<i32>} : memref<96x128xf32, #tpu.memory_space<vmem>>, vector<16xf32>,
        %add3A_259 = arith.constant 48 : i32
        %add3A_260 = arith.addi %add3A_259, %add3A_239 : i32
        %get3A_261 = arith.index_cast %add3A_260 : i32 to index
        %get3A_262 = arith.constant 0 : index
        %get3A_263 = tpu.vector_load %arg25[%get3A_261, %get3A_262] {strides = array<i32>} : memref<96x128xf32, #tpu.memory_space<vmem>>, vector<16xf32>,
        %get3A_264 = arith.index_cast %add3A_237 : i32 to index
        %get3A_265 = arith.constant 16 : index
        %get3A_266 = tpu.vector_load %arg25[%get3A_264, %get3A_265] {strides = array<i32>} : memref<96x128xf32, #tpu.memory_space<vmem>>, vector<16xf32>,
        %add3A_267 = arith.constant 48 : i32
        %add3A_268 = arith.addi %add3A_267, %add3A_237 : i32
        %get3A_269 = arith.index_cast %add3A_268 : i32 to index
        %get3A_270 = arith.constant 16 : index
        %get3A_271 = tpu.vector_load %arg25[%get3A_269, %get3A_270] {strides = array<i32>} : memref<96x128xf32, #tpu.memory_space<vmem>>, vector<16xf32>,
        %get3A_272 = arith.index_cast %add3A_239 : i32 to index
        %get3A_273 = arith.constant 16 : index
        %get3A_274 = tpu.vector_load %arg25[%get3A_272, %get3A_273] {strides = array<i32>} : memref<96x128xf32, #tpu.memory_space<vmem>>, vector<16xf32>,
        %add3A_275 = arith.constant 48 : i32
        %add3A_276 = arith.addi %add3A_275, %add3A_239 : i32
        %get3A_277 = arith.index_cast %add3A_276 : i32 to index
        %get3A_278 = arith.constant 16 : index
        %get3A_279 = tpu.vector_load %arg25[%get3A_277, %get3A_278] {strides = array<i32>} : memref<96x128xf32, #tpu.memory_space<vmem>>, vector<16xf32>,
        %sub3A = arith.subf %get3A_250, %get3A_255 : vector<16xf32>
        %mul3A_280 = arith.mulf %gather3A, %sub3A : vector<16xf32>
        %swap3A = arith.index_cast %add3A_237 : i32 to index
        %swap3A_281 = arith.constant 0 : index
        %swap3A_282 = tpu.vector_load %arg27[%swap3A, %swap3A_281] {strides = array<i32>} : memref<48x128xf32, #tpu.memory_space<vmem>>, vector<16xf32>,
        tpu.vector_store %arg27[%swap3A, %swap3A_281], %mul3A_280 {strides = array<i32>} : memref<48x128xf32, #tpu.memory_space<vmem>>, vector<16xf32>,
        %neg3A = arith.constant 0.000000e+00 : f32
        %neg3A_283 = vector.broadcast %neg3A : f32 to vector<16xf32>
        %neg3A_284 = arith.subf %neg3A_283, %mul3A_280 : vector<16xf32>
        %swap3A_285 = arith.index_cast %add3A_237 : i32 to index
        %swap3A_286 = arith.constant 0 : index
        %swap3A_287 = tpu.vector_load %arg28[%swap3A_285, %swap3A_286] {strides = array<i32>} : memref<48x128xf32, #tpu.memory_space<vmem>>, vector<16xf32>,
        tpu.vector_store %arg28[%swap3A_285, %swap3A_286], %neg3A_284 {strides = array<i32>} : memref<48x128xf32, #tpu.memory_space<vmem>>, vector<16xf32>,
        %sub3A_288 = arith.subf %get3A_258, %get3A_263 : vector<16xf32>
        %mul3A_289 = arith.mulf %gather3A_248, %sub3A_288 : vector<16xf32>
        %swap3A_290 = arith.index_cast %add3A_239 : i32 to index
        %swap3A_291 = arith.constant 0 : index
        %swap3A_292 = tpu.vector_load %arg27[%swap3A_290, %swap3A_291] {strides = array<i32>} : memref<48x128xf32, #tpu.memory_space<vmem>>, vector<16xf32>,
        tpu.vector_store %arg27[%swap3A_290, %swap3A_291], %mul3A_289 {strides = array<i32>} : memref<48x128xf32, #tpu.memory_space<vmem>>, vector<16xf32>,
        %neg3A_293 = arith.constant 0.000000e+00 : f32
        %neg3A_294 = vector.broadcast %neg3A_293 : f32 to vector<16xf32>
        %neg3A_295 = arith.subf %neg3A_294, %mul3A_289 : vector<16xf32>
        %swap3A_296 = arith.index_cast %add3A_239 : i32 to index
        %swap3A_297 = arith.constant 0 : index
        %swap3A_298 = tpu.vector_load %arg28[%swap3A_296, %swap3A_297] {strides = array<i32>} : memref<48x128xf32, #tpu.memory_space<vmem>>, vector<16xf32>,
        tpu.vector_store %arg28[%swap3A_296, %swap3A_297], %neg3A_295 {strides = array<i32>} : memref<48x128xf32, #tpu.memory_space<vmem>>, vector<16xf32>,
        %get3A_299 = arith.index_cast %add3A_237 : i32 to index
        %get3A_300 = arith.constant 32 : index
        %get3A_301 = tpu.vector_load %arg25[%get3A_299, %get3A_300] {strides = array<i32>} : memref<96x128xf32, #tpu.memory_space<vmem>>, vector<16xf32>,
        %add3A_302 = arith.constant 48 : i32
        %add3A_303 = arith.addi %add3A_302, %add3A_237 : i32
        %get3A_304 = arith.index_cast %add3A_303 : i32 to index
        %get3A_305 = arith.constant 32 : index
        %get3A_306 = tpu.vector_load %arg25[%get3A_304, %get3A_305] {strides = array<i32>} : memref<96x128xf32, #tpu.memory_space<vmem>>, vector<16xf32>,
        %get3A_307 = arith.index_cast %add3A_239 : i32 to index
        %get3A_308 = arith.constant 32 : index
        %get3A_309 = tpu.vector_load %arg25[%get3A_307, %get3A_308] {strides = array<i32>} : memref<96x128xf32, #tpu.memory_space<vmem>>, vector<16xf32>,
        %add3A_310 = arith.constant 48 : i32
        %add3A_311 = arith.addi %add3A_310, %add3A_239 : i32
        %get3A_312 = arith.index_cast %add3A_311 : i32 to index
        %get3A_313 = arith.constant 32 : index
        %get3A_314 = tpu.vector_load %arg25[%get3A_312, %get3A_313] {strides = array<i32>} : memref<96x128xf32, #tpu.memory_space<vmem>>, vector<16xf32>,
        %sub3A_315 = arith.subf %get3A_266, %get3A_271 : vector<16xf32>
        %mul3A_316 = arith.mulf %gather3A, %sub3A_315 : vector<16xf32>
        %swap3A_317 = arith.index_cast %add3A_237 : i32 to index
        %swap3A_318 = arith.constant 16 : index
        %swap3A_319 = tpu.vector_load %arg27[%swap3A_317, %swap3A_318] {strides = array<i32>} : memref<48x128xf32, #tpu.memory_space<vmem>>, vector<16xf32>,
        tpu.vector_store %arg27[%swap3A_317, %swap3A_318], %mul3A_316 {strides = array<i32>} : memref<48x128xf32, #tpu.memory_space<vmem>>, vector<16xf32>,
        %neg3A_320 = arith.constant 0.000000e+00 : f32
        %neg3A_321 = vector.broadcast %neg3A_320 : f32 to vector<16xf32>
        %neg3A_322 = arith.subf %neg3A_321, %mul3A_316 : vector<16xf32>
        %swap3A_323 = arith.index_cast %add3A_237 : i32 to index
        %swap3A_324 = arith.constant 16 : index
        %swap3A_325 = tpu.vector_load %arg28[%swap3A_323, %swap3A_324] {strides = array<i32>} : memref<48x128xf32, #tpu.memory_space<vmem>>, vector<16xf32>,
        tpu.vector_store %arg28[%swap3A_323, %swap3A_324], %neg3A_322 {strides = array<i32>} : memref<48x128xf32, #tpu.memory_space<vmem>>, vector<16xf32>,
        %sub3A_326 = arith.subf %get3A_274, %get3A_279 : vector<16xf32>
        %mul3A_327 = arith.mulf %gather3A_248, %sub3A_326 : vector<16xf32>
        %swap3A_328 = arith.index_cast %add3A_239 : i32 to index
        %swap3A_329 = arith.constant 16 : index
        %swap3A_330 = tpu.vector_load %arg27[%swap3A_328, %swap3A_329] {strides = array<i32>} : memref<48x128xf32, #tpu.memory_space<vmem>>, vector<16xf32>,
        tpu.vector_store %arg27[%swap3A_328, %swap3A_329], %mul3A_327 {strides = array<i32>} : memref<48x128xf32, #tpu.memory_space<vmem>>, vector<16xf32>,
        %neg3A_331 = arith.constant 0.000000e+00 : f32
        %neg3A_332 = vector.broadcast %neg3A_331 : f32 to vector<16xf32>
        %neg3A_333 = arith.subf %neg3A_332, %mul3A_327 : vector<16xf32>
        %swap3A_334 = arith.index_cast %add3A_239 : i32 to index
        %swap3A_335 = arith.constant 16 : index
        %swap3A_336 = tpu.vector_load %arg28[%swap3A_334, %swap3A_335] {strides = array<i32>} : memref<48x128xf32, #tpu.memory_space<vmem>>, vector<16xf32>,
        tpu.vector_store %arg28[%swap3A_334, %swap3A_335], %neg3A_333 {strides = array<i32>} : memref<48x128xf32, #tpu.memory_space<vmem>>, vector<16xf32>,
        %get3A_337 = arith.index_cast %add3A_237 : i32 to index
        %get3A_338 = arith.constant 48 : index
        %get3A_339 = tpu.vector_load %arg25[%get3A_337, %get3A_338] {strides = array<i32>} : memref<96x128xf32, #tpu.memory_space<vmem>>, vector<16xf32>,
        %add3A_340 = arith.constant 48 : i32
        %add3A_341 = arith.addi %add3A_340, %add3A_237 : i32
        %get3A_342 = arith.index_cast %add3A_341 : i32 to index
        %get3A_343 = arith.constant 48 : index
        %get3A_344 = tpu.vector_load %arg25[%get3A_342, %get3A_343] {strides = array<i32>} : memref<96x128xf32, #tpu.memory_space<vmem>>, vector<16xf32>,
        %get3A_345 = arith.index_cast %add3A_239 : i32 to index
        %get3A_346 = arith.constant 48 : index
        %get3A_347 = tpu.vector_load %arg25[%get3A_345, %get3A_346] {strides = array<i32>} : memref<96x128xf32, #tpu.memory_space<vmem>>, vector<16xf32>,
        %add3A_348 = arith.constant 48 : i32
        %add3A_349 = arith.addi %add3A_348, %add3A_239 : i32
        %get3A_350 = arith.index_cast %add3A_349 : i32 to index
        %get3A_351 = arith.constant 48 : index
        %get3A_352 = tpu.vector_load %arg25[%get3A_350, %get3A_351] {strides = array<i32>} : memref<96x128xf32, #tpu.memory_space<vmem>>, vector<16xf32>,
        %sub3A_353 = arith.subf %get3A_301, %get3A_306 : vector<16xf32>
        %mul3A_354 = arith.mulf %gather3A, %sub3A_353 : vector<16xf32>
        %swap3A_355 = arith.index_cast %add3A_237 : i32 to index
        %swap3A_356 = arith.constant 32 : index
        %swap3A_357 = tpu.vector_load %arg27[%swap3A_355, %swap3A_356] {strides = array<i32>} : memref<48x128xf32, #tpu.memory_space<vmem>>, vector<16xf32>,
        tpu.vector_store %arg27[%swap3A_355, %swap3A_356], %mul3A_354 {strides = array<i32>} : memref<48x128xf32, #tpu.memory_space<vmem>>, vector<16xf32>,
        %neg3A_358 = arith.constant 0.000000e+00 : f32
        %neg3A_359 = vector.broadcast %neg3A_358 : f32 to vector<16xf32>
        %neg3A_360 = arith.subf %neg3A_359, %mul3A_354 : vector<16xf32>
        %swap3A_361 = arith.index_cast %add3A_237 : i32 to index
        %swap3A_362 = arith.constant 32 : index
        %swap3A_363 = tpu.vector_load %arg28[%swap3A_361, %swap3A_362] {strides = array<i32>} : memref<48x128xf32, #tpu.memory_space<vmem>>, vector<16xf32>,
        tpu.vector_store %arg28[%swap3A_361, %swap3A_362], %neg3A_360 {strides = array<i32>} : memref<48x128xf32, #tpu.memory_space<vmem>>, vector<16xf32>,
        %sub3A_364 = arith.subf %get3A_309, %get3A_314 : vector<16xf32>
        %mul3A_365 = arith.mulf %gather3A_248, %sub3A_364 : vector<16xf32>
        %swap3A_366 = arith.index_cast %add3A_239 : i32 to index
        %swap3A_367 = arith.constant 32 : index
        %swap3A_368 = tpu.vector_load %arg27[%swap3A_366, %swap3A_367] {strides = array<i32>} : memref<48x128xf32, #tpu.memory_space<vmem>>, vector<16xf32>,
        tpu.vector_store %arg27[%swap3A_366, %swap3A_367], %mul3A_365 {strides = array<i32>} : memref<48x128xf32, #tpu.memory_space<vmem>>, vector<16xf32>,
        %neg3A_369 = arith.constant 0.000000e+00 : f32
        %neg3A_370 = vector.broadcast %neg3A_369 : f32 to vector<16xf32>
        %neg3A_371 = arith.subf %neg3A_370, %mul3A_365 : vector<16xf32>
        %swap3A_372 = arith.index_cast %add3A_239 : i32 to index
        %swap3A_373 = arith.constant 32 : index
        %swap3A_374 = tpu.vector_load %arg28[%swap3A_372, %swap3A_373] {strides = array<i32>} : memref<48x128xf32, #tpu.memory_space<vmem>>, vector<16xf32>,
        tpu.vector_store %arg28[%swap3A_372, %swap3A_373], %neg3A_371 {strides = array<i32>} : memref<48x128xf32, #tpu.memory_space<vmem>>, vector<16xf32>,
        %get3A_375 = arith.index_cast %add3A_237 : i32 to index
        %get3A_376 = arith.constant 64 : index
        %get3A_377 = tpu.vector_load %arg25[%get3A_375, %get3A_376] {strides = array<i32>} : memref<96x128xf32, #tpu.memory_space<vmem>>, vector<16xf32>,
        %add3A_378 = arith.constant 48 : i32
        %add3A_379 = arith.addi %add3A_378, %add3A_237 : i32
        %get3A_380 = arith.index_cast %add3A_379 : i32 to index
        %get3A_381 = arith.constant 64 : index
        %get3A_382 = tpu.vector_load %arg25[%get3A_380, %get3A_381] {strides = array<i32>} : memref<96x128xf32, #tpu.memory_space<vmem>>, vector<16xf32>,
        %get3A_383 = arith.index_cast %add3A_239 : i32 to index
        %get3A_384 = arith.constant 64 : index
        %get3A_385 = tpu.vector_load %arg25[%get3A_383, %get3A_384] {strides = array<i32>} : memref<96x128xf32, #tpu.memory_space<vmem>>, vector<16xf32>,
        %add3A_386 = arith.constant 48 : i32
        %add3A_387 = arith.addi %add3A_386, %add3A_239 : i32
        %get3A_388 = arith.index_cast %add3A_387 : i32 to index
        %get3A_389 = arith.constant 64 : index
        %get3A_390 = tpu.vector_load %arg25[%get3A_388, %get3A_389] {strides = array<i32>} : memref<96x128xf32, #tpu.memory_space<vmem>>, vector<16xf32>,
        %sub3A_391 = arith.subf %get3A_339, %get3A_344 : vector<16xf32>
        %mul3A_392 = arith.mulf %gather3A, %sub3A_391 : vector<16xf32>
        %swap3A_393 = arith.index_cast %add3A_237 : i32 to index
        %swap3A_394 = arith.constant 48 : index
        %swap3A_395 = tpu.vector_load %arg27[%swap3A_393, %swap3A_394] {strides = array<i32>} : memref<48x128xf32, #tpu.memory_space<vmem>>, vector<16xf32>,
        tpu.vector_store %arg27[%swap3A_393, %swap3A_394], %mul3A_392 {strides = array<i32>} : memref<48x128xf32, #tpu.memory_space<vmem>>, vector<16xf32>,
        %neg3A_396 = arith.constant 0.000000e+00 : f32
        %neg3A_397 = vector.broadcast %neg3A_396 : f32 to vector<16xf32>
        %neg3A_398 = arith.subf %neg3A_397, %mul3A_392 : vector<16xf32>
        %swap3A_399 = arith.index_cast %add3A_237 : i32 to index
        %swap3A_400 = arith.constant 48 : index
        %swap3A_401 = tpu.vector_load %arg28[%swap3A_399, %swap3A_400] {strides = array<i32>} : memref<48x128xf32, #tpu.memory_space<vmem>>, vector<16xf32>,
        tpu.vector_store %arg28[%swap3A_399, %swap3A_400], %neg3A_398 {strides = array<i32>} : memref<48x128xf32, #tpu.memory_space<vmem>>, vector<16xf32>,
        %sub3A_402 = arith.subf %get3A_347, %get3A_352 : vector<16xf32>
        %mul3A_403 = arith.mulf %gather3A_248, %sub3A_402 : vector<16xf32>
        %swap3A_404 = arith.index_cast %add3A_239 : i32 to index
        %swap3A_405 = arith.constant 48 : index
        %swap3A_406 = tpu.vector_load %arg27[%swap3A_404, %swap3A_405] {strides = array<i32>} : memref<48x128xf32, #tpu.memory_space<vmem>>, vector<16xf32>,
        tpu.vector_store %arg27[%swap3A_404, %swap3A_405], %mul3A_403 {strides = array<i32>} : memref<48x128xf32, #tpu.memory_space<vmem>>, vector<16xf32>,
        %neg3A_407 = arith.constant 0.000000e+00 : f32
        %neg3A_408 = vector.broadcast %neg3A_407 : f32 to vector<16xf32>
        %neg3A_409 = arith.subf %neg3A_408, %mul3A_403 : vector<16xf32>
        %swap3A_410 = arith.index_cast %add3A_239 : i32 to index
        %swap3A_411 = arith.constant 48 : index
        %swap3A_412 = tpu.vector_load %arg28[%swap3A_410, %swap3A_411] {strides = array<i32>} : memref<48x128xf32, #tpu.memory_space<vmem>>, vector<16xf32>,
        tpu.vector_store %arg28[%swap3A_410, %swap3A_411], %neg3A_409 {strides = array<i32>} : memref<48x128xf32, #tpu.memory_space<vmem>>, vector<16xf32>,
        %get3A_413 = arith.index_cast %add3A_237 : i32 to index
        %get3A_414 = arith.constant 80 : index
        %get3A_415 = tpu.vector_load %arg25[%get3A_413, %get3A_414] {strides = array<i32>} : memref<96x128xf32, #tpu.memory_space<vmem>>, vector<16xf32>,
        %add3A_416 = arith.constant 48 : i32
        %add3A_417 = arith.addi %add3A_416, %add3A_237 : i32
        %get3A_418 = arith.index_cast %add3A_417 : i32 to index
        %get3A_419 = arith.constant 80 : index
        %get3A_420 = tpu.vector_load %arg25[%get3A_418, %get3A_419] {strides = array<i32>} : memref<96x128xf32, #tpu.memory_space<vmem>>, vector<16xf32>,
        %get3A_421 = arith.index_cast %add3A_239 : i32 to index
        %get3A_422 = arith.constant 80 : index
        %get3A_423 = tpu.vector_load %arg25[%get3A_421, %get3A_422] {strides = array<i32>} : memref<96x128xf32, #tpu.memory_space<vmem>>, vector<16xf32>,
        %add3A_424 = arith.constant 48 : i32
        %add3A_425 = arith.addi %add3A_424, %add3A_239 : i32
        %get3A_426 = arith.index_cast %add3A_425 : i32 to index
        %get3A_427 = arith.constant 80 : index
        %get3A_428 = tpu.vector_load %arg25[%get3A_426, %get3A_427] {strides = array<i32>} : memref<96x128xf32, #tpu.memory_space<vmem>>, vector<16xf32>,
        %sub3A_429 = arith.subf %get3A_377, %get3A_382 : vector<16xf32>
        %mul3A_430 = arith.mulf %gather3A, %sub3A_429 : vector<16xf32>
        %swap3A_431 = arith.index_cast %add3A_237 : i32 to index
        %swap3A_432 = arith.constant 64 : index
        %swap3A_433 = tpu.vector_load %arg27[%swap3A_431, %swap3A_432] {strides = array<i32>} : memref<48x128xf32, #tpu.memory_space<vmem>>, vector<16xf32>,
        tpu.vector_store %arg27[%swap3A_431, %swap3A_432], %mul3A_430 {strides = array<i32>} : memref<48x128xf32, #tpu.memory_space<vmem>>, vector<16xf32>,
        %neg3A_434 = arith.constant 0.000000e+00 : f32
        %neg3A_435 = vector.broadcast %neg3A_434 : f32 to vector<16xf32>
        %neg3A_436 = arith.subf %neg3A_435, %mul3A_430 : vector<16xf32>
        %swap3A_437 = arith.index_cast %add3A_237 : i32 to index
        %swap3A_438 = arith.constant 64 : index
        %swap3A_439 = tpu.vector_load %arg28[%swap3A_437, %swap3A_438] {strides = array<i32>} : memref<48x128xf32, #tpu.memory_space<vmem>>, vector<16xf32>,
        tpu.vector_store %arg28[%swap3A_437, %swap3A_438], %neg3A_436 {strides = array<i32>} : memref<48x128xf32, #tpu.memory_space<vmem>>, vector<16xf32>,
        %sub3A_440 = arith.subf %get3A_385, %get3A_390 : vector<16xf32>
        %mul3A_441 = arith.mulf %gather3A_248, %sub3A_440 : vector<16xf32>
        %swap3A_442 = arith.index_cast %add3A_239 : i32 to index
        %swap3A_443 = arith.constant 64 : index
        %swap3A_444 = tpu.vector_load %arg27[%swap3A_442, %swap3A_443] {strides = array<i32>} : memref<48x128xf32, #tpu.memory_space<vmem>>, vector<16xf32>,
        tpu.vector_store %arg27[%swap3A_442, %swap3A_443], %mul3A_441 {strides = array<i32>} : memref<48x128xf32, #tpu.memory_space<vmem>>, vector<16xf32>,
        %neg3A_445 = arith.constant 0.000000e+00 : f32
        %neg3A_446 = vector.broadcast %neg3A_445 : f32 to vector<16xf32>
        %neg3A_447 = arith.subf %neg3A_446, %mul3A_441 : vector<16xf32>
        %swap3A_448 = arith.index_cast %add3A_239 : i32 to index
        %swap3A_449 = arith.constant 64 : index
        %swap3A_450 = tpu.vector_load %arg28[%swap3A_448, %swap3A_449] {strides = array<i32>} : memref<48x128xf32, #tpu.memory_space<vmem>>, vector<16xf32>,
        tpu.vector_store %arg28[%swap3A_448, %swap3A_449], %neg3A_447 {strides = array<i32>} : memref<48x128xf32, #tpu.memory_space<vmem>>, vector<16xf32>,
        %get3A_451 = arith.index_cast %add3A_237 : i32 to index
        %get3A_452 = arith.constant 96 : index
        %get3A_453 = tpu.vector_load %arg25[%get3A_451, %get3A_452] {strides = array<i32>} : memref<96x128xf32, #tpu.memory_space<vmem>>, vector<16xf32>,
        %add3A_454 = arith.constant 48 : i32
        %add3A_455 = arith.addi %add3A_454, %add3A_237 : i32
        %get3A_456 = arith.index_cast %add3A_455 : i32 to index
        %get3A_457 = arith.constant 96 : index
        %get3A_458 = tpu.vector_load %arg25[%get3A_456, %get3A_457] {strides = array<i32>} : memref<96x128xf32, #tpu.memory_space<vmem>>, vector<16xf32>,
        %get3A_459 = arith.index_cast %add3A_239 : i32 to index
        %get3A_460 = arith.constant 96 : index
        %get3A_461 = tpu.vector_load %arg25[%get3A_459, %get3A_460] {strides = array<i32>} : memref<96x128xf32, #tpu.memory_space<vmem>>, vector<16xf32>,
        %add3A_462 = arith.constant 48 : i32
        %add3A_463 = arith.addi %add3A_462, %add3A_239 : i32
        %get3A_464 = arith.index_cast %add3A_463 : i32 to index
        %get3A_465 = arith.constant 96 : index
        %get3A_466 = tpu.vector_load %arg25[%get3A_464, %get3A_465] {strides = array<i32>} : memref<96x128xf32, #tpu.memory_space<vmem>>, vector<16xf32>,
        %sub3A_467 = arith.subf %get3A_415, %get3A_420 : vector<16xf32>
        %mul3A_468 = arith.mulf %gather3A, %sub3A_467 : vector<16xf32>
        %swap3A_469 = arith.index_cast %add3A_237 : i32 to index
        %swap3A_470 = arith.constant 80 : index
        %swap3A_471 = tpu.vector_load %arg27[%swap3A_469, %swap3A_470] {strides = array<i32>} : memref<48x128xf32, #tpu.memory_space<vmem>>, vector<16xf32>,
        tpu.vector_store %arg27[%swap3A_469, %swap3A_470], %mul3A_468 {strides = array<i32>} : memref<48x128xf32, #tpu.memory_space<vmem>>, vector<16xf32>,
        %neg3A_472 = arith.constant 0.000000e+00 : f32
        %neg3A_473 = vector.broadcast %neg3A_472 : f32 to vector<16xf32>
        %neg3A_474 = arith.subf %neg3A_473, %mul3A_468 : vector<16xf32>
        %swap3A_475 = arith.index_cast %add3A_237 : i32 to index
        %swap3A_476 = arith.constant 80 : index
        %swap3A_477 = tpu.vector_load %arg28[%swap3A_475, %swap3A_476] {strides = array<i32>} : memref<48x128xf32, #tpu.memory_space<vmem>>, vector<16xf32>,
        tpu.vector_store %arg28[%swap3A_475, %swap3A_476], %neg3A_474 {strides = array<i32>} : memref<48x128xf32, #tpu.memory_space<vmem>>, vector<16xf32>,
        %sub3A_478 = arith.subf %get3A_423, %get3A_428 : vector<16xf32>
        %mul3A_479 = arith.mulf %gather3A_248, %sub3A_478 : vector<16xf32>
        %swap3A_480 = arith.index_cast %add3A_239 : i32 to index
        %swap3A_481 = arith.constant 80 : index
        %swap3A_482 = tpu.vector_load %arg27[%swap3A_480, %swap3A_481] {strides = array<i32>} : memref<48x128xf32, #tpu.memory_space<vmem>>, vector<16xf32>,
        tpu.vector_store %arg27[%swap3A_480, %swap3A_481], %mul3A_479 {strides = array<i32>} : memref<48x128xf32, #tpu.memory_space<vmem>>, vector<16xf32>,
        %neg3A_483 = arith.constant 0.000000e+00 : f32
        %neg3A_484 = vector.broadcast %neg3A_483 : f32 to vector<16xf32>
        %neg3A_485 = arith.subf %neg3A_484, %mul3A_479 : vector<16xf32>
        %swap3A_486 = arith.index_cast %add3A_239 : i32 to index
        %swap3A_487 = arith.constant 80 : index
        %swap3A_488 = tpu.vector_load %arg28[%swap3A_486, %swap3A_487] {strides = array<i32>} : memref<48x128xf32, #tpu.memory_space<vmem>>, vector<16xf32>,
        tpu.vector_store %arg28[%swap3A_486, %swap3A_487], %neg3A_485 {strides = array<i32>} : memref<48x128xf32, #tpu.memory_space<vmem>>, vector<16xf32>,
        %get3A_489 = arith.index_cast %add3A_237 : i32 to index
        %get3A_490 = arith.constant 112 : index
        %get3A_491 = tpu.vector_load %arg25[%get3A_489, %get3A_490] {strides = array<i32>} : memref<96x128xf32, #tpu.memory_space<vmem>>, vector<16xf32>,
        %add3A_492 = arith.constant 48 : i32
        %add3A_493 = arith.addi %add3A_492, %add3A_237 : i32
        %get3A_494 = arith.index_cast %add3A_493 : i32 to index
        %get3A_495 = arith.constant 112 : index
        %get3A_496 = tpu.vector_load %arg25[%get3A_494, %get3A_495] {strides = array<i32>} : memref<96x128xf32, #tpu.memory_space<vmem>>, vector<16xf32>,
        %get3A_497 = arith.index_cast %add3A_239 : i32 to index
        %get3A_498 = arith.constant 112 : index
        %get3A_499 = tpu.vector_load %arg25[%get3A_497, %get3A_498] {strides = array<i32>} : memref<96x128xf32, #tpu.memory_space<vmem>>, vector<16xf32>,
        %add3A_500 = arith.constant 48 : i32
        %add3A_501 = arith.addi %add3A_500, %add3A_239 : i32
        %get3A_502 = arith.index_cast %add3A_501 : i32 to index
        %get3A_503 = arith.constant 112 : index
        %get3A_504 = tpu.vector_load %arg25[%get3A_502, %get3A_503] {strides = array<i32>} : memref<96x128xf32, #tpu.memory_space<vmem>>, vector<16xf32>,
        %sub3A_505 = arith.subf %get3A_453, %get3A_458 : vector<16xf32>
        %mul3A_506 = arith.mulf %gather3A, %sub3A_505 : vector<16xf32>
        %swap3A_507 = arith.index_cast %add3A_237 : i32 to index
        %swap3A_508 = arith.constant 96 : index
        %swap3A_509 = tpu.vector_load %arg27[%swap3A_507, %swap3A_508] {strides = array<i32>} : memref<48x128xf32, #tpu.memory_space<vmem>>, vector<16xf32>,
        tpu.vector_store %arg27[%swap3A_507, %swap3A_508], %mul3A_506 {strides = array<i32>} : memref<48x128xf32, #tpu.memory_space<vmem>>, vector<16xf32>,
        %neg3A_510 = arith.constant 0.000000e+00 : f32
        %neg3A_511 = vector.broadcast %neg3A_510 : f32 to vector<16xf32>
        %neg3A_512 = arith.subf %neg3A_511, %mul3A_506 : vector<16xf32>
        %swap3A_513 = arith.index_cast %add3A_237 : i32 to index
        %swap3A_514 = arith.constant 96 : index
        %swap3A_515 = tpu.vector_load %arg28[%swap3A_513, %swap3A_514] {strides = array<i32>} : memref<48x128xf32, #tpu.memory_space<vmem>>, vector<16xf32>,
        tpu.vector_store %arg28[%swap3A_513, %swap3A_514], %neg3A_512 {strides = array<i32>} : memref<48x128xf32, #tpu.memory_space<vmem>>, vector<16xf32>,
        %sub3A_516 = arith.subf %get3A_461, %get3A_466 : vector<16xf32>
        %mul3A_517 = arith.mulf %gather3A_248, %sub3A_516 : vector<16xf32>
        %swap3A_518 = arith.index_cast %add3A_239 : i32 to index
        %swap3A_519 = arith.constant 96 : index
        %swap3A_520 = tpu.vector_load %arg27[%swap3A_518, %swap3A_519] {strides = array<i32>} : memref<48x128xf32, #tpu.memory_space<vmem>>, vector<16xf32>,
        tpu.vector_store %arg27[%swap3A_518, %swap3A_519], %mul3A_517 {strides = array<i32>} : memref<48x128xf32, #tpu.memory_space<vmem>>, vector<16xf32>,
        %neg3A_521 = arith.constant 0.000000e+00 : f32
        %neg3A_522 = vector.broadcast %neg3A_521 : f32 to vector<16xf32>
        %neg3A_523 = arith.subf %neg3A_522, %mul3A_517 : vector<16xf32>
        %swap3A_524 = arith.index_cast %add3A_239 : i32 to index
        %swap3A_525 = arith.constant 96 : index
        %swap3A_526 = tpu.vector_load %arg28[%swap3A_524, %swap3A_525] {strides = array<i32>} : memref<48x128xf32, #tpu.memory_space<vmem>>, vector<16xf32>,
        tpu.vector_store %arg28[%swap3A_524, %swap3A_525], %neg3A_523 {strides = array<i32>} : memref<48x128xf32, #tpu.memory_space<vmem>>, vector<16xf32>,
        %sub3A_527 = arith.subf %get3A_491, %get3A_496 : vector<16xf32>
        %mul3A_528 = arith.mulf %gather3A, %sub3A_527 : vector<16xf32>
        %swap3A_529 = arith.index_cast %add3A_237 : i32 to index
        %swap3A_530 = arith.constant 112 : index
        %swap3A_531 = tpu.vector_load %arg27[%swap3A_529, %swap3A_530] {strides = array<i32>} : memref<48x128xf32, #tpu.memory_space<vmem>>, vector<16xf32>,
        tpu.vector_store %arg27[%swap3A_529, %swap3A_530], %mul3A_528 {strides = array<i32>} : memref<48x128xf32, #tpu.memory_space<vmem>>, vector<16xf32>,
        %neg3A_532 = arith.constant 0.000000e+00 : f32
        %neg3A_533 = vector.broadcast %neg3A_532 : f32 to vector<16xf32>
        %neg3A_534 = arith.subf %neg3A_533, %mul3A_528 : vector<16xf32>
        %swap3A_535 = arith.index_cast %add3A_237 : i32 to index
        %swap3A_536 = arith.constant 112 : index
        %swap3A_537 = tpu.vector_load %arg28[%swap3A_535, %swap3A_536] {strides = array<i32>} : memref<48x128xf32, #tpu.memory_space<vmem>>, vector<16xf32>,
        tpu.vector_store %arg28[%swap3A_535, %swap3A_536], %neg3A_534 {strides = array<i32>} : memref<48x128xf32, #tpu.memory_space<vmem>>, vector<16xf32>,
        %sub3A_538 = arith.subf %get3A_499, %get3A_504 : vector<16xf32>
        %mul3A_539 = arith.mulf %gather3A_248, %sub3A_538 : vector<16xf32>
        %swap3A_540 = arith.index_cast %add3A_239 : i32 to index
        %swap3A_541 = arith.constant 112 : index
        %swap3A_542 = tpu.vector_load %arg27[%swap3A_540, %swap3A_541] {strides = array<i32>} : memref<48x128xf32, #tpu.memory_space<vmem>>, vector<16xf32>,
        tpu.vector_store %arg27[%swap3A_540, %swap3A_541], %mul3A_539 {strides = array<i32>} : memref<48x128xf32, #tpu.memory_space<vmem>>, vector<16xf32>,
        %neg3A_543 = arith.constant 0.000000e+00 : f32
        %neg3A_544 = vector.broadcast %neg3A_543 : f32 to vector<16xf32>
        %neg3A_545 = arith.subf %neg3A_544, %mul3A_539 : vector<16xf32>
        %swap3A_546 = arith.index_cast %add3A_239 : i32 to index
        %swap3A_547 = arith.constant 112 : index
        %swap3A_548 = tpu.vector_load %arg28[%swap3A_546, %swap3A_547] {strides = array<i32>} : memref<48x128xf32, #tpu.memory_space<vmem>>, vector<16xf32>,
        tpu.vector_store %arg28[%swap3A_546, %swap3A_547], %neg3A_545 {strides = array<i32>} : memref<48x128xf32, #tpu.memory_space<vmem>>, vector<16xf32>,
      }
      %scan3A_85 = arith.constant 24 : i32
      %dma_start3A_86 = arith.constant 0 : i32
      %dma_start3A_87 = arith.constant 0 : i32
      %dma_start3A_88 = tpu.memref_slice %arg29[%dma_start3A_86, %dma_start3A_87] : memref<10240x128xf32, #tpu.memory_space<vmem_shared>> -> memref<10240x128xf32, #tpu.memory_space<vmem_shared>>
      tpu.enqueue_indirect_dma source(%arg27 : memref<48x128xf32, #tpu.memory_space<vmem>>) target(%dma_start3A_88 : memref<10240x128xf32, #tpu.memory_space<vmem_shared>>) offsets(%arg17 : memref<48xi32, #tpu.memory_space<vmem>>) semaphore(%arg34 : memref<!tpu.dma_semaphore, #tpu.memory_space<semaphore_mem>>) {add = true}
      %dma_start3A_89 = arith.constant 0 : i32
      %dma_start3A_90 = arith.constant 0 : i32
      %dma_start3A_91 = tpu.memref_slice %arg29[%dma_start3A_89, %dma_start3A_90] : memref<10240x128xf32, #tpu.memory_space<vmem_shared>> -> memref<10240x128xf32, #tpu.memory_space<vmem_shared>>
      tpu.enqueue_indirect_dma source(%arg28 : memref<48x128xf32, #tpu.memory_space<vmem>>) target(%dma_start3A_91 : memref<10240x128xf32, #tpu.memory_space<vmem_shared>>) offsets(%arg21 : memref<48xi32, #tpu.memory_space<vmem>>) semaphore(%arg34 : memref<!tpu.dma_semaphore, #tpu.memory_space<semaphore_mem>>) {add = true}
      %mul3A_92 = arith.constant 4 : i32
      %mul3A_93 = arith.muli %add3A_49, %mul3A_92 : i32
      %add3A_94 = arith.constant 1 : i32
      %add3A_95 = arith.addi %mul3A_93, %add3A_94 : i32
      %dma_wait3A_96 = arith.constant 0 : i32
      %dma_wait3A_97 = arith.constant 0 : i32
      %dma_wait3A_98 = tpu.memref_slice %arg2[%dma_wait3A_96, %dma_wait3A_97] : memref<20480x128xf32, #tpu.memory_space<hbm>> -> memref<20480x128xf32, #tpu.memory_space<hbm>>
      tpu.wait_indirect_dma semaphore(%arg31 : memref<!tpu.dma_semaphore, #tpu.memory_space<semaphore_mem>>) src(%dma_wait3A_98 : memref<20480x128xf32, #tpu.memory_space<hbm>>) dst(%arg26 : memref<96x128xf32, #tpu.memory_space<vmem>>)
      %ge3A_99 = arith.constant 1 : i32
      %ge3A_100 = arith.cmpi sge, %add3A_95, %ge3A_99 : i32
      %add3A_101 = arith.constant 1 : i32
      %add3A_102 = arith.addi %add3A_95, %add3A_101 : i32
      %lt3A_103 = arith.constant 212 : i32
      %lt3A_104 = arith.cmpi slt, %add3A_102, %lt3A_103 : i32
      %and3A_105 = arith.andi %ge3A_100, %lt3A_104 : i1
      %convert_element_type3A_106 = arith.extui %and3A_105 : i1 to i32
      %cond3A_107 = arith.constant 0 : i32
      %cond3A_108 = arith.cmpi ne, %convert_element_type3A_106, %cond3A_107 : i32
      scf.if %cond3A_108 {
        %dma_wait3A_233 = arith.constant 0 : i32
        %dma_wait3A_234 = tpu.memref_slice %arg4[%dma_wait3A_233] : memref<162816xi32, #tpu.memory_space<hbm>> -> memref<48xi32, #tpu.memory_space<hbm>>
        %dma_wait3A_235 = arith.constant 0 : i32
        %dma_wait3A_236 = tpu.memref_slice %arg4[%dma_wait3A_235] : memref<162816xi32, #tpu.memory_space<hbm>> -> memref<48xi32, #tpu.memory_space<hbm>>
        tpu.wait_dma2 semaphore(%arg32 : memref<!tpu.dma_semaphore, #tpu.memory_space<semaphore_mem>>) src(%dma_wait3A_236 : memref<48xi32, #tpu.memory_space<hbm>>) dst(%arg7 : memref<48xi32, #tpu.memory_space<vmem>>)
        %dma_wait3A_237 = arith.constant 0 : i32
        %dma_wait3A_238 = tpu.memref_slice %arg5[%dma_wait3A_237] : memref<162816xi32, #tpu.memory_space<hbm>> -> memref<48xi32, #tpu.memory_space<hbm>>
        %dma_wait3A_239 = arith.constant 0 : i32
        %dma_wait3A_240 = tpu.memref_slice %arg5[%dma_wait3A_239] : memref<162816xi32, #tpu.memory_space<hbm>> -> memref<48xi32, #tpu.memory_space<hbm>>
        tpu.wait_dma2 semaphore(%arg32 : memref<!tpu.dma_semaphore, #tpu.memory_space<semaphore_mem>>) src(%dma_wait3A_240 : memref<48xi32, #tpu.memory_space<hbm>>) dst(%arg9 : memref<48xi32, #tpu.memory_space<vmem>>)
        %dma_wait3A_241 = arith.constant 0 : i32
        %dma_wait3A_242 = tpu.memref_slice %arg3[%dma_wait3A_241] : memref<162816xf32, #tpu.memory_space<hbm>> -> memref<48xf32, #tpu.memory_space<hbm>>
        %dma_wait3A_243 = arith.constant 0 : i32
        %dma_wait3A_244 = tpu.memref_slice %arg3[%dma_wait3A_243] : memref<162816xf32, #tpu.memory_space<hbm>> -> memref<48xf32, #tpu.memory_space<hbm>>
        tpu.wait_dma2 semaphore(%arg32 : memref<!tpu.dma_semaphore, #tpu.memory_space<semaphore_mem>>) src(%dma_wait3A_244 : memref<48xf32, #tpu.memory_space<hbm>>) dst(%arg11 : memref<48xf32, #tpu.memory_space<vmem>>)
      } else {
      }
      %add3A_109 = arith.constant 1 : i32
      %add3A_110 = arith.addi %add3A_95, %add3A_109 : i32
      %lt3A_111 = arith.constant 212 : i32
      %lt3A_112 = arith.cmpi slt, %add3A_110, %lt3A_111 : i32
      %convert_element_type3A_113 = arith.extui %lt3A_112 : i1 to i32
      %cond3A_114 = arith.constant 0 : i32
      %cond3A_115 = arith.cmpi ne, %convert_element_type3A_113, %cond3A_114 : i32
      scf.if %cond3A_115 {
        %scan3A_233 = arith.constant 0 : i32
        %scan3A_234 = arith.constant 3 : i32
        %scan3A_235 = arith.addi %scan3A_233, %scan3A_234 : i32
        %scan3A_236 = arith.constant 1 : i32
        scf.for %scan3A_241 = %scan3A_233 to %scan3A_235 step %scan3A_236  : i32 {
          %mul3A_242 = arith.constant 1 : i32
          %mul3A_243 = arith.muli %scan3A_241, %mul3A_242 : i32
          %add3A_244 = arith.constant 0 : i32
          %add3A_245 = arith.addi %add3A_244, %mul3A_243 : i32
          %mul3A_246 = arith.constant 16 : i32
          %mul3A_247 = arith.muli %add3A_245, %mul3A_246 : i32
          %get3A = arith.index_cast %mul3A_247 : i32 to index
          %get3A_248 = tpu.vector_load %arg11[%get3A] {strides = array<i32>} : memref<48xf32, #tpu.memory_space<vmem>>, vector<16xf32>,
          %mul3A_249 = arith.mulf %get3A_248, %get3A_248 : vector<16xf32>
          %swap3A = arith.index_cast %mul3A_247 : i32 to index
          %swap3A_250 = tpu.vector_load %arg13[%swap3A] {strides = array<i32>} : memref<48xf32, #tpu.memory_space<vmem>>, vector<16xf32>,
          tpu.vector_store %arg13[%swap3A], %mul3A_249 {strides = array<i32>} : memref<48xf32, #tpu.memory_space<vmem>>, vector<16xf32>,
          %get3A_251 = arith.index_cast %mul3A_247 : i32 to index
          %get3A_252 = tpu.vector_load %arg7[%get3A_251] {strides = array<i32>} : memref<48xi32, #tpu.memory_space<vmem>>, vector<16xi32>,
          %get3A_253 = arith.index_cast %mul3A_247 : i32 to index
          %get3A_254 = tpu.vector_load %arg9[%get3A_253] {strides = array<i32>} : memref<48xi32, #tpu.memory_space<vmem>>, vector<16xi32>,
          %add3A_255 = vector.broadcast %mul3A_1 : i32 to vector<16xi32>
          %add3A_256 = arith.addi %get3A_252, %add3A_255 : vector<16xi32>
          %swap3A_257 = arith.index_cast %mul3A_247 : i32 to index
          %swap3A_258 = tpu.vector_load %arg15[%swap3A_257] {strides = array<i32>} : memref<96xi32, #tpu.memory_space<vmem>>, vector<16xi32>,
          tpu.vector_store %arg15[%swap3A_257], %add3A_256 {strides = array<i32>} : memref<96xi32, #tpu.memory_space<vmem>>, vector<16xi32>,
          %add3A_259 = vector.broadcast %mul3A_1 : i32 to vector<16xi32>
          %add3A_260 = arith.addi %get3A_254, %add3A_259 : vector<16xi32>
          %mul3A_261 = arith.constant 16 : i32
          %mul3A_262 = arith.muli %add3A_245, %mul3A_261 : i32
          %add3A_263 = arith.constant 48 : i32
          %add3A_264 = arith.addi %add3A_263, %mul3A_262 : i32
          %swap3A_265 = arith.index_cast %add3A_264 : i32 to index
          %swap3A_266 = tpu.vector_load %arg15[%swap3A_265] {strides = array<i32>} : memref<96xi32, #tpu.memory_space<vmem>>, vector<16xi32>,
          tpu.vector_store %arg15[%swap3A_265], %add3A_260 {strides = array<i32>} : memref<96xi32, #tpu.memory_space<vmem>>, vector<16xi32>,
          %swap3A_267 = arith.index_cast %mul3A_247 : i32 to index
          %swap3A_268 = tpu.vector_load %arg19[%swap3A_267] {strides = array<i32>} : memref<48xi32, #tpu.memory_space<vmem>>, vector<16xi32>,
          tpu.vector_store %arg19[%swap3A_267], %get3A_252 {strides = array<i32>} : memref<48xi32, #tpu.memory_space<vmem>>, vector<16xi32>,
          %swap3A_269 = arith.index_cast %mul3A_247 : i32 to index
          %swap3A_270 = tpu.vector_load %arg23[%swap3A_269] {strides = array<i32>} : memref<48xi32, #tpu.memory_space<vmem>>, vector<16xi32>,
          tpu.vector_store %arg23[%swap3A_269], %get3A_254 {strides = array<i32>} : memref<48xi32, #tpu.memory_space<vmem>>, vector<16xi32>,
        }
        %scan3A_237 = arith.constant 3 : i32
        %dma_start3A_238 = arith.constant 0 : i32
        %dma_start3A_239 = arith.constant 0 : i32
        %dma_start3A_240 = tpu.memref_slice %arg2[%dma_start3A_238, %dma_start3A_239] : memref<20480x128xf32, #tpu.memory_space<hbm>> -> memref<20480x128xf32, #tpu.memory_space<hbm>>
        tpu.enqueue_indirect_dma source(%dma_start3A_240 : memref<20480x128xf32, #tpu.memory_space<hbm>>) target(%arg25 : memref<96x128xf32, #tpu.memory_space<vmem>>) offsets(%arg15 : memref<96xi32, #tpu.memory_space<vmem>>) semaphore(%arg30 : memref<!tpu.dma_semaphore, #tpu.memory_space<semaphore_mem>>)
      } else {
      }
      %add3A_116 = arith.constant 2 : i32
      %add3A_117 = arith.addi %add3A_95, %add3A_116 : i32
      %lt3A_118 = arith.constant 212 : i32
      %lt3A_119 = arith.cmpi slt, %add3A_117, %lt3A_118 : i32
      %convert_element_type3A_120 = arith.extui %lt3A_119 : i1 to i32
      %cond3A_121 = arith.constant 0 : i32
      %cond3A_122 = arith.cmpi ne, %convert_element_type3A_120, %cond3A_121 : i32
      scf.if %cond3A_122 {
        %add3A_233 = arith.constant 2 : i32
        %add3A_234 = arith.addi %add3A_95, %add3A_233 : i32
        %mul3A_235 = arith.constant 212 : i32
        %mul3A_236 = arith.muli %arg1, %mul3A_235 : i32
        %add3A_237 = arith.addi %mul3A_236, %add3A_234 : i32
        %mul3A_238 = arith.constant 48 : i32
        %mul3A_239 = arith.muli %add3A_237, %mul3A_238 : i32
        %dma_start3A_240 = tpu.memref_slice %arg4[%mul3A_239] : memref<162816xi32, #tpu.memory_space<hbm>> -> memref<48xi32, #tpu.memory_space<hbm>>
        %dma_start3A_241 = tpu.memref_slice %arg4[%mul3A_239] : memref<162816xi32, #tpu.memory_space<hbm>> -> memref<48xi32, #tpu.memory_space<hbm>>
        tpu.enqueue_dma source(%dma_start3A_241 : memref<48xi32, #tpu.memory_space<hbm>>) target(%arg8 : memref<48xi32, #tpu.memory_space<vmem>>) target_semaphore(%arg33 : memref<!tpu.dma_semaphore, #tpu.memory_space<semaphore_mem>>)
        %dma_start3A_242 = tpu.memref_slice %arg5[%mul3A_239] : memref<162816xi32, #tpu.memory_space<hbm>> -> memref<48xi32, #tpu.memory_space<hbm>>
        %dma_start3A_243 = tpu.memref_slice %arg5[%mul3A_239] : memref<162816xi32, #tpu.memory_space<hbm>> -> memref<48xi32, #tpu.memory_space<hbm>>
        tpu.enqueue_dma source(%dma_start3A_243 : memref<48xi32, #tpu.memory_space<hbm>>) target(%arg10 : memref<48xi32, #tpu.memory_space<vmem>>) target_semaphore(%arg33 : memref<!tpu.dma_semaphore, #tpu.memory_space<semaphore_mem>>)
        %dma_start3A_244 = tpu.memref_slice %arg3[%mul3A_239] : memref<162816xf32, #tpu.memory_space<hbm>> -> memref<48xf32, #tpu.memory_space<hbm>>
        %dma_start3A_245 = tpu.memref_slice %arg3[%mul3A_239] : memref<162816xf32, #tpu.memory_space<hbm>> -> memref<48xf32, #tpu.memory_space<hbm>>
        tpu.enqueue_dma source(%dma_start3A_245 : memref<48xf32, #tpu.memory_space<hbm>>) target(%arg12 : memref<48xf32, #tpu.memory_space<vmem>>) target_semaphore(%arg33 : memref<!tpu.dma_semaphore, #tpu.memory_space<semaphore_mem>>)
      } else {
      }
      %ge3A_123 = arith.constant 1 : i32
      %ge3A_124 = arith.cmpi sge, %add3A_95, %ge3A_123 : i32
      %convert_element_type3A_125 = arith.extui %ge3A_124 : i1 to i32
      %cond3A_126 = arith.constant 0 : i32
      %cond3A_127 = arith.cmpi ne, %convert_element_type3A_125, %cond3A_126 : i32
      scf.if %cond3A_127 {
        %dma_wait3A_233 = arith.constant 0 : i32
        %dma_wait3A_234 = arith.constant 0 : i32
        %dma_wait3A_235 = tpu.memref_slice %arg29[%dma_wait3A_233, %dma_wait3A_234] : memref<10240x128xf32, #tpu.memory_space<vmem_shared>> -> memref<10240x128xf32, #tpu.memory_space<vmem_shared>>
        tpu.wait_indirect_dma semaphore(%arg34 : memref<!tpu.dma_semaphore, #tpu.memory_space<semaphore_mem>>) src(%arg27 : memref<48x128xf32, #tpu.memory_space<vmem>>) dst(%dma_wait3A_235 : memref<10240x128xf32, #tpu.memory_space<vmem_shared>>)
        %dma_wait3A_236 = arith.constant 0 : i32
        %dma_wait3A_237 = arith.constant 0 : i32
        %dma_wait3A_238 = tpu.memref_slice %arg29[%dma_wait3A_236, %dma_wait3A_237] : memref<10240x128xf32, #tpu.memory_space<vmem_shared>> -> memref<10240x128xf32, #tpu.memory_space<vmem_shared>>
        tpu.wait_indirect_dma semaphore(%arg34 : memref<!tpu.dma_semaphore, #tpu.memory_space<semaphore_mem>>) src(%arg28 : memref<48x128xf32, #tpu.memory_space<vmem>>) dst(%dma_wait3A_238 : memref<10240x128xf32, #tpu.memory_space<vmem_shared>>)
      } else {
      }
      %scan3A_128 = arith.constant 0 : i32
      %scan3A_129 = arith.constant 24 : i32
      %scan3A_130 = arith.addi %scan3A_128, %scan3A_129 : i32
      %scan3A_131 = arith.constant 1 : i32
      scf.for %scan3A_233 = %scan3A_128 to %scan3A_130 step %scan3A_131  : i32 {
        %mul3A_234 = arith.constant 2 : i32
        %mul3A_235 = arith.muli %scan3A_233, %mul3A_234 : i32
        %add3A_236 = arith.constant 0 : i32
        %add3A_237 = arith.addi %add3A_236, %mul3A_235 : i32
        %add3A_238 = arith.constant 1 : i32
        %add3A_239 = arith.addi %add3A_237, %add3A_238 : i32
        %broadcast_in_dim3A_240 = arith.constant 0 : i32
        %broadcast_in_dim3A_241 = vector.broadcast %broadcast_in_dim3A_240 : i32 to vector<16xi32>
        %add3A_242 = vector.broadcast %add3A_237 : i32 to vector<16xi32>
        %add3A_243 = arith.addi %broadcast_in_dim3A_241, %add3A_242 : vector<16xi32>
        %gather3A = tpu.vector_load_idx %arg14[%add3A_243] : memref<48xf32, #tpu.memory_space<vmem>>[vector<16xi32>], vector<16xf32>,
        %broadcast_in_dim3A_244 = arith.constant 0 : i32
        %broadcast_in_dim3A_245 = vector.broadcast %broadcast_in_dim3A_244 : i32 to vector<16xi32>
        %add3A_246 = vector.broadcast %add3A_239 : i32 to vector<16xi32>
        %add3A_247 = arith.addi %broadcast_in_dim3A_245, %add3A_246 : vector<16xi32>
        %gather3A_248 = tpu.vector_load_idx %arg14[%add3A_247] : memref<48xf32, #tpu.memory_space<vmem>>[vector<16xi32>], vector<16xf32>,
        %get3A = arith.index_cast %add3A_237 : i32 to index
        %get3A_249 = arith.constant 0 : index
        %get3A_250 = tpu.vector_load %arg26[%get3A, %get3A_249] {strides = array<i32>} : memref<96x128xf32, #tpu.memory_space<vmem>>, vector<16xf32>,
        %add3A_251 = arith.constant 48 : i32
        %add3A_252 = arith.addi %add3A_251, %add3A_237 : i32
        %get3A_253 = arith.index_cast %add3A_252 : i32 to index
        %get3A_254 = arith.constant 0 : index
        %get3A_255 = tpu.vector_load %arg26[%get3A_253, %get3A_254] {strides = array<i32>} : memref<96x128xf32, #tpu.memory_space<vmem>>, vector<16xf32>,
        %get3A_256 = arith.index_cast %add3A_239 : i32 to index
        %get3A_257 = arith.constant 0 : index
        %get3A_258 = tpu.vector_load %arg26[%get3A_256, %get3A_257] {strides = array<i32>} : memref<96x128xf32, #tpu.memory_space<vmem>>, vector<16xf32>,
        %add3A_259 = arith.constant 48 : i32
        %add3A_260 = arith.addi %add3A_259, %add3A_239 : i32
        %get3A_261 = arith.index_cast %add3A_260 : i32 to index
        %get3A_262 = arith.constant 0 : index
        %get3A_263 = tpu.vector_load %arg26[%get3A_261, %get3A_262] {strides = array<i32>} : memref<96x128xf32, #tpu.memory_space<vmem>>, vector<16xf32>,
        %get3A_264 = arith.index_cast %add3A_237 : i32 to index
        %get3A_265 = arith.constant 16 : index
        %get3A_266 = tpu.vector_load %arg26[%get3A_264, %get3A_265] {strides = array<i32>} : memref<96x128xf32, #tpu.memory_space<vmem>>, vector<16xf32>,
        %add3A_267 = arith.constant 48 : i32
        %add3A_268 = arith.addi %add3A_267, %add3A_237 : i32
        %get3A_269 = arith.index_cast %add3A_268 : i32 to index
        %get3A_270 = arith.constant 16 : index
        %get3A_271 = tpu.vector_load %arg26[%get3A_269, %get3A_270] {strides = array<i32>} : memref<96x128xf32, #tpu.memory_space<vmem>>, vector<16xf32>,
        %get3A_272 = arith.index_cast %add3A_239 : i32 to index
        %get3A_273 = arith.constant 16 : index
        %get3A_274 = tpu.vector_load %arg26[%get3A_272, %get3A_273] {strides = array<i32>} : memref<96x128xf32, #tpu.memory_space<vmem>>, vector<16xf32>,
        %add3A_275 = arith.constant 48 : i32
        %add3A_276 = arith.addi %add3A_275, %add3A_239 : i32
        %get3A_277 = arith.index_cast %add3A_276 : i32 to index
        %get3A_278 = arith.constant 16 : index
        %get3A_279 = tpu.vector_load %arg26[%get3A_277, %get3A_278] {strides = array<i32>} : memref<96x128xf32, #tpu.memory_space<vmem>>, vector<16xf32>,
        %sub3A = arith.subf %get3A_250, %get3A_255 : vector<16xf32>
        %mul3A_280 = arith.mulf %gather3A, %sub3A : vector<16xf32>
        %swap3A = arith.index_cast %add3A_237 : i32 to index
        %swap3A_281 = arith.constant 0 : index
        %swap3A_282 = tpu.vector_load %arg27[%swap3A, %swap3A_281] {strides = array<i32>} : memref<48x128xf32, #tpu.memory_space<vmem>>, vector<16xf32>,
        tpu.vector_store %arg27[%swap3A, %swap3A_281], %mul3A_280 {strides = array<i32>} : memref<48x128xf32, #tpu.memory_space<vmem>>, vector<16xf32>,
        %neg3A = arith.constant 0.000000e+00 : f32
        %neg3A_283 = vector.broadcast %neg3A : f32 to vector<16xf32>
        %neg3A_284 = arith.subf %neg3A_283, %mul3A_280 : vector<16xf32>
        %swap3A_285 = arith.index_cast %add3A_237 : i32 to index
        %swap3A_286 = arith.constant 0 : index
        %swap3A_287 = tpu.vector_load %arg28[%swap3A_285, %swap3A_286] {strides = array<i32>} : memref<48x128xf32, #tpu.memory_space<vmem>>, vector<16xf32>,
        tpu.vector_store %arg28[%swap3A_285, %swap3A_286], %neg3A_284 {strides = array<i32>} : memref<48x128xf32, #tpu.memory_space<vmem>>, vector<16xf32>,
        %sub3A_288 = arith.subf %get3A_258, %get3A_263 : vector<16xf32>
        %mul3A_289 = arith.mulf %gather3A_248, %sub3A_288 : vector<16xf32>
        %swap3A_290 = arith.index_cast %add3A_239 : i32 to index
        %swap3A_291 = arith.constant 0 : index
        %swap3A_292 = tpu.vector_load %arg27[%swap3A_290, %swap3A_291] {strides = array<i32>} : memref<48x128xf32, #tpu.memory_space<vmem>>, vector<16xf32>,
        tpu.vector_store %arg27[%swap3A_290, %swap3A_291], %mul3A_289 {strides = array<i32>} : memref<48x128xf32, #tpu.memory_space<vmem>>, vector<16xf32>,
        %neg3A_293 = arith.constant 0.000000e+00 : f32
        %neg3A_294 = vector.broadcast %neg3A_293 : f32 to vector<16xf32>
        %neg3A_295 = arith.subf %neg3A_294, %mul3A_289 : vector<16xf32>
        %swap3A_296 = arith.index_cast %add3A_239 : i32 to index
        %swap3A_297 = arith.constant 0 : index
        %swap3A_298 = tpu.vector_load %arg28[%swap3A_296, %swap3A_297] {strides = array<i32>} : memref<48x128xf32, #tpu.memory_space<vmem>>, vector<16xf32>,
        tpu.vector_store %arg28[%swap3A_296, %swap3A_297], %neg3A_295 {strides = array<i32>} : memref<48x128xf32, #tpu.memory_space<vmem>>, vector<16xf32>,
        %get3A_299 = arith.index_cast %add3A_237 : i32 to index
        %get3A_300 = arith.constant 32 : index
        %get3A_301 = tpu.vector_load %arg26[%get3A_299, %get3A_300] {strides = array<i32>} : memref<96x128xf32, #tpu.memory_space<vmem>>, vector<16xf32>,
        %add3A_302 = arith.constant 48 : i32
        %add3A_303 = arith.addi %add3A_302, %add3A_237 : i32
        %get3A_304 = arith.index_cast %add3A_303 : i32 to index
        %get3A_305 = arith.constant 32 : index
        %get3A_306 = tpu.vector_load %arg26[%get3A_304, %get3A_305] {strides = array<i32>} : memref<96x128xf32, #tpu.memory_space<vmem>>, vector<16xf32>,
        %get3A_307 = arith.index_cast %add3A_239 : i32 to index
        %get3A_308 = arith.constant 32 : index
        %get3A_309 = tpu.vector_load %arg26[%get3A_307, %get3A_308] {strides = array<i32>} : memref<96x128xf32, #tpu.memory_space<vmem>>, vector<16xf32>,
        %add3A_310 = arith.constant 48 : i32
        %add3A_311 = arith.addi %add3A_310, %add3A_239 : i32
        %get3A_312 = arith.index_cast %add3A_311 : i32 to index
        %get3A_313 = arith.constant 32 : index
        %get3A_314 = tpu.vector_load %arg26[%get3A_312, %get3A_313] {strides = array<i32>} : memref<96x128xf32, #tpu.memory_space<vmem>>, vector<16xf32>,
        %sub3A_315 = arith.subf %get3A_266, %get3A_271 : vector<16xf32>
        %mul3A_316 = arith.mulf %gather3A, %sub3A_315 : vector<16xf32>
        %swap3A_317 = arith.index_cast %add3A_237 : i32 to index
        %swap3A_318 = arith.constant 16 : index
        %swap3A_319 = tpu.vector_load %arg27[%swap3A_317, %swap3A_318] {strides = array<i32>} : memref<48x128xf32, #tpu.memory_space<vmem>>, vector<16xf32>,
        tpu.vector_store %arg27[%swap3A_317, %swap3A_318], %mul3A_316 {strides = array<i32>} : memref<48x128xf32, #tpu.memory_space<vmem>>, vector<16xf32>,
        %neg3A_320 = arith.constant 0.000000e+00 : f32
        %neg3A_321 = vector.broadcast %neg3A_320 : f32 to vector<16xf32>
        %neg3A_322 = arith.subf %neg3A_321, %mul3A_316 : vector<16xf32>
        %swap3A_323 = arith.index_cast %add3A_237 : i32 to index
        %swap3A_324 = arith.constant 16 : index
        %swap3A_325 = tpu.vector_load %arg28[%swap3A_323, %swap3A_324] {strides = array<i32>} : memref<48x128xf32, #tpu.memory_space<vmem>>, vector<16xf32>,
        tpu.vector_store %arg28[%swap3A_323, %swap3A_324], %neg3A_322 {strides = array<i32>} : memref<48x128xf32, #tpu.memory_space<vmem>>, vector<16xf32>,
        %sub3A_326 = arith.subf %get3A_274, %get3A_279 : vector<16xf32>
        %mul3A_327 = arith.mulf %gather3A_248, %sub3A_326 : vector<16xf32>
        %swap3A_328 = arith.index_cast %add3A_239 : i32 to index
        %swap3A_329 = arith.constant 16 : index
        %swap3A_330 = tpu.vector_load %arg27[%swap3A_328, %swap3A_329] {strides = array<i32>} : memref<48x128xf32, #tpu.memory_space<vmem>>, vector<16xf32>,
        tpu.vector_store %arg27[%swap3A_328, %swap3A_329], %mul3A_327 {strides = array<i32>} : memref<48x128xf32, #tpu.memory_space<vmem>>, vector<16xf32>,
        %neg3A_331 = arith.constant 0.000000e+00 : f32
        %neg3A_332 = vector.broadcast %neg3A_331 : f32 to vector<16xf32>
        %neg3A_333 = arith.subf %neg3A_332, %mul3A_327 : vector<16xf32>
        %swap3A_334 = arith.index_cast %add3A_239 : i32 to index
        %swap3A_335 = arith.constant 16 : index
        %swap3A_336 = tpu.vector_load %arg28[%swap3A_334, %swap3A_335] {strides = array<i32>} : memref<48x128xf32, #tpu.memory_space<vmem>>, vector<16xf32>,
        tpu.vector_store %arg28[%swap3A_334, %swap3A_335], %neg3A_333 {strides = array<i32>} : memref<48x128xf32, #tpu.memory_space<vmem>>, vector<16xf32>,
        %get3A_337 = arith.index_cast %add3A_237 : i32 to index
        %get3A_338 = arith.constant 48 : index
        %get3A_339 = tpu.vector_load %arg26[%get3A_337, %get3A_338] {strides = array<i32>} : memref<96x128xf32, #tpu.memory_space<vmem>>, vector<16xf32>,
        %add3A_340 = arith.constant 48 : i32
        %add3A_341 = arith.addi %add3A_340, %add3A_237 : i32
        %get3A_342 = arith.index_cast %add3A_341 : i32 to index
        %get3A_343 = arith.constant 48 : index
        %get3A_344 = tpu.vector_load %arg26[%get3A_342, %get3A_343] {strides = array<i32>} : memref<96x128xf32, #tpu.memory_space<vmem>>, vector<16xf32>,
        %get3A_345 = arith.index_cast %add3A_239 : i32 to index
        %get3A_346 = arith.constant 48 : index
        %get3A_347 = tpu.vector_load %arg26[%get3A_345, %get3A_346] {strides = array<i32>} : memref<96x128xf32, #tpu.memory_space<vmem>>, vector<16xf32>,
        %add3A_348 = arith.constant 48 : i32
        %add3A_349 = arith.addi %add3A_348, %add3A_239 : i32
        %get3A_350 = arith.index_cast %add3A_349 : i32 to index
        %get3A_351 = arith.constant 48 : index
        %get3A_352 = tpu.vector_load %arg26[%get3A_350, %get3A_351] {strides = array<i32>} : memref<96x128xf32, #tpu.memory_space<vmem>>, vector<16xf32>,
        %sub3A_353 = arith.subf %get3A_301, %get3A_306 : vector<16xf32>
        %mul3A_354 = arith.mulf %gather3A, %sub3A_353 : vector<16xf32>
        %swap3A_355 = arith.index_cast %add3A_237 : i32 to index
        %swap3A_356 = arith.constant 32 : index
        %swap3A_357 = tpu.vector_load %arg27[%swap3A_355, %swap3A_356] {strides = array<i32>} : memref<48x128xf32, #tpu.memory_space<vmem>>, vector<16xf32>,
        tpu.vector_store %arg27[%swap3A_355, %swap3A_356], %mul3A_354 {strides = array<i32>} : memref<48x128xf32, #tpu.memory_space<vmem>>, vector<16xf32>,
        %neg3A_358 = arith.constant 0.000000e+00 : f32
        %neg3A_359 = vector.broadcast %neg3A_358 : f32 to vector<16xf32>
        %neg3A_360 = arith.subf %neg3A_359, %mul3A_354 : vector<16xf32>
        %swap3A_361 = arith.index_cast %add3A_237 : i32 to index
        %swap3A_362 = arith.constant 32 : index
        %swap3A_363 = tpu.vector_load %arg28[%swap3A_361, %swap3A_362] {strides = array<i32>} : memref<48x128xf32, #tpu.memory_space<vmem>>, vector<16xf32>,
        tpu.vector_store %arg28[%swap3A_361, %swap3A_362], %neg3A_360 {strides = array<i32>} : memref<48x128xf32, #tpu.memory_space<vmem>>, vector<16xf32>,
        %sub3A_364 = arith.subf %get3A_309, %get3A_314 : vector<16xf32>
        %mul3A_365 = arith.mulf %gather3A_248, %sub3A_364 : vector<16xf32>
        %swap3A_366 = arith.index_cast %add3A_239 : i32 to index
        %swap3A_367 = arith.constant 32 : index
        %swap3A_368 = tpu.vector_load %arg27[%swap3A_366, %swap3A_367] {strides = array<i32>} : memref<48x128xf32, #tpu.memory_space<vmem>>, vector<16xf32>,
        tpu.vector_store %arg27[%swap3A_366, %swap3A_367], %mul3A_365 {strides = array<i32>} : memref<48x128xf32, #tpu.memory_space<vmem>>, vector<16xf32>,
        %neg3A_369 = arith.constant 0.000000e+00 : f32
        %neg3A_370 = vector.broadcast %neg3A_369 : f32 to vector<16xf32>
        %neg3A_371 = arith.subf %neg3A_370, %mul3A_365 : vector<16xf32>
        %swap3A_372 = arith.index_cast %add3A_239 : i32 to index
        %swap3A_373 = arith.constant 32 : index
        %swap3A_374 = tpu.vector_load %arg28[%swap3A_372, %swap3A_373] {strides = array<i32>} : memref<48x128xf32, #tpu.memory_space<vmem>>, vector<16xf32>,
        tpu.vector_store %arg28[%swap3A_372, %swap3A_373], %neg3A_371 {strides = array<i32>} : memref<48x128xf32, #tpu.memory_space<vmem>>, vector<16xf32>,
        %get3A_375 = arith.index_cast %add3A_237 : i32 to index
        %get3A_376 = arith.constant 64 : index
        %get3A_377 = tpu.vector_load %arg26[%get3A_375, %get3A_376] {strides = array<i32>} : memref<96x128xf32, #tpu.memory_space<vmem>>, vector<16xf32>,
        %add3A_378 = arith.constant 48 : i32
        %add3A_379 = arith.addi %add3A_378, %add3A_237 : i32
        %get3A_380 = arith.index_cast %add3A_379 : i32 to index
        %get3A_381 = arith.constant 64 : index
        %get3A_382 = tpu.vector_load %arg26[%get3A_380, %get3A_381] {strides = array<i32>} : memref<96x128xf32, #tpu.memory_space<vmem>>, vector<16xf32>,
        %get3A_383 = arith.index_cast %add3A_239 : i32 to index
        %get3A_384 = arith.constant 64 : index
        %get3A_385 = tpu.vector_load %arg26[%get3A_383, %get3A_384] {strides = array<i32>} : memref<96x128xf32, #tpu.memory_space<vmem>>, vector<16xf32>,
        %add3A_386 = arith.constant 48 : i32
        %add3A_387 = arith.addi %add3A_386, %add3A_239 : i32
        %get3A_388 = arith.index_cast %add3A_387 : i32 to index
        %get3A_389 = arith.constant 64 : index
        %get3A_390 = tpu.vector_load %arg26[%get3A_388, %get3A_389] {strides = array<i32>} : memref<96x128xf32, #tpu.memory_space<vmem>>, vector<16xf32>,
        %sub3A_391 = arith.subf %get3A_339, %get3A_344 : vector<16xf32>
        %mul3A_392 = arith.mulf %gather3A, %sub3A_391 : vector<16xf32>
        %swap3A_393 = arith.index_cast %add3A_237 : i32 to index
        %swap3A_394 = arith.constant 48 : index
        %swap3A_395 = tpu.vector_load %arg27[%swap3A_393, %swap3A_394] {strides = array<i32>} : memref<48x128xf32, #tpu.memory_space<vmem>>, vector<16xf32>,
        tpu.vector_store %arg27[%swap3A_393, %swap3A_394], %mul3A_392 {strides = array<i32>} : memref<48x128xf32, #tpu.memory_space<vmem>>, vector<16xf32>,
        %neg3A_396 = arith.constant 0.000000e+00 : f32
        %neg3A_397 = vector.broadcast %neg3A_396 : f32 to vector<16xf32>
        %neg3A_398 = arith.subf %neg3A_397, %mul3A_392 : vector<16xf32>
        %swap3A_399 = arith.index_cast %add3A_237 : i32 to index
        %swap3A_400 = arith.constant 48 : index
        %swap3A_401 = tpu.vector_load %arg28[%swap3A_399, %swap3A_400] {strides = array<i32>} : memref<48x128xf32, #tpu.memory_space<vmem>>, vector<16xf32>,
        tpu.vector_store %arg28[%swap3A_399, %swap3A_400], %neg3A_398 {strides = array<i32>} : memref<48x128xf32, #tpu.memory_space<vmem>>, vector<16xf32>,
        %sub3A_402 = arith.subf %get3A_347, %get3A_352 : vector<16xf32>
        %mul3A_403 = arith.mulf %gather3A_248, %sub3A_402 : vector<16xf32>
        %swap3A_404 = arith.index_cast %add3A_239 : i32 to index
        %swap3A_405 = arith.constant 48 : index
        %swap3A_406 = tpu.vector_load %arg27[%swap3A_404, %swap3A_405] {strides = array<i32>} : memref<48x128xf32, #tpu.memory_space<vmem>>, vector<16xf32>,
        tpu.vector_store %arg27[%swap3A_404, %swap3A_405], %mul3A_403 {strides = array<i32>} : memref<48x128xf32, #tpu.memory_space<vmem>>, vector<16xf32>,
        %neg3A_407 = arith.constant 0.000000e+00 : f32
        %neg3A_408 = vector.broadcast %neg3A_407 : f32 to vector<16xf32>
        %neg3A_409 = arith.subf %neg3A_408, %mul3A_403 : vector<16xf32>
        %swap3A_410 = arith.index_cast %add3A_239 : i32 to index
        %swap3A_411 = arith.constant 48 : index
        %swap3A_412 = tpu.vector_load %arg28[%swap3A_410, %swap3A_411] {strides = array<i32>} : memref<48x128xf32, #tpu.memory_space<vmem>>, vector<16xf32>,
        tpu.vector_store %arg28[%swap3A_410, %swap3A_411], %neg3A_409 {strides = array<i32>} : memref<48x128xf32, #tpu.memory_space<vmem>>, vector<16xf32>,
        %get3A_413 = arith.index_cast %add3A_237 : i32 to index
        %get3A_414 = arith.constant 80 : index
        %get3A_415 = tpu.vector_load %arg26[%get3A_413, %get3A_414] {strides = array<i32>} : memref<96x128xf32, #tpu.memory_space<vmem>>, vector<16xf32>,
        %add3A_416 = arith.constant 48 : i32
        %add3A_417 = arith.addi %add3A_416, %add3A_237 : i32
        %get3A_418 = arith.index_cast %add3A_417 : i32 to index
        %get3A_419 = arith.constant 80 : index
        %get3A_420 = tpu.vector_load %arg26[%get3A_418, %get3A_419] {strides = array<i32>} : memref<96x128xf32, #tpu.memory_space<vmem>>, vector<16xf32>,
        %get3A_421 = arith.index_cast %add3A_239 : i32 to index
        %get3A_422 = arith.constant 80 : index
        %get3A_423 = tpu.vector_load %arg26[%get3A_421, %get3A_422] {strides = array<i32>} : memref<96x128xf32, #tpu.memory_space<vmem>>, vector<16xf32>,
        %add3A_424 = arith.constant 48 : i32
        %add3A_425 = arith.addi %add3A_424, %add3A_239 : i32
        %get3A_426 = arith.index_cast %add3A_425 : i32 to index
        %get3A_427 = arith.constant 80 : index
        %get3A_428 = tpu.vector_load %arg26[%get3A_426, %get3A_427] {strides = array<i32>} : memref<96x128xf32, #tpu.memory_space<vmem>>, vector<16xf32>,
        %sub3A_429 = arith.subf %get3A_377, %get3A_382 : vector<16xf32>
        %mul3A_430 = arith.mulf %gather3A, %sub3A_429 : vector<16xf32>
        %swap3A_431 = arith.index_cast %add3A_237 : i32 to index
        %swap3A_432 = arith.constant 64 : index
        %swap3A_433 = tpu.vector_load %arg27[%swap3A_431, %swap3A_432] {strides = array<i32>} : memref<48x128xf32, #tpu.memory_space<vmem>>, vector<16xf32>,
        tpu.vector_store %arg27[%swap3A_431, %swap3A_432], %mul3A_430 {strides = array<i32>} : memref<48x128xf32, #tpu.memory_space<vmem>>, vector<16xf32>,
        %neg3A_434 = arith.constant 0.000000e+00 : f32
        %neg3A_435 = vector.broadcast %neg3A_434 : f32 to vector<16xf32>
        %neg3A_436 = arith.subf %neg3A_435, %mul3A_430 : vector<16xf32>
        %swap3A_437 = arith.index_cast %add3A_237 : i32 to index
        %swap3A_438 = arith.constant 64 : index
        %swap3A_439 = tpu.vector_load %arg28[%swap3A_437, %swap3A_438] {strides = array<i32>} : memref<48x128xf32, #tpu.memory_space<vmem>>, vector<16xf32>,
        tpu.vector_store %arg28[%swap3A_437, %swap3A_438], %neg3A_436 {strides = array<i32>} : memref<48x128xf32, #tpu.memory_space<vmem>>, vector<16xf32>,
        %sub3A_440 = arith.subf %get3A_385, %get3A_390 : vector<16xf32>
        %mul3A_441 = arith.mulf %gather3A_248, %sub3A_440 : vector<16xf32>
        %swap3A_442 = arith.index_cast %add3A_239 : i32 to index
        %swap3A_443 = arith.constant 64 : index
        %swap3A_444 = tpu.vector_load %arg27[%swap3A_442, %swap3A_443] {strides = array<i32>} : memref<48x128xf32, #tpu.memory_space<vmem>>, vector<16xf32>,
        tpu.vector_store %arg27[%swap3A_442, %swap3A_443], %mul3A_441 {strides = array<i32>} : memref<48x128xf32, #tpu.memory_space<vmem>>, vector<16xf32>,
        %neg3A_445 = arith.constant 0.000000e+00 : f32
        %neg3A_446 = vector.broadcast %neg3A_445 : f32 to vector<16xf32>
        %neg3A_447 = arith.subf %neg3A_446, %mul3A_441 : vector<16xf32>
        %swap3A_448 = arith.index_cast %add3A_239 : i32 to index
        %swap3A_449 = arith.constant 64 : index
        %swap3A_450 = tpu.vector_load %arg28[%swap3A_448, %swap3A_449] {strides = array<i32>} : memref<48x128xf32, #tpu.memory_space<vmem>>, vector<16xf32>,
        tpu.vector_store %arg28[%swap3A_448, %swap3A_449], %neg3A_447 {strides = array<i32>} : memref<48x128xf32, #tpu.memory_space<vmem>>, vector<16xf32>,
        %get3A_451 = arith.index_cast %add3A_237 : i32 to index
        %get3A_452 = arith.constant 96 : index
        %get3A_453 = tpu.vector_load %arg26[%get3A_451, %get3A_452] {strides = array<i32>} : memref<96x128xf32, #tpu.memory_space<vmem>>, vector<16xf32>,
        %add3A_454 = arith.constant 48 : i32
        %add3A_455 = arith.addi %add3A_454, %add3A_237 : i32
        %get3A_456 = arith.index_cast %add3A_455 : i32 to index
        %get3A_457 = arith.constant 96 : index
        %get3A_458 = tpu.vector_load %arg26[%get3A_456, %get3A_457] {strides = array<i32>} : memref<96x128xf32, #tpu.memory_space<vmem>>, vector<16xf32>,
        %get3A_459 = arith.index_cast %add3A_239 : i32 to index
        %get3A_460 = arith.constant 96 : index
        %get3A_461 = tpu.vector_load %arg26[%get3A_459, %get3A_460] {strides = array<i32>} : memref<96x128xf32, #tpu.memory_space<vmem>>, vector<16xf32>,
        %add3A_462 = arith.constant 48 : i32
        %add3A_463 = arith.addi %add3A_462, %add3A_239 : i32
        %get3A_464 = arith.index_cast %add3A_463 : i32 to index
        %get3A_465 = arith.constant 96 : index
        %get3A_466 = tpu.vector_load %arg26[%get3A_464, %get3A_465] {strides = array<i32>} : memref<96x128xf32, #tpu.memory_space<vmem>>, vector<16xf32>,
        %sub3A_467 = arith.subf %get3A_415, %get3A_420 : vector<16xf32>
        %mul3A_468 = arith.mulf %gather3A, %sub3A_467 : vector<16xf32>
        %swap3A_469 = arith.index_cast %add3A_237 : i32 to index
        %swap3A_470 = arith.constant 80 : index
        %swap3A_471 = tpu.vector_load %arg27[%swap3A_469, %swap3A_470] {strides = array<i32>} : memref<48x128xf32, #tpu.memory_space<vmem>>, vector<16xf32>,
        tpu.vector_store %arg27[%swap3A_469, %swap3A_470], %mul3A_468 {strides = array<i32>} : memref<48x128xf32, #tpu.memory_space<vmem>>, vector<16xf32>,
        %neg3A_472 = arith.constant 0.000000e+00 : f32
        %neg3A_473 = vector.broadcast %neg3A_472 : f32 to vector<16xf32>
        %neg3A_474 = arith.subf %neg3A_473, %mul3A_468 : vector<16xf32>
        %swap3A_475 = arith.index_cast %add3A_237 : i32 to index
        %swap3A_476 = arith.constant 80 : index
        %swap3A_477 = tpu.vector_load %arg28[%swap3A_475, %swap3A_476] {strides = array<i32>} : memref<48x128xf32, #tpu.memory_space<vmem>>, vector<16xf32>,
        tpu.vector_store %arg28[%swap3A_475, %swap3A_476], %neg3A_474 {strides = array<i32>} : memref<48x128xf32, #tpu.memory_space<vmem>>, vector<16xf32>,
        %sub3A_478 = arith.subf %get3A_423, %get3A_428 : vector<16xf32>
        %mul3A_479 = arith.mulf %gather3A_248, %sub3A_478 : vector<16xf32>
        %swap3A_480 = arith.index_cast %add3A_239 : i32 to index
        %swap3A_481 = arith.constant 80 : index
        %swap3A_482 = tpu.vector_load %arg27[%swap3A_480, %swap3A_481] {strides = array<i32>} : memref<48x128xf32, #tpu.memory_space<vmem>>, vector<16xf32>,
        tpu.vector_store %arg27[%swap3A_480, %swap3A_481], %mul3A_479 {strides = array<i32>} : memref<48x128xf32, #tpu.memory_space<vmem>>, vector<16xf32>,
        %neg3A_483 = arith.constant 0.000000e+00 : f32
        %neg3A_484 = vector.broadcast %neg3A_483 : f32 to vector<16xf32>
        %neg3A_485 = arith.subf %neg3A_484, %mul3A_479 : vector<16xf32>
        %swap3A_486 = arith.index_cast %add3A_239 : i32 to index
        %swap3A_487 = arith.constant 80 : index
        %swap3A_488 = tpu.vector_load %arg28[%swap3A_486, %swap3A_487] {strides = array<i32>} : memref<48x128xf32, #tpu.memory_space<vmem>>, vector<16xf32>,
        tpu.vector_store %arg28[%swap3A_486, %swap3A_487], %neg3A_485 {strides = array<i32>} : memref<48x128xf32, #tpu.memory_space<vmem>>, vector<16xf32>,
        %get3A_489 = arith.index_cast %add3A_237 : i32 to index
        %get3A_490 = arith.constant 112 : index
        %get3A_491 = tpu.vector_load %arg26[%get3A_489, %get3A_490] {strides = array<i32>} : memref<96x128xf32, #tpu.memory_space<vmem>>, vector<16xf32>,
        %add3A_492 = arith.constant 48 : i32
        %add3A_493 = arith.addi %add3A_492, %add3A_237 : i32
        %get3A_494 = arith.index_cast %add3A_493 : i32 to index
        %get3A_495 = arith.constant 112 : index
        %get3A_496 = tpu.vector_load %arg26[%get3A_494, %get3A_495] {strides = array<i32>} : memref<96x128xf32, #tpu.memory_space<vmem>>, vector<16xf32>,
        %get3A_497 = arith.index_cast %add3A_239 : i32 to index
        %get3A_498 = arith.constant 112 : index
        %get3A_499 = tpu.vector_load %arg26[%get3A_497, %get3A_498] {strides = array<i32>} : memref<96x128xf32, #tpu.memory_space<vmem>>, vector<16xf32>,
        %add3A_500 = arith.constant 48 : i32
        %add3A_501 = arith.addi %add3A_500, %add3A_239 : i32
        %get3A_502 = arith.index_cast %add3A_501 : i32 to index
        %get3A_503 = arith.constant 112 : index
        %get3A_504 = tpu.vector_load %arg26[%get3A_502, %get3A_503] {strides = array<i32>} : memref<96x128xf32, #tpu.memory_space<vmem>>, vector<16xf32>,
        %sub3A_505 = arith.subf %get3A_453, %get3A_458 : vector<16xf32>
        %mul3A_506 = arith.mulf %gather3A, %sub3A_505 : vector<16xf32>
        %swap3A_507 = arith.index_cast %add3A_237 : i32 to index
        %swap3A_508 = arith.constant 96 : index
        %swap3A_509 = tpu.vector_load %arg27[%swap3A_507, %swap3A_508] {strides = array<i32>} : memref<48x128xf32, #tpu.memory_space<vmem>>, vector<16xf32>,
        tpu.vector_store %arg27[%swap3A_507, %swap3A_508], %mul3A_506 {strides = array<i32>} : memref<48x128xf32, #tpu.memory_space<vmem>>, vector<16xf32>,
        %neg3A_510 = arith.constant 0.000000e+00 : f32
        %neg3A_511 = vector.broadcast %neg3A_510 : f32 to vector<16xf32>
        %neg3A_512 = arith.subf %neg3A_511, %mul3A_506 : vector<16xf32>
        %swap3A_513 = arith.index_cast %add3A_237 : i32 to index
        %swap3A_514 = arith.constant 96 : index
        %swap3A_515 = tpu.vector_load %arg28[%swap3A_513, %swap3A_514] {strides = array<i32>} : memref<48x128xf32, #tpu.memory_space<vmem>>, vector<16xf32>,
        tpu.vector_store %arg28[%swap3A_513, %swap3A_514], %neg3A_512 {strides = array<i32>} : memref<48x128xf32, #tpu.memory_space<vmem>>, vector<16xf32>,
        %sub3A_516 = arith.subf %get3A_461, %get3A_466 : vector<16xf32>
        %mul3A_517 = arith.mulf %gather3A_248, %sub3A_516 : vector<16xf32>
        %swap3A_518 = arith.index_cast %add3A_239 : i32 to index
        %swap3A_519 = arith.constant 96 : index
        %swap3A_520 = tpu.vector_load %arg27[%swap3A_518, %swap3A_519] {strides = array<i32>} : memref<48x128xf32, #tpu.memory_space<vmem>>, vector<16xf32>,
        tpu.vector_store %arg27[%swap3A_518, %swap3A_519], %mul3A_517 {strides = array<i32>} : memref<48x128xf32, #tpu.memory_space<vmem>>, vector<16xf32>,
        %neg3A_521 = arith.constant 0.000000e+00 : f32
        %neg3A_522 = vector.broadcast %neg3A_521 : f32 to vector<16xf32>
        %neg3A_523 = arith.subf %neg3A_522, %mul3A_517 : vector<16xf32>
        %swap3A_524 = arith.index_cast %add3A_239 : i32 to index
        %swap3A_525 = arith.constant 96 : index
        %swap3A_526 = tpu.vector_load %arg28[%swap3A_524, %swap3A_525] {strides = array<i32>} : memref<48x128xf32, #tpu.memory_space<vmem>>, vector<16xf32>,
        tpu.vector_store %arg28[%swap3A_524, %swap3A_525], %neg3A_523 {strides = array<i32>} : memref<48x128xf32, #tpu.memory_space<vmem>>, vector<16xf32>,
        %sub3A_527 = arith.subf %get3A_491, %get3A_496 : vector<16xf32>
        %mul3A_528 = arith.mulf %gather3A, %sub3A_527 : vector<16xf32>
        %swap3A_529 = arith.index_cast %add3A_237 : i32 to index
        %swap3A_530 = arith.constant 112 : index
        %swap3A_531 = tpu.vector_load %arg27[%swap3A_529, %swap3A_530] {strides = array<i32>} : memref<48x128xf32, #tpu.memory_space<vmem>>, vector<16xf32>,
        tpu.vector_store %arg27[%swap3A_529, %swap3A_530], %mul3A_528 {strides = array<i32>} : memref<48x128xf32, #tpu.memory_space<vmem>>, vector<16xf32>,
        %neg3A_532 = arith.constant 0.000000e+00 : f32
        %neg3A_533 = vector.broadcast %neg3A_532 : f32 to vector<16xf32>
        %neg3A_534 = arith.subf %neg3A_533, %mul3A_528 : vector<16xf32>
        %swap3A_535 = arith.index_cast %add3A_237 : i32 to index
        %swap3A_536 = arith.constant 112 : index
        %swap3A_537 = tpu.vector_load %arg28[%swap3A_535, %swap3A_536] {strides = array<i32>} : memref<48x128xf32, #tpu.memory_space<vmem>>, vector<16xf32>,
        tpu.vector_store %arg28[%swap3A_535, %swap3A_536], %neg3A_534 {strides = array<i32>} : memref<48x128xf32, #tpu.memory_space<vmem>>, vector<16xf32>,
        %sub3A_538 = arith.subf %get3A_499, %get3A_504 : vector<16xf32>
        %mul3A_539 = arith.mulf %gather3A_248, %sub3A_538 : vector<16xf32>
        %swap3A_540 = arith.index_cast %add3A_239 : i32 to index
        %swap3A_541 = arith.constant 112 : index
        %swap3A_542 = tpu.vector_load %arg27[%swap3A_540, %swap3A_541] {strides = array<i32>} : memref<48x128xf32, #tpu.memory_space<vmem>>, vector<16xf32>,
        tpu.vector_store %arg27[%swap3A_540, %swap3A_541], %mul3A_539 {strides = array<i32>} : memref<48x128xf32, #tpu.memory_space<vmem>>, vector<16xf32>,
        %neg3A_543 = arith.constant 0.000000e+00 : f32
        %neg3A_544 = vector.broadcast %neg3A_543 : f32 to vector<16xf32>
        %neg3A_545 = arith.subf %neg3A_544, %mul3A_539 : vector<16xf32>
        %swap3A_546 = arith.index_cast %add3A_239 : i32 to index
        %swap3A_547 = arith.constant 112 : index
        %swap3A_548 = tpu.vector_load %arg28[%swap3A_546, %swap3A_547] {strides = array<i32>} : memref<48x128xf32, #tpu.memory_space<vmem>>, vector<16xf32>,
        tpu.vector_store %arg28[%swap3A_546, %swap3A_547], %neg3A_545 {strides = array<i32>} : memref<48x128xf32, #tpu.memory_space<vmem>>, vector<16xf32>,
      }
      %scan3A_132 = arith.constant 24 : i32
      %dma_start3A_133 = arith.constant 0 : i32
      %dma_start3A_134 = arith.constant 0 : i32
      %dma_start3A_135 = tpu.memref_slice %arg29[%dma_start3A_133, %dma_start3A_134] : memref<10240x128xf32, #tpu.memory_space<vmem_shared>> -> memref<10240x128xf32, #tpu.memory_space<vmem_shared>>
      tpu.enqueue_indirect_dma source(%arg27 : memref<48x128xf32, #tpu.memory_space<vmem>>) target(%dma_start3A_135 : memref<10240x128xf32, #tpu.memory_space<vmem_shared>>) offsets(%arg18 : memref<48xi32, #tpu.memory_space<vmem>>) semaphore(%arg35 : memref<!tpu.dma_semaphore, #tpu.memory_space<semaphore_mem>>) {add = true}
      %dma_start3A_136 = arith.constant 0 : i32
      %dma_start3A_137 = arith.constant 0 : i32
      %dma_start3A_138 = tpu.memref_slice %arg29[%dma_start3A_136, %dma_start3A_137] : memref<10240x128xf32, #tpu.memory_space<vmem_shared>> -> memref<10240x128xf32, #tpu.memory_space<vmem_shared>>
      tpu.enqueue_indirect_dma source(%arg28 : memref<48x128xf32, #tpu.memory_space<vmem>>) target(%dma_start3A_138 : memref<10240x128xf32, #tpu.memory_space<vmem_shared>>) offsets(%arg22 : memref<48xi32, #tpu.memory_space<vmem>>) semaphore(%arg35 : memref<!tpu.dma_semaphore, #tpu.memory_space<semaphore_mem>>) {add = true}
      %mul3A_139 = arith.constant 4 : i32
      %mul3A_140 = arith.muli %add3A_49, %mul3A_139 : i32
      %add3A_141 = arith.constant 2 : i32
      %add3A_142 = arith.addi %mul3A_140, %add3A_141 : i32
      %dma_wait3A_143 = arith.constant 0 : i32
      %dma_wait3A_144 = arith.constant 0 : i32
      %dma_wait3A_145 = tpu.memref_slice %arg2[%dma_wait3A_143, %dma_wait3A_144] : memref<20480x128xf32, #tpu.memory_space<hbm>> -> memref<20480x128xf32, #tpu.memory_space<hbm>>
      tpu.wait_indirect_dma semaphore(%arg30 : memref<!tpu.dma_semaphore, #tpu.memory_space<semaphore_mem>>) src(%dma_wait3A_145 : memref<20480x128xf32, #tpu.memory_space<hbm>>) dst(%arg25 : memref<96x128xf32, #tpu.memory_space<vmem>>)
      %ge3A_146 = arith.constant 1 : i32
      %ge3A_147 = arith.cmpi sge, %add3A_142, %ge3A_146 : i32
      %add3A_148 = arith.constant 1 : i32
      %add3A_149 = arith.addi %add3A_142, %add3A_148 : i32
      %lt3A_150 = arith.constant 212 : i32
      %lt3A_151 = arith.cmpi slt, %add3A_149, %lt3A_150 : i32
      %and3A_152 = arith.andi %ge3A_147, %lt3A_151 : i1
      %convert_element_type3A_153 = arith.extui %and3A_152 : i1 to i32
      %cond3A_154 = arith.constant 0 : i32
      %cond3A_155 = arith.cmpi ne, %convert_element_type3A_153, %cond3A_154 : i32
      scf.if %cond3A_155 {
        %dma_wait3A_233 = arith.constant 0 : i32
        %dma_wait3A_234 = tpu.memref_slice %arg4[%dma_wait3A_233] : memref<162816xi32, #tpu.memory_space<hbm>> -> memref<48xi32, #tpu.memory_space<hbm>>
        %dma_wait3A_235 = arith.constant 0 : i32
        %dma_wait3A_236 = tpu.memref_slice %arg4[%dma_wait3A_235] : memref<162816xi32, #tpu.memory_space<hbm>> -> memref<48xi32, #tpu.memory_space<hbm>>
        tpu.wait_dma2 semaphore(%arg33 : memref<!tpu.dma_semaphore, #tpu.memory_space<semaphore_mem>>) src(%dma_wait3A_236 : memref<48xi32, #tpu.memory_space<hbm>>) dst(%arg8 : memref<48xi32, #tpu.memory_space<vmem>>)
        %dma_wait3A_237 = arith.constant 0 : i32
        %dma_wait3A_238 = tpu.memref_slice %arg5[%dma_wait3A_237] : memref<162816xi32, #tpu.memory_space<hbm>> -> memref<48xi32, #tpu.memory_space<hbm>>
        %dma_wait3A_239 = arith.constant 0 : i32
        %dma_wait3A_240 = tpu.memref_slice %arg5[%dma_wait3A_239] : memref<162816xi32, #tpu.memory_space<hbm>> -> memref<48xi32, #tpu.memory_space<hbm>>
        tpu.wait_dma2 semaphore(%arg33 : memref<!tpu.dma_semaphore, #tpu.memory_space<semaphore_mem>>) src(%dma_wait3A_240 : memref<48xi32, #tpu.memory_space<hbm>>) dst(%arg10 : memref<48xi32, #tpu.memory_space<vmem>>)
        %dma_wait3A_241 = arith.constant 0 : i32
        %dma_wait3A_242 = tpu.memref_slice %arg3[%dma_wait3A_241] : memref<162816xf32, #tpu.memory_space<hbm>> -> memref<48xf32, #tpu.memory_space<hbm>>
        %dma_wait3A_243 = arith.constant 0 : i32
        %dma_wait3A_244 = tpu.memref_slice %arg3[%dma_wait3A_243] : memref<162816xf32, #tpu.memory_space<hbm>> -> memref<48xf32, #tpu.memory_space<hbm>>
        tpu.wait_dma2 semaphore(%arg33 : memref<!tpu.dma_semaphore, #tpu.memory_space<semaphore_mem>>) src(%dma_wait3A_244 : memref<48xf32, #tpu.memory_space<hbm>>) dst(%arg12 : memref<48xf32, #tpu.memory_space<vmem>>)
      } else {
      }
      %add3A_156 = arith.constant 1 : i32
      %add3A_157 = arith.addi %add3A_142, %add3A_156 : i32
      %lt3A_158 = arith.constant 212 : i32
      %lt3A_159 = arith.cmpi slt, %add3A_157, %lt3A_158 : i32
      %convert_element_type3A_160 = arith.extui %lt3A_159 : i1 to i32
      %cond3A_161 = arith.constant 0 : i32
      %cond3A_162 = arith.cmpi ne, %convert_element_type3A_160, %cond3A_161 : i32
      scf.if %cond3A_162 {
        %scan3A_233 = arith.constant 0 : i32
        %scan3A_234 = arith.constant 3 : i32
        %scan3A_235 = arith.addi %scan3A_233, %scan3A_234 : i32
        %scan3A_236 = arith.constant 1 : i32
        scf.for %scan3A_241 = %scan3A_233 to %scan3A_235 step %scan3A_236  : i32 {
          %mul3A_242 = arith.constant 1 : i32
          %mul3A_243 = arith.muli %scan3A_241, %mul3A_242 : i32
          %add3A_244 = arith.constant 0 : i32
          %add3A_245 = arith.addi %add3A_244, %mul3A_243 : i32
          %mul3A_246 = arith.constant 16 : i32
          %mul3A_247 = arith.muli %add3A_245, %mul3A_246 : i32
          %get3A = arith.index_cast %mul3A_247 : i32 to index
          %get3A_248 = tpu.vector_load %arg12[%get3A] {strides = array<i32>} : memref<48xf32, #tpu.memory_space<vmem>>, vector<16xf32>,
          %mul3A_249 = arith.mulf %get3A_248, %get3A_248 : vector<16xf32>
          %swap3A = arith.index_cast %mul3A_247 : i32 to index
          %swap3A_250 = tpu.vector_load %arg14[%swap3A] {strides = array<i32>} : memref<48xf32, #tpu.memory_space<vmem>>, vector<16xf32>,
          tpu.vector_store %arg14[%swap3A], %mul3A_249 {strides = array<i32>} : memref<48xf32, #tpu.memory_space<vmem>>, vector<16xf32>,
          %get3A_251 = arith.index_cast %mul3A_247 : i32 to index
          %get3A_252 = tpu.vector_load %arg8[%get3A_251] {strides = array<i32>} : memref<48xi32, #tpu.memory_space<vmem>>, vector<16xi32>,
          %get3A_253 = arith.index_cast %mul3A_247 : i32 to index
          %get3A_254 = tpu.vector_load %arg10[%get3A_253] {strides = array<i32>} : memref<48xi32, #tpu.memory_space<vmem>>, vector<16xi32>,
          %add3A_255 = vector.broadcast %mul3A_1 : i32 to vector<16xi32>
          %add3A_256 = arith.addi %get3A_252, %add3A_255 : vector<16xi32>
          %swap3A_257 = arith.index_cast %mul3A_247 : i32 to index
          %swap3A_258 = tpu.vector_load %arg16[%swap3A_257] {strides = array<i32>} : memref<96xi32, #tpu.memory_space<vmem>>, vector<16xi32>,
          tpu.vector_store %arg16[%swap3A_257], %add3A_256 {strides = array<i32>} : memref<96xi32, #tpu.memory_space<vmem>>, vector<16xi32>,
          %add3A_259 = vector.broadcast %mul3A_1 : i32 to vector<16xi32>
          %add3A_260 = arith.addi %get3A_254, %add3A_259 : vector<16xi32>
          %mul3A_261 = arith.constant 16 : i32
          %mul3A_262 = arith.muli %add3A_245, %mul3A_261 : i32
          %add3A_263 = arith.constant 48 : i32
          %add3A_264 = arith.addi %add3A_263, %mul3A_262 : i32
          %swap3A_265 = arith.index_cast %add3A_264 : i32 to index
          %swap3A_266 = tpu.vector_load %arg16[%swap3A_265] {strides = array<i32>} : memref<96xi32, #tpu.memory_space<vmem>>, vector<16xi32>,
          tpu.vector_store %arg16[%swap3A_265], %add3A_260 {strides = array<i32>} : memref<96xi32, #tpu.memory_space<vmem>>, vector<16xi32>,
          %swap3A_267 = arith.index_cast %mul3A_247 : i32 to index
          %swap3A_268 = tpu.vector_load %arg20[%swap3A_267] {strides = array<i32>} : memref<48xi32, #tpu.memory_space<vmem>>, vector<16xi32>,
          tpu.vector_store %arg20[%swap3A_267], %get3A_252 {strides = array<i32>} : memref<48xi32, #tpu.memory_space<vmem>>, vector<16xi32>,
          %swap3A_269 = arith.index_cast %mul3A_247 : i32 to index
          %swap3A_270 = tpu.vector_load %arg24[%swap3A_269] {strides = array<i32>} : memref<48xi32, #tpu.memory_space<vmem>>, vector<16xi32>,
          tpu.vector_store %arg24[%swap3A_269], %get3A_254 {strides = array<i32>} : memref<48xi32, #tpu.memory_space<vmem>>, vector<16xi32>,
        }
        %scan3A_237 = arith.constant 3 : i32
        %dma_start3A_238 = arith.constant 0 : i32
        %dma_start3A_239 = arith.constant 0 : i32
        %dma_start3A_240 = tpu.memref_slice %arg2[%dma_start3A_238, %dma_start3A_239] : memref<20480x128xf32, #tpu.memory_space<hbm>> -> memref<20480x128xf32, #tpu.memory_space<hbm>>
        tpu.enqueue_indirect_dma source(%dma_start3A_240 : memref<20480x128xf32, #tpu.memory_space<hbm>>) target(%arg26 : memref<96x128xf32, #tpu.memory_space<vmem>>) offsets(%arg16 : memref<96xi32, #tpu.memory_space<vmem>>) semaphore(%arg31 : memref<!tpu.dma_semaphore, #tpu.memory_space<semaphore_mem>>)
      } else {
      }
      %add3A_163 = arith.constant 2 : i32
      %add3A_164 = arith.addi %add3A_142, %add3A_163 : i32
      %lt3A_165 = arith.constant 212 : i32
      %lt3A_166 = arith.cmpi slt, %add3A_164, %lt3A_165 : i32
      %convert_element_type3A_167 = arith.extui %lt3A_166 : i1 to i32
      %cond3A_168 = arith.constant 0 : i32
      %cond3A_169 = arith.cmpi ne, %convert_element_type3A_167, %cond3A_168 : i32
      scf.if %cond3A_169 {
        %add3A_233 = arith.constant 2 : i32
        %add3A_234 = arith.addi %add3A_142, %add3A_233 : i32
        %mul3A_235 = arith.constant 212 : i32
        %mul3A_236 = arith.muli %arg1, %mul3A_235 : i32
        %add3A_237 = arith.addi %mul3A_236, %add3A_234 : i32
        %mul3A_238 = arith.constant 48 : i32
        %mul3A_239 = arith.muli %add3A_237, %mul3A_238 : i32
        %dma_start3A_240 = tpu.memref_slice %arg4[%mul3A_239] : memref<162816xi32, #tpu.memory_space<hbm>> -> memref<48xi32, #tpu.memory_space<hbm>>
        %dma_start3A_241 = tpu.memref_slice %arg4[%mul3A_239] : memref<162816xi32, #tpu.memory_space<hbm>> -> memref<48xi32, #tpu.memory_space<hbm>>
        tpu.enqueue_dma source(%dma_start3A_241 : memref<48xi32, #tpu.memory_space<hbm>>) target(%arg7 : memref<48xi32, #tpu.memory_space<vmem>>) target_semaphore(%arg32 : memref<!tpu.dma_semaphore, #tpu.memory_space<semaphore_mem>>)
        %dma_start3A_242 = tpu.memref_slice %arg5[%mul3A_239] : memref<162816xi32, #tpu.memory_space<hbm>> -> memref<48xi32, #tpu.memory_space<hbm>>
        %dma_start3A_243 = tpu.memref_slice %arg5[%mul3A_239] : memref<162816xi32, #tpu.memory_space<hbm>> -> memref<48xi32, #tpu.memory_space<hbm>>
        tpu.enqueue_dma source(%dma_start3A_243 : memref<48xi32, #tpu.memory_space<hbm>>) target(%arg9 : memref<48xi32, #tpu.memory_space<vmem>>) target_semaphore(%arg32 : memref<!tpu.dma_semaphore, #tpu.memory_space<semaphore_mem>>)
        %dma_start3A_244 = tpu.memref_slice %arg3[%mul3A_239] : memref<162816xf32, #tpu.memory_space<hbm>> -> memref<48xf32, #tpu.memory_space<hbm>>
        %dma_start3A_245 = tpu.memref_slice %arg3[%mul3A_239] : memref<162816xf32, #tpu.memory_space<hbm>> -> memref<48xf32, #tpu.memory_space<hbm>>
        tpu.enqueue_dma source(%dma_start3A_245 : memref<48xf32, #tpu.memory_space<hbm>>) target(%arg11 : memref<48xf32, #tpu.memory_space<vmem>>) target_semaphore(%arg32 : memref<!tpu.dma_semaphore, #tpu.memory_space<semaphore_mem>>)
      } else {
      }
      %ge3A_170 = arith.constant 1 : i32
      %ge3A_171 = arith.cmpi sge, %add3A_142, %ge3A_170 : i32
      %convert_element_type3A_172 = arith.extui %ge3A_171 : i1 to i32
      %cond3A_173 = arith.constant 0 : i32
      %cond3A_174 = arith.cmpi ne, %convert_element_type3A_172, %cond3A_173 : i32
      scf.if %cond3A_174 {
        %dma_wait3A_233 = arith.constant 0 : i32
        %dma_wait3A_234 = arith.constant 0 : i32
        %dma_wait3A_235 = tpu.memref_slice %arg29[%dma_wait3A_233, %dma_wait3A_234] : memref<10240x128xf32, #tpu.memory_space<vmem_shared>> -> memref<10240x128xf32, #tpu.memory_space<vmem_shared>>
        tpu.wait_indirect_dma semaphore(%arg35 : memref<!tpu.dma_semaphore, #tpu.memory_space<semaphore_mem>>) src(%arg27 : memref<48x128xf32, #tpu.memory_space<vmem>>) dst(%dma_wait3A_235 : memref<10240x128xf32, #tpu.memory_space<vmem_shared>>)
        %dma_wait3A_236 = arith.constant 0 : i32
        %dma_wait3A_237 = arith.constant 0 : i32
        %dma_wait3A_238 = tpu.memref_slice %arg29[%dma_wait3A_236, %dma_wait3A_237] : memref<10240x128xf32, #tpu.memory_space<vmem_shared>> -> memref<10240x128xf32, #tpu.memory_space<vmem_shared>>
        tpu.wait_indirect_dma semaphore(%arg35 : memref<!tpu.dma_semaphore, #tpu.memory_space<semaphore_mem>>) src(%arg28 : memref<48x128xf32, #tpu.memory_space<vmem>>) dst(%dma_wait3A_238 : memref<10240x128xf32, #tpu.memory_space<vmem_shared>>)
      } else {
      }
      %scan3A_175 = arith.constant 0 : i32
      %scan3A_176 = arith.constant 24 : i32
      %scan3A_177 = arith.addi %scan3A_175, %scan3A_176 : i32
      %scan3A_178 = arith.constant 1 : i32
      scf.for %scan3A_233 = %scan3A_175 to %scan3A_177 step %scan3A_178  : i32 {
        %mul3A_234 = arith.constant 2 : i32
        %mul3A_235 = arith.muli %scan3A_233, %mul3A_234 : i32
        %add3A_236 = arith.constant 0 : i32
        %add3A_237 = arith.addi %add3A_236, %mul3A_235 : i32
        %add3A_238 = arith.constant 1 : i32
        %add3A_239 = arith.addi %add3A_237, %add3A_238 : i32
        %broadcast_in_dim3A_240 = arith.constant 0 : i32
        %broadcast_in_dim3A_241 = vector.broadcast %broadcast_in_dim3A_240 : i32 to vector<16xi32>
        %add3A_242 = vector.broadcast %add3A_237 : i32 to vector<16xi32>
        %add3A_243 = arith.addi %broadcast_in_dim3A_241, %add3A_242 : vector<16xi32>
        %gather3A = tpu.vector_load_idx %arg13[%add3A_243] : memref<48xf32, #tpu.memory_space<vmem>>[vector<16xi32>], vector<16xf32>,
        %broadcast_in_dim3A_244 = arith.constant 0 : i32
        %broadcast_in_dim3A_245 = vector.broadcast %broadcast_in_dim3A_244 : i32 to vector<16xi32>
        %add3A_246 = vector.broadcast %add3A_239 : i32 to vector<16xi32>
        %add3A_247 = arith.addi %broadcast_in_dim3A_245, %add3A_246 : vector<16xi32>
        %gather3A_248 = tpu.vector_load_idx %arg13[%add3A_247] : memref<48xf32, #tpu.memory_space<vmem>>[vector<16xi32>], vector<16xf32>,
        %get3A = arith.index_cast %add3A_237 : i32 to index
        %get3A_249 = arith.constant 0 : index
        %get3A_250 = tpu.vector_load %arg25[%get3A, %get3A_249] {strides = array<i32>} : memref<96x128xf32, #tpu.memory_space<vmem>>, vector<16xf32>,
        %add3A_251 = arith.constant 48 : i32
        %add3A_252 = arith.addi %add3A_251, %add3A_237 : i32
        %get3A_253 = arith.index_cast %add3A_252 : i32 to index
        %get3A_254 = arith.constant 0 : index
        %get3A_255 = tpu.vector_load %arg25[%get3A_253, %get3A_254] {strides = array<i32>} : memref<96x128xf32, #tpu.memory_space<vmem>>, vector<16xf32>,
        %get3A_256 = arith.index_cast %add3A_239 : i32 to index
        %get3A_257 = arith.constant 0 : index
        %get3A_258 = tpu.vector_load %arg25[%get3A_256, %get3A_257] {strides = array<i32>} : memref<96x128xf32, #tpu.memory_space<vmem>>, vector<16xf32>,
        %add3A_259 = arith.constant 48 : i32
        %add3A_260 = arith.addi %add3A_259, %add3A_239 : i32
        %get3A_261 = arith.index_cast %add3A_260 : i32 to index
        %get3A_262 = arith.constant 0 : index
        %get3A_263 = tpu.vector_load %arg25[%get3A_261, %get3A_262] {strides = array<i32>} : memref<96x128xf32, #tpu.memory_space<vmem>>, vector<16xf32>,
        %get3A_264 = arith.index_cast %add3A_237 : i32 to index
        %get3A_265 = arith.constant 16 : index
        %get3A_266 = tpu.vector_load %arg25[%get3A_264, %get3A_265] {strides = array<i32>} : memref<96x128xf32, #tpu.memory_space<vmem>>, vector<16xf32>,
        %add3A_267 = arith.constant 48 : i32
        %add3A_268 = arith.addi %add3A_267, %add3A_237 : i32
        %get3A_269 = arith.index_cast %add3A_268 : i32 to index
        %get3A_270 = arith.constant 16 : index
        %get3A_271 = tpu.vector_load %arg25[%get3A_269, %get3A_270] {strides = array<i32>} : memref<96x128xf32, #tpu.memory_space<vmem>>, vector<16xf32>,
        %get3A_272 = arith.index_cast %add3A_239 : i32 to index
        %get3A_273 = arith.constant 16 : index
        %get3A_274 = tpu.vector_load %arg25[%get3A_272, %get3A_273] {strides = array<i32>} : memref<96x128xf32, #tpu.memory_space<vmem>>, vector<16xf32>,
        %add3A_275 = arith.constant 48 : i32
        %add3A_276 = arith.addi %add3A_275, %add3A_239 : i32
        %get3A_277 = arith.index_cast %add3A_276 : i32 to index
        %get3A_278 = arith.constant 16 : index
        %get3A_279 = tpu.vector_load %arg25[%get3A_277, %get3A_278] {strides = array<i32>} : memref<96x128xf32, #tpu.memory_space<vmem>>, vector<16xf32>,
        %sub3A = arith.subf %get3A_250, %get3A_255 : vector<16xf32>
        %mul3A_280 = arith.mulf %gather3A, %sub3A : vector<16xf32>
        %swap3A = arith.index_cast %add3A_237 : i32 to index
        %swap3A_281 = arith.constant 0 : index
        %swap3A_282 = tpu.vector_load %arg27[%swap3A, %swap3A_281] {strides = array<i32>} : memref<48x128xf32, #tpu.memory_space<vmem>>, vector<16xf32>,
        tpu.vector_store %arg27[%swap3A, %swap3A_281], %mul3A_280 {strides = array<i32>} : memref<48x128xf32, #tpu.memory_space<vmem>>, vector<16xf32>,
        %neg3A = arith.constant 0.000000e+00 : f32
        %neg3A_283 = vector.broadcast %neg3A : f32 to vector<16xf32>
        %neg3A_284 = arith.subf %neg3A_283, %mul3A_280 : vector<16xf32>
        %swap3A_285 = arith.index_cast %add3A_237 : i32 to index
        %swap3A_286 = arith.constant 0 : index
        %swap3A_287 = tpu.vector_load %arg28[%swap3A_285, %swap3A_286] {strides = array<i32>} : memref<48x128xf32, #tpu.memory_space<vmem>>, vector<16xf32>,
        tpu.vector_store %arg28[%swap3A_285, %swap3A_286], %neg3A_284 {strides = array<i32>} : memref<48x128xf32, #tpu.memory_space<vmem>>, vector<16xf32>,
        %sub3A_288 = arith.subf %get3A_258, %get3A_263 : vector<16xf32>
        %mul3A_289 = arith.mulf %gather3A_248, %sub3A_288 : vector<16xf32>
        %swap3A_290 = arith.index_cast %add3A_239 : i32 to index
        %swap3A_291 = arith.constant 0 : index
        %swap3A_292 = tpu.vector_load %arg27[%swap3A_290, %swap3A_291] {strides = array<i32>} : memref<48x128xf32, #tpu.memory_space<vmem>>, vector<16xf32>,
        tpu.vector_store %arg27[%swap3A_290, %swap3A_291], %mul3A_289 {strides = array<i32>} : memref<48x128xf32, #tpu.memory_space<vmem>>, vector<16xf32>,
        %neg3A_293 = arith.constant 0.000000e+00 : f32
        %neg3A_294 = vector.broadcast %neg3A_293 : f32 to vector<16xf32>
        %neg3A_295 = arith.subf %neg3A_294, %mul3A_289 : vector<16xf32>
        %swap3A_296 = arith.index_cast %add3A_239 : i32 to index
        %swap3A_297 = arith.constant 0 : index
        %swap3A_298 = tpu.vector_load %arg28[%swap3A_296, %swap3A_297] {strides = array<i32>} : memref<48x128xf32, #tpu.memory_space<vmem>>, vector<16xf32>,
        tpu.vector_store %arg28[%swap3A_296, %swap3A_297], %neg3A_295 {strides = array<i32>} : memref<48x128xf32, #tpu.memory_space<vmem>>, vector<16xf32>,
        %get3A_299 = arith.index_cast %add3A_237 : i32 to index
        %get3A_300 = arith.constant 32 : index
        %get3A_301 = tpu.vector_load %arg25[%get3A_299, %get3A_300] {strides = array<i32>} : memref<96x128xf32, #tpu.memory_space<vmem>>, vector<16xf32>,
        %add3A_302 = arith.constant 48 : i32
        %add3A_303 = arith.addi %add3A_302, %add3A_237 : i32
        %get3A_304 = arith.index_cast %add3A_303 : i32 to index
        %get3A_305 = arith.constant 32 : index
        %get3A_306 = tpu.vector_load %arg25[%get3A_304, %get3A_305] {strides = array<i32>} : memref<96x128xf32, #tpu.memory_space<vmem>>, vector<16xf32>,
        %get3A_307 = arith.index_cast %add3A_239 : i32 to index
        %get3A_308 = arith.constant 32 : index
        %get3A_309 = tpu.vector_load %arg25[%get3A_307, %get3A_308] {strides = array<i32>} : memref<96x128xf32, #tpu.memory_space<vmem>>, vector<16xf32>,
        %add3A_310 = arith.constant 48 : i32
        %add3A_311 = arith.addi %add3A_310, %add3A_239 : i32
        %get3A_312 = arith.index_cast %add3A_311 : i32 to index
        %get3A_313 = arith.constant 32 : index
        %get3A_314 = tpu.vector_load %arg25[%get3A_312, %get3A_313] {strides = array<i32>} : memref<96x128xf32, #tpu.memory_space<vmem>>, vector<16xf32>,
        %sub3A_315 = arith.subf %get3A_266, %get3A_271 : vector<16xf32>
        %mul3A_316 = arith.mulf %gather3A, %sub3A_315 : vector<16xf32>
        %swap3A_317 = arith.index_cast %add3A_237 : i32 to index
        %swap3A_318 = arith.constant 16 : index
        %swap3A_319 = tpu.vector_load %arg27[%swap3A_317, %swap3A_318] {strides = array<i32>} : memref<48x128xf32, #tpu.memory_space<vmem>>, vector<16xf32>,
        tpu.vector_store %arg27[%swap3A_317, %swap3A_318], %mul3A_316 {strides = array<i32>} : memref<48x128xf32, #tpu.memory_space<vmem>>, vector<16xf32>,
        %neg3A_320 = arith.constant 0.000000e+00 : f32
        %neg3A_321 = vector.broadcast %neg3A_320 : f32 to vector<16xf32>
        %neg3A_322 = arith.subf %neg3A_321, %mul3A_316 : vector<16xf32>
        %swap3A_323 = arith.index_cast %add3A_237 : i32 to index
        %swap3A_324 = arith.constant 16 : index
        %swap3A_325 = tpu.vector_load %arg28[%swap3A_323, %swap3A_324] {strides = array<i32>} : memref<48x128xf32, #tpu.memory_space<vmem>>, vector<16xf32>,
        tpu.vector_store %arg28[%swap3A_323, %swap3A_324], %neg3A_322 {strides = array<i32>} : memref<48x128xf32, #tpu.memory_space<vmem>>, vector<16xf32>,
        %sub3A_326 = arith.subf %get3A_274, %get3A_279 : vector<16xf32>
        %mul3A_327 = arith.mulf %gather3A_248, %sub3A_326 : vector<16xf32>
        %swap3A_328 = arith.index_cast %add3A_239 : i32 to index
        %swap3A_329 = arith.constant 16 : index
        %swap3A_330 = tpu.vector_load %arg27[%swap3A_328, %swap3A_329] {strides = array<i32>} : memref<48x128xf32, #tpu.memory_space<vmem>>, vector<16xf32>,
        tpu.vector_store %arg27[%swap3A_328, %swap3A_329], %mul3A_327 {strides = array<i32>} : memref<48x128xf32, #tpu.memory_space<vmem>>, vector<16xf32>,
        %neg3A_331 = arith.constant 0.000000e+00 : f32
        %neg3A_332 = vector.broadcast %neg3A_331 : f32 to vector<16xf32>
        %neg3A_333 = arith.subf %neg3A_332, %mul3A_327 : vector<16xf32>
        %swap3A_334 = arith.index_cast %add3A_239 : i32 to index
        %swap3A_335 = arith.constant 16 : index
        %swap3A_336 = tpu.vector_load %arg28[%swap3A_334, %swap3A_335] {strides = array<i32>} : memref<48x128xf32, #tpu.memory_space<vmem>>, vector<16xf32>,
        tpu.vector_store %arg28[%swap3A_334, %swap3A_335], %neg3A_333 {strides = array<i32>} : memref<48x128xf32, #tpu.memory_space<vmem>>, vector<16xf32>,
        %get3A_337 = arith.index_cast %add3A_237 : i32 to index
        %get3A_338 = arith.constant 48 : index
        %get3A_339 = tpu.vector_load %arg25[%get3A_337, %get3A_338] {strides = array<i32>} : memref<96x128xf32, #tpu.memory_space<vmem>>, vector<16xf32>,
        %add3A_340 = arith.constant 48 : i32
        %add3A_341 = arith.addi %add3A_340, %add3A_237 : i32
        %get3A_342 = arith.index_cast %add3A_341 : i32 to index
        %get3A_343 = arith.constant 48 : index
        %get3A_344 = tpu.vector_load %arg25[%get3A_342, %get3A_343] {strides = array<i32>} : memref<96x128xf32, #tpu.memory_space<vmem>>, vector<16xf32>,
        %get3A_345 = arith.index_cast %add3A_239 : i32 to index
        %get3A_346 = arith.constant 48 : index
        %get3A_347 = tpu.vector_load %arg25[%get3A_345, %get3A_346] {strides = array<i32>} : memref<96x128xf32, #tpu.memory_space<vmem>>, vector<16xf32>,
        %add3A_348 = arith.constant 48 : i32
        %add3A_349 = arith.addi %add3A_348, %add3A_239 : i32
        %get3A_350 = arith.index_cast %add3A_349 : i32 to index
        %get3A_351 = arith.constant 48 : index
        %get3A_352 = tpu.vector_load %arg25[%get3A_350, %get3A_351] {strides = array<i32>} : memref<96x128xf32, #tpu.memory_space<vmem>>, vector<16xf32>,
        %sub3A_353 = arith.subf %get3A_301, %get3A_306 : vector<16xf32>
        %mul3A_354 = arith.mulf %gather3A, %sub3A_353 : vector<16xf32>
        %swap3A_355 = arith.index_cast %add3A_237 : i32 to index
        %swap3A_356 = arith.constant 32 : index
        %swap3A_357 = tpu.vector_load %arg27[%swap3A_355, %swap3A_356] {strides = array<i32>} : memref<48x128xf32, #tpu.memory_space<vmem>>, vector<16xf32>,
        tpu.vector_store %arg27[%swap3A_355, %swap3A_356], %mul3A_354 {strides = array<i32>} : memref<48x128xf32, #tpu.memory_space<vmem>>, vector<16xf32>,
        %neg3A_358 = arith.constant 0.000000e+00 : f32
        %neg3A_359 = vector.broadcast %neg3A_358 : f32 to vector<16xf32>
        %neg3A_360 = arith.subf %neg3A_359, %mul3A_354 : vector<16xf32>
        %swap3A_361 = arith.index_cast %add3A_237 : i32 to index
        %swap3A_362 = arith.constant 32 : index
        %swap3A_363 = tpu.vector_load %arg28[%swap3A_361, %swap3A_362] {strides = array<i32>} : memref<48x128xf32, #tpu.memory_space<vmem>>, vector<16xf32>,
        tpu.vector_store %arg28[%swap3A_361, %swap3A_362], %neg3A_360 {strides = array<i32>} : memref<48x128xf32, #tpu.memory_space<vmem>>, vector<16xf32>,
        %sub3A_364 = arith.subf %get3A_309, %get3A_314 : vector<16xf32>
        %mul3A_365 = arith.mulf %gather3A_248, %sub3A_364 : vector<16xf32>
        %swap3A_366 = arith.index_cast %add3A_239 : i32 to index
        %swap3A_367 = arith.constant 32 : index
        %swap3A_368 = tpu.vector_load %arg27[%swap3A_366, %swap3A_367] {strides = array<i32>} : memref<48x128xf32, #tpu.memory_space<vmem>>, vector<16xf32>,
        tpu.vector_store %arg27[%swap3A_366, %swap3A_367], %mul3A_365 {strides = array<i32>} : memref<48x128xf32, #tpu.memory_space<vmem>>, vector<16xf32>,
        %neg3A_369 = arith.constant 0.000000e+00 : f32
        %neg3A_370 = vector.broadcast %neg3A_369 : f32 to vector<16xf32>
        %neg3A_371 = arith.subf %neg3A_370, %mul3A_365 : vector<16xf32>
        %swap3A_372 = arith.index_cast %add3A_239 : i32 to index
        %swap3A_373 = arith.constant 32 : index
        %swap3A_374 = tpu.vector_load %arg28[%swap3A_372, %swap3A_373] {strides = array<i32>} : memref<48x128xf32, #tpu.memory_space<vmem>>, vector<16xf32>,
        tpu.vector_store %arg28[%swap3A_372, %swap3A_373], %neg3A_371 {strides = array<i32>} : memref<48x128xf32, #tpu.memory_space<vmem>>, vector<16xf32>,
        %get3A_375 = arith.index_cast %add3A_237 : i32 to index
        %get3A_376 = arith.constant 64 : index
        %get3A_377 = tpu.vector_load %arg25[%get3A_375, %get3A_376] {strides = array<i32>} : memref<96x128xf32, #tpu.memory_space<vmem>>, vector<16xf32>,
        %add3A_378 = arith.constant 48 : i32
        %add3A_379 = arith.addi %add3A_378, %add3A_237 : i32
        %get3A_380 = arith.index_cast %add3A_379 : i32 to index
        %get3A_381 = arith.constant 64 : index
        %get3A_382 = tpu.vector_load %arg25[%get3A_380, %get3A_381] {strides = array<i32>} : memref<96x128xf32, #tpu.memory_space<vmem>>, vector<16xf32>,
        %get3A_383 = arith.index_cast %add3A_239 : i32 to index
        %get3A_384 = arith.constant 64 : index
        %get3A_385 = tpu.vector_load %arg25[%get3A_383, %get3A_384] {strides = array<i32>} : memref<96x128xf32, #tpu.memory_space<vmem>>, vector<16xf32>,
        %add3A_386 = arith.constant 48 : i32
        %add3A_387 = arith.addi %add3A_386, %add3A_239 : i32
        %get3A_388 = arith.index_cast %add3A_387 : i32 to index
        %get3A_389 = arith.constant 64 : index
        %get3A_390 = tpu.vector_load %arg25[%get3A_388, %get3A_389] {strides = array<i32>} : memref<96x128xf32, #tpu.memory_space<vmem>>, vector<16xf32>,
        %sub3A_391 = arith.subf %get3A_339, %get3A_344 : vector<16xf32>
        %mul3A_392 = arith.mulf %gather3A, %sub3A_391 : vector<16xf32>
        %swap3A_393 = arith.index_cast %add3A_237 : i32 to index
        %swap3A_394 = arith.constant 48 : index
        %swap3A_395 = tpu.vector_load %arg27[%swap3A_393, %swap3A_394] {strides = array<i32>} : memref<48x128xf32, #tpu.memory_space<vmem>>, vector<16xf32>,
        tpu.vector_store %arg27[%swap3A_393, %swap3A_394], %mul3A_392 {strides = array<i32>} : memref<48x128xf32, #tpu.memory_space<vmem>>, vector<16xf32>,
        %neg3A_396 = arith.constant 0.000000e+00 : f32
        %neg3A_397 = vector.broadcast %neg3A_396 : f32 to vector<16xf32>
        %neg3A_398 = arith.subf %neg3A_397, %mul3A_392 : vector<16xf32>
        %swap3A_399 = arith.index_cast %add3A_237 : i32 to index
        %swap3A_400 = arith.constant 48 : index
        %swap3A_401 = tpu.vector_load %arg28[%swap3A_399, %swap3A_400] {strides = array<i32>} : memref<48x128xf32, #tpu.memory_space<vmem>>, vector<16xf32>,
        tpu.vector_store %arg28[%swap3A_399, %swap3A_400], %neg3A_398 {strides = array<i32>} : memref<48x128xf32, #tpu.memory_space<vmem>>, vector<16xf32>,
        %sub3A_402 = arith.subf %get3A_347, %get3A_352 : vector<16xf32>
        %mul3A_403 = arith.mulf %gather3A_248, %sub3A_402 : vector<16xf32>
        %swap3A_404 = arith.index_cast %add3A_239 : i32 to index
        %swap3A_405 = arith.constant 48 : index
        %swap3A_406 = tpu.vector_load %arg27[%swap3A_404, %swap3A_405] {strides = array<i32>} : memref<48x128xf32, #tpu.memory_space<vmem>>, vector<16xf32>,
        tpu.vector_store %arg27[%swap3A_404, %swap3A_405], %mul3A_403 {strides = array<i32>} : memref<48x128xf32, #tpu.memory_space<vmem>>, vector<16xf32>,
        %neg3A_407 = arith.constant 0.000000e+00 : f32
        %neg3A_408 = vector.broadcast %neg3A_407 : f32 to vector<16xf32>
        %neg3A_409 = arith.subf %neg3A_408, %mul3A_403 : vector<16xf32>
        %swap3A_410 = arith.index_cast %add3A_239 : i32 to index
        %swap3A_411 = arith.constant 48 : index
        %swap3A_412 = tpu.vector_load %arg28[%swap3A_410, %swap3A_411] {strides = array<i32>} : memref<48x128xf32, #tpu.memory_space<vmem>>, vector<16xf32>,
        tpu.vector_store %arg28[%swap3A_410, %swap3A_411], %neg3A_409 {strides = array<i32>} : memref<48x128xf32, #tpu.memory_space<vmem>>, vector<16xf32>,
        %get3A_413 = arith.index_cast %add3A_237 : i32 to index
        %get3A_414 = arith.constant 80 : index
        %get3A_415 = tpu.vector_load %arg25[%get3A_413, %get3A_414] {strides = array<i32>} : memref<96x128xf32, #tpu.memory_space<vmem>>, vector<16xf32>,
        %add3A_416 = arith.constant 48 : i32
        %add3A_417 = arith.addi %add3A_416, %add3A_237 : i32
        %get3A_418 = arith.index_cast %add3A_417 : i32 to index
        %get3A_419 = arith.constant 80 : index
        %get3A_420 = tpu.vector_load %arg25[%get3A_418, %get3A_419] {strides = array<i32>} : memref<96x128xf32, #tpu.memory_space<vmem>>, vector<16xf32>,
        %get3A_421 = arith.index_cast %add3A_239 : i32 to index
        %get3A_422 = arith.constant 80 : index
        %get3A_423 = tpu.vector_load %arg25[%get3A_421, %get3A_422] {strides = array<i32>} : memref<96x128xf32, #tpu.memory_space<vmem>>, vector<16xf32>,
        %add3A_424 = arith.constant 48 : i32
        %add3A_425 = arith.addi %add3A_424, %add3A_239 : i32
        %get3A_426 = arith.index_cast %add3A_425 : i32 to index
        %get3A_427 = arith.constant 80 : index
        %get3A_428 = tpu.vector_load %arg25[%get3A_426, %get3A_427] {strides = array<i32>} : memref<96x128xf32, #tpu.memory_space<vmem>>, vector<16xf32>,
        %sub3A_429 = arith.subf %get3A_377, %get3A_382 : vector<16xf32>
        %mul3A_430 = arith.mulf %gather3A, %sub3A_429 : vector<16xf32>
        %swap3A_431 = arith.index_cast %add3A_237 : i32 to index
        %swap3A_432 = arith.constant 64 : index
        %swap3A_433 = tpu.vector_load %arg27[%swap3A_431, %swap3A_432] {strides = array<i32>} : memref<48x128xf32, #tpu.memory_space<vmem>>, vector<16xf32>,
        tpu.vector_store %arg27[%swap3A_431, %swap3A_432], %mul3A_430 {strides = array<i32>} : memref<48x128xf32, #tpu.memory_space<vmem>>, vector<16xf32>,
        %neg3A_434 = arith.constant 0.000000e+00 : f32
        %neg3A_435 = vector.broadcast %neg3A_434 : f32 to vector<16xf32>
        %neg3A_436 = arith.subf %neg3A_435, %mul3A_430 : vector<16xf32>
        %swap3A_437 = arith.index_cast %add3A_237 : i32 to index
        %swap3A_438 = arith.constant 64 : index
        %swap3A_439 = tpu.vector_load %arg28[%swap3A_437, %swap3A_438] {strides = array<i32>} : memref<48x128xf32, #tpu.memory_space<vmem>>, vector<16xf32>,
        tpu.vector_store %arg28[%swap3A_437, %swap3A_438], %neg3A_436 {strides = array<i32>} : memref<48x128xf32, #tpu.memory_space<vmem>>, vector<16xf32>,
        %sub3A_440 = arith.subf %get3A_385, %get3A_390 : vector<16xf32>
        %mul3A_441 = arith.mulf %gather3A_248, %sub3A_440 : vector<16xf32>
        %swap3A_442 = arith.index_cast %add3A_239 : i32 to index
        %swap3A_443 = arith.constant 64 : index
        %swap3A_444 = tpu.vector_load %arg27[%swap3A_442, %swap3A_443] {strides = array<i32>} : memref<48x128xf32, #tpu.memory_space<vmem>>, vector<16xf32>,
        tpu.vector_store %arg27[%swap3A_442, %swap3A_443], %mul3A_441 {strides = array<i32>} : memref<48x128xf32, #tpu.memory_space<vmem>>, vector<16xf32>,
        %neg3A_445 = arith.constant 0.000000e+00 : f32
        %neg3A_446 = vector.broadcast %neg3A_445 : f32 to vector<16xf32>
        %neg3A_447 = arith.subf %neg3A_446, %mul3A_441 : vector<16xf32>
        %swap3A_448 = arith.index_cast %add3A_239 : i32 to index
        %swap3A_449 = arith.constant 64 : index
        %swap3A_450 = tpu.vector_load %arg28[%swap3A_448, %swap3A_449] {strides = array<i32>} : memref<48x128xf32, #tpu.memory_space<vmem>>, vector<16xf32>,
        tpu.vector_store %arg28[%swap3A_448, %swap3A_449], %neg3A_447 {strides = array<i32>} : memref<48x128xf32, #tpu.memory_space<vmem>>, vector<16xf32>,
        %get3A_451 = arith.index_cast %add3A_237 : i32 to index
        %get3A_452 = arith.constant 96 : index
        %get3A_453 = tpu.vector_load %arg25[%get3A_451, %get3A_452] {strides = array<i32>} : memref<96x128xf32, #tpu.memory_space<vmem>>, vector<16xf32>,
        %add3A_454 = arith.constant 48 : i32
        %add3A_455 = arith.addi %add3A_454, %add3A_237 : i32
        %get3A_456 = arith.index_cast %add3A_455 : i32 to index
        %get3A_457 = arith.constant 96 : index
        %get3A_458 = tpu.vector_load %arg25[%get3A_456, %get3A_457] {strides = array<i32>} : memref<96x128xf32, #tpu.memory_space<vmem>>, vector<16xf32>,
        %get3A_459 = arith.index_cast %add3A_239 : i32 to index
        %get3A_460 = arith.constant 96 : index
        %get3A_461 = tpu.vector_load %arg25[%get3A_459, %get3A_460] {strides = array<i32>} : memref<96x128xf32, #tpu.memory_space<vmem>>, vector<16xf32>,
        %add3A_462 = arith.constant 48 : i32
        %add3A_463 = arith.addi %add3A_462, %add3A_239 : i32
        %get3A_464 = arith.index_cast %add3A_463 : i32 to index
        %get3A_465 = arith.constant 96 : index
        %get3A_466 = tpu.vector_load %arg25[%get3A_464, %get3A_465] {strides = array<i32>} : memref<96x128xf32, #tpu.memory_space<vmem>>, vector<16xf32>,
        %sub3A_467 = arith.subf %get3A_415, %get3A_420 : vector<16xf32>
        %mul3A_468 = arith.mulf %gather3A, %sub3A_467 : vector<16xf32>
        %swap3A_469 = arith.index_cast %add3A_237 : i32 to index
        %swap3A_470 = arith.constant 80 : index
        %swap3A_471 = tpu.vector_load %arg27[%swap3A_469, %swap3A_470] {strides = array<i32>} : memref<48x128xf32, #tpu.memory_space<vmem>>, vector<16xf32>,
        tpu.vector_store %arg27[%swap3A_469, %swap3A_470], %mul3A_468 {strides = array<i32>} : memref<48x128xf32, #tpu.memory_space<vmem>>, vector<16xf32>,
        %neg3A_472 = arith.constant 0.000000e+00 : f32
        %neg3A_473 = vector.broadcast %neg3A_472 : f32 to vector<16xf32>
        %neg3A_474 = arith.subf %neg3A_473, %mul3A_468 : vector<16xf32>
        %swap3A_475 = arith.index_cast %add3A_237 : i32 to index
        %swap3A_476 = arith.constant 80 : index
        %swap3A_477 = tpu.vector_load %arg28[%swap3A_475, %swap3A_476] {strides = array<i32>} : memref<48x128xf32, #tpu.memory_space<vmem>>, vector<16xf32>,
        tpu.vector_store %arg28[%swap3A_475, %swap3A_476], %neg3A_474 {strides = array<i32>} : memref<48x128xf32, #tpu.memory_space<vmem>>, vector<16xf32>,
        %sub3A_478 = arith.subf %get3A_423, %get3A_428 : vector<16xf32>
        %mul3A_479 = arith.mulf %gather3A_248, %sub3A_478 : vector<16xf32>
        %swap3A_480 = arith.index_cast %add3A_239 : i32 to index
        %swap3A_481 = arith.constant 80 : index
        %swap3A_482 = tpu.vector_load %arg27[%swap3A_480, %swap3A_481] {strides = array<i32>} : memref<48x128xf32, #tpu.memory_space<vmem>>, vector<16xf32>,
        tpu.vector_store %arg27[%swap3A_480, %swap3A_481], %mul3A_479 {strides = array<i32>} : memref<48x128xf32, #tpu.memory_space<vmem>>, vector<16xf32>,
        %neg3A_483 = arith.constant 0.000000e+00 : f32
        %neg3A_484 = vector.broadcast %neg3A_483 : f32 to vector<16xf32>
        %neg3A_485 = arith.subf %neg3A_484, %mul3A_479 : vector<16xf32>
        %swap3A_486 = arith.index_cast %add3A_239 : i32 to index
        %swap3A_487 = arith.constant 80 : index
        %swap3A_488 = tpu.vector_load %arg28[%swap3A_486, %swap3A_487] {strides = array<i32>} : memref<48x128xf32, #tpu.memory_space<vmem>>, vector<16xf32>,
        tpu.vector_store %arg28[%swap3A_486, %swap3A_487], %neg3A_485 {strides = array<i32>} : memref<48x128xf32, #tpu.memory_space<vmem>>, vector<16xf32>,
        %get3A_489 = arith.index_cast %add3A_237 : i32 to index
        %get3A_490 = arith.constant 112 : index
        %get3A_491 = tpu.vector_load %arg25[%get3A_489, %get3A_490] {strides = array<i32>} : memref<96x128xf32, #tpu.memory_space<vmem>>, vector<16xf32>,
        %add3A_492 = arith.constant 48 : i32
        %add3A_493 = arith.addi %add3A_492, %add3A_237 : i32
        %get3A_494 = arith.index_cast %add3A_493 : i32 to index
        %get3A_495 = arith.constant 112 : index
        %get3A_496 = tpu.vector_load %arg25[%get3A_494, %get3A_495] {strides = array<i32>} : memref<96x128xf32, #tpu.memory_space<vmem>>, vector<16xf32>,
        %get3A_497 = arith.index_cast %add3A_239 : i32 to index
        %get3A_498 = arith.constant 112 : index
        %get3A_499 = tpu.vector_load %arg25[%get3A_497, %get3A_498] {strides = array<i32>} : memref<96x128xf32, #tpu.memory_space<vmem>>, vector<16xf32>,
        %add3A_500 = arith.constant 48 : i32
        %add3A_501 = arith.addi %add3A_500, %add3A_239 : i32
        %get3A_502 = arith.index_cast %add3A_501 : i32 to index
        %get3A_503 = arith.constant 112 : index
        %get3A_504 = tpu.vector_load %arg25[%get3A_502, %get3A_503] {strides = array<i32>} : memref<96x128xf32, #tpu.memory_space<vmem>>, vector<16xf32>,
        %sub3A_505 = arith.subf %get3A_453, %get3A_458 : vector<16xf32>
        %mul3A_506 = arith.mulf %gather3A, %sub3A_505 : vector<16xf32>
        %swap3A_507 = arith.index_cast %add3A_237 : i32 to index
        %swap3A_508 = arith.constant 96 : index
        %swap3A_509 = tpu.vector_load %arg27[%swap3A_507, %swap3A_508] {strides = array<i32>} : memref<48x128xf32, #tpu.memory_space<vmem>>, vector<16xf32>,
        tpu.vector_store %arg27[%swap3A_507, %swap3A_508], %mul3A_506 {strides = array<i32>} : memref<48x128xf32, #tpu.memory_space<vmem>>, vector<16xf32>,
        %neg3A_510 = arith.constant 0.000000e+00 : f32
        %neg3A_511 = vector.broadcast %neg3A_510 : f32 to vector<16xf32>
        %neg3A_512 = arith.subf %neg3A_511, %mul3A_506 : vector<16xf32>
        %swap3A_513 = arith.index_cast %add3A_237 : i32 to index
        %swap3A_514 = arith.constant 96 : index
        %swap3A_515 = tpu.vector_load %arg28[%swap3A_513, %swap3A_514] {strides = array<i32>} : memref<48x128xf32, #tpu.memory_space<vmem>>, vector<16xf32>,
        tpu.vector_store %arg28[%swap3A_513, %swap3A_514], %neg3A_512 {strides = array<i32>} : memref<48x128xf32, #tpu.memory_space<vmem>>, vector<16xf32>,
        %sub3A_516 = arith.subf %get3A_461, %get3A_466 : vector<16xf32>
        %mul3A_517 = arith.mulf %gather3A_248, %sub3A_516 : vector<16xf32>
        %swap3A_518 = arith.index_cast %add3A_239 : i32 to index
        %swap3A_519 = arith.constant 96 : index
        %swap3A_520 = tpu.vector_load %arg27[%swap3A_518, %swap3A_519] {strides = array<i32>} : memref<48x128xf32, #tpu.memory_space<vmem>>, vector<16xf32>,
        tpu.vector_store %arg27[%swap3A_518, %swap3A_519], %mul3A_517 {strides = array<i32>} : memref<48x128xf32, #tpu.memory_space<vmem>>, vector<16xf32>,
        %neg3A_521 = arith.constant 0.000000e+00 : f32
        %neg3A_522 = vector.broadcast %neg3A_521 : f32 to vector<16xf32>
        %neg3A_523 = arith.subf %neg3A_522, %mul3A_517 : vector<16xf32>
        %swap3A_524 = arith.index_cast %add3A_239 : i32 to index
        %swap3A_525 = arith.constant 96 : index
        %swap3A_526 = tpu.vector_load %arg28[%swap3A_524, %swap3A_525] {strides = array<i32>} : memref<48x128xf32, #tpu.memory_space<vmem>>, vector<16xf32>,
        tpu.vector_store %arg28[%swap3A_524, %swap3A_525], %neg3A_523 {strides = array<i32>} : memref<48x128xf32, #tpu.memory_space<vmem>>, vector<16xf32>,
        %sub3A_527 = arith.subf %get3A_491, %get3A_496 : vector<16xf32>
        %mul3A_528 = arith.mulf %gather3A, %sub3A_527 : vector<16xf32>
        %swap3A_529 = arith.index_cast %add3A_237 : i32 to index
        %swap3A_530 = arith.constant 112 : index
        %swap3A_531 = tpu.vector_load %arg27[%swap3A_529, %swap3A_530] {strides = array<i32>} : memref<48x128xf32, #tpu.memory_space<vmem>>, vector<16xf32>,
        tpu.vector_store %arg27[%swap3A_529, %swap3A_530], %mul3A_528 {strides = array<i32>} : memref<48x128xf32, #tpu.memory_space<vmem>>, vector<16xf32>,
        %neg3A_532 = arith.constant 0.000000e+00 : f32
        %neg3A_533 = vector.broadcast %neg3A_532 : f32 to vector<16xf32>
        %neg3A_534 = arith.subf %neg3A_533, %mul3A_528 : vector<16xf32>
        %swap3A_535 = arith.index_cast %add3A_237 : i32 to index
        %swap3A_536 = arith.constant 112 : index
        %swap3A_537 = tpu.vector_load %arg28[%swap3A_535, %swap3A_536] {strides = array<i32>} : memref<48x128xf32, #tpu.memory_space<vmem>>, vector<16xf32>,
        tpu.vector_store %arg28[%swap3A_535, %swap3A_536], %neg3A_534 {strides = array<i32>} : memref<48x128xf32, #tpu.memory_space<vmem>>, vector<16xf32>,
        %sub3A_538 = arith.subf %get3A_499, %get3A_504 : vector<16xf32>
        %mul3A_539 = arith.mulf %gather3A_248, %sub3A_538 : vector<16xf32>
        %swap3A_540 = arith.index_cast %add3A_239 : i32 to index
        %swap3A_541 = arith.constant 112 : index
        %swap3A_542 = tpu.vector_load %arg27[%swap3A_540, %swap3A_541] {strides = array<i32>} : memref<48x128xf32, #tpu.memory_space<vmem>>, vector<16xf32>,
        tpu.vector_store %arg27[%swap3A_540, %swap3A_541], %mul3A_539 {strides = array<i32>} : memref<48x128xf32, #tpu.memory_space<vmem>>, vector<16xf32>,
        %neg3A_543 = arith.constant 0.000000e+00 : f32
        %neg3A_544 = vector.broadcast %neg3A_543 : f32 to vector<16xf32>
        %neg3A_545 = arith.subf %neg3A_544, %mul3A_539 : vector<16xf32>
        %swap3A_546 = arith.index_cast %add3A_239 : i32 to index
        %swap3A_547 = arith.constant 112 : index
        %swap3A_548 = tpu.vector_load %arg28[%swap3A_546, %swap3A_547] {strides = array<i32>} : memref<48x128xf32, #tpu.memory_space<vmem>>, vector<16xf32>,
        tpu.vector_store %arg28[%swap3A_546, %swap3A_547], %neg3A_545 {strides = array<i32>} : memref<48x128xf32, #tpu.memory_space<vmem>>, vector<16xf32>,
      }
      %scan3A_179 = arith.constant 24 : i32
      %dma_start3A_180 = arith.constant 0 : i32
      %dma_start3A_181 = arith.constant 0 : i32
      %dma_start3A_182 = tpu.memref_slice %arg29[%dma_start3A_180, %dma_start3A_181] : memref<10240x128xf32, #tpu.memory_space<vmem_shared>> -> memref<10240x128xf32, #tpu.memory_space<vmem_shared>>
      tpu.enqueue_indirect_dma source(%arg27 : memref<48x128xf32, #tpu.memory_space<vmem>>) target(%dma_start3A_182 : memref<10240x128xf32, #tpu.memory_space<vmem_shared>>) offsets(%arg19 : memref<48xi32, #tpu.memory_space<vmem>>) semaphore(%arg34 : memref<!tpu.dma_semaphore, #tpu.memory_space<semaphore_mem>>) {add = true}
      %dma_start3A_183 = arith.constant 0 : i32
      %dma_start3A_184 = arith.constant 0 : i32
      %dma_start3A_185 = tpu.memref_slice %arg29[%dma_start3A_183, %dma_start3A_184] : memref<10240x128xf32, #tpu.memory_space<vmem_shared>> -> memref<10240x128xf32, #tpu.memory_space<vmem_shared>>
      tpu.enqueue_indirect_dma source(%arg28 : memref<48x128xf32, #tpu.memory_space<vmem>>) target(%dma_start3A_185 : memref<10240x128xf32, #tpu.memory_space<vmem_shared>>) offsets(%arg23 : memref<48xi32, #tpu.memory_space<vmem>>) semaphore(%arg34 : memref<!tpu.dma_semaphore, #tpu.memory_space<semaphore_mem>>) {add = true}
      %mul3A_186 = arith.constant 4 : i32
      %mul3A_187 = arith.muli %add3A_49, %mul3A_186 : i32
      %add3A_188 = arith.constant 3 : i32
      %add3A_189 = arith.addi %mul3A_187, %add3A_188 : i32
      %dma_wait3A_190 = arith.constant 0 : i32
      %dma_wait3A_191 = arith.constant 0 : i32
      %dma_wait3A_192 = tpu.memref_slice %arg2[%dma_wait3A_190, %dma_wait3A_191] : memref<20480x128xf32, #tpu.memory_space<hbm>> -> memref<20480x128xf32, #tpu.memory_space<hbm>>
      tpu.wait_indirect_dma semaphore(%arg31 : memref<!tpu.dma_semaphore, #tpu.memory_space<semaphore_mem>>) src(%dma_wait3A_192 : memref<20480x128xf32, #tpu.memory_space<hbm>>) dst(%arg26 : memref<96x128xf32, #tpu.memory_space<vmem>>)
      %ge3A_193 = arith.constant 1 : i32
      %ge3A_194 = arith.cmpi sge, %add3A_189, %ge3A_193 : i32
      %add3A_195 = arith.constant 1 : i32
      %add3A_196 = arith.addi %add3A_189, %add3A_195 : i32
      %lt3A_197 = arith.constant 212 : i32
      %lt3A_198 = arith.cmpi slt, %add3A_196, %lt3A_197 : i32
      %and3A_199 = arith.andi %ge3A_194, %lt3A_198 : i1
      %convert_element_type3A_200 = arith.extui %and3A_199 : i1 to i32
      %cond3A_201 = arith.constant 0 : i32
      %cond3A_202 = arith.cmpi ne, %convert_element_type3A_200, %cond3A_201 : i32
      scf.if %cond3A_202 {
        %dma_wait3A_233 = arith.constant 0 : i32
        %dma_wait3A_234 = tpu.memref_slice %arg4[%dma_wait3A_233] : memref<162816xi32, #tpu.memory_space<hbm>> -> memref<48xi32, #tpu.memory_space<hbm>>
        %dma_wait3A_235 = arith.constant 0 : i32
        %dma_wait3A_236 = tpu.memref_slice %arg4[%dma_wait3A_235] : memref<162816xi32, #tpu.memory_space<hbm>> -> memref<48xi32, #tpu.memory_space<hbm>>
        tpu.wait_dma2 semaphore(%arg32 : memref<!tpu.dma_semaphore, #tpu.memory_space<semaphore_mem>>) src(%dma_wait3A_236 : memref<48xi32, #tpu.memory_space<hbm>>) dst(%arg7 : memref<48xi32, #tpu.memory_space<vmem>>)
        %dma_wait3A_237 = arith.constant 0 : i32
        %dma_wait3A_238 = tpu.memref_slice %arg5[%dma_wait3A_237] : memref<162816xi32, #tpu.memory_space<hbm>> -> memref<48xi32, #tpu.memory_space<hbm>>
        %dma_wait3A_239 = arith.constant 0 : i32
        %dma_wait3A_240 = tpu.memref_slice %arg5[%dma_wait3A_239] : memref<162816xi32, #tpu.memory_space<hbm>> -> memref<48xi32, #tpu.memory_space<hbm>>
        tpu.wait_dma2 semaphore(%arg32 : memref<!tpu.dma_semaphore, #tpu.memory_space<semaphore_mem>>) src(%dma_wait3A_240 : memref<48xi32, #tpu.memory_space<hbm>>) dst(%arg9 : memref<48xi32, #tpu.memory_space<vmem>>)
        %dma_wait3A_241 = arith.constant 0 : i32
        %dma_wait3A_242 = tpu.memref_slice %arg3[%dma_wait3A_241] : memref<162816xf32, #tpu.memory_space<hbm>> -> memref<48xf32, #tpu.memory_space<hbm>>
        %dma_wait3A_243 = arith.constant 0 : i32
        %dma_wait3A_244 = tpu.memref_slice %arg3[%dma_wait3A_243] : memref<162816xf32, #tpu.memory_space<hbm>> -> memref<48xf32, #tpu.memory_space<hbm>>
        tpu.wait_dma2 semaphore(%arg32 : memref<!tpu.dma_semaphore, #tpu.memory_space<semaphore_mem>>) src(%dma_wait3A_244 : memref<48xf32, #tpu.memory_space<hbm>>) dst(%arg11 : memref<48xf32, #tpu.memory_space<vmem>>)
      } else {
      }
      %add3A_203 = arith.constant 1 : i32
      %add3A_204 = arith.addi %add3A_189, %add3A_203 : i32
      %lt3A_205 = arith.constant 212 : i32
      %lt3A_206 = arith.cmpi slt, %add3A_204, %lt3A_205 : i32
      %convert_element_type3A_207 = arith.extui %lt3A_206 : i1 to i32
      %cond3A_208 = arith.constant 0 : i32
      %cond3A_209 = arith.cmpi ne, %convert_element_type3A_207, %cond3A_208 : i32
      scf.if %cond3A_209 {
        %scan3A_233 = arith.constant 0 : i32
        %scan3A_234 = arith.constant 3 : i32
        %scan3A_235 = arith.addi %scan3A_233, %scan3A_234 : i32
        %scan3A_236 = arith.constant 1 : i32
        scf.for %scan3A_241 = %scan3A_233 to %scan3A_235 step %scan3A_236  : i32 {
          %mul3A_242 = arith.constant 1 : i32
          %mul3A_243 = arith.muli %scan3A_241, %mul3A_242 : i32
          %add3A_244 = arith.constant 0 : i32
          %add3A_245 = arith.addi %add3A_244, %mul3A_243 : i32
          %mul3A_246 = arith.constant 16 : i32
          %mul3A_247 = arith.muli %add3A_245, %mul3A_246 : i32
          %get3A = arith.index_cast %mul3A_247 : i32 to index
          %get3A_248 = tpu.vector_load %arg11[%get3A] {strides = array<i32>} : memref<48xf32, #tpu.memory_space<vmem>>, vector<16xf32>,
          %mul3A_249 = arith.mulf %get3A_248, %get3A_248 : vector<16xf32>
          %swap3A = arith.index_cast %mul3A_247 : i32 to index
          %swap3A_250 = tpu.vector_load %arg13[%swap3A] {strides = array<i32>} : memref<48xf32, #tpu.memory_space<vmem>>, vector<16xf32>,
          tpu.vector_store %arg13[%swap3A], %mul3A_249 {strides = array<i32>} : memref<48xf32, #tpu.memory_space<vmem>>, vector<16xf32>,
          %get3A_251 = arith.index_cast %mul3A_247 : i32 to index
          %get3A_252 = tpu.vector_load %arg7[%get3A_251] {strides = array<i32>} : memref<48xi32, #tpu.memory_space<vmem>>, vector<16xi32>,
          %get3A_253 = arith.index_cast %mul3A_247 : i32 to index
          %get3A_254 = tpu.vector_load %arg9[%get3A_253] {strides = array<i32>} : memref<48xi32, #tpu.memory_space<vmem>>, vector<16xi32>,
          %add3A_255 = vector.broadcast %mul3A_1 : i32 to vector<16xi32>
          %add3A_256 = arith.addi %get3A_252, %add3A_255 : vector<16xi32>
          %swap3A_257 = arith.index_cast %mul3A_247 : i32 to index
          %swap3A_258 = tpu.vector_load %arg15[%swap3A_257] {strides = array<i32>} : memref<96xi32, #tpu.memory_space<vmem>>, vector<16xi32>,
          tpu.vector_store %arg15[%swap3A_257], %add3A_256 {strides = array<i32>} : memref<96xi32, #tpu.memory_space<vmem>>, vector<16xi32>,
          %add3A_259 = vector.broadcast %mul3A_1 : i32 to vector<16xi32>
          %add3A_260 = arith.addi %get3A_254, %add3A_259 : vector<16xi32>
          %mul3A_261 = arith.constant 16 : i32
          %mul3A_262 = arith.muli %add3A_245, %mul3A_261 : i32
          %add3A_263 = arith.constant 48 : i32
          %add3A_264 = arith.addi %add3A_263, %mul3A_262 : i32
          %swap3A_265 = arith.index_cast %add3A_264 : i32 to index
          %swap3A_266 = tpu.vector_load %arg15[%swap3A_265] {strides = array<i32>} : memref<96xi32, #tpu.memory_space<vmem>>, vector<16xi32>,
          tpu.vector_store %arg15[%swap3A_265], %add3A_260 {strides = array<i32>} : memref<96xi32, #tpu.memory_space<vmem>>, vector<16xi32>,
          %swap3A_267 = arith.index_cast %mul3A_247 : i32 to index
          %swap3A_268 = tpu.vector_load %arg17[%swap3A_267] {strides = array<i32>} : memref<48xi32, #tpu.memory_space<vmem>>, vector<16xi32>,
          tpu.vector_store %arg17[%swap3A_267], %get3A_252 {strides = array<i32>} : memref<48xi32, #tpu.memory_space<vmem>>, vector<16xi32>,
          %swap3A_269 = arith.index_cast %mul3A_247 : i32 to index
          %swap3A_270 = tpu.vector_load %arg21[%swap3A_269] {strides = array<i32>} : memref<48xi32, #tpu.memory_space<vmem>>, vector<16xi32>,
          tpu.vector_store %arg21[%swap3A_269], %get3A_254 {strides = array<i32>} : memref<48xi32, #tpu.memory_space<vmem>>, vector<16xi32>,
        }
        %scan3A_237 = arith.constant 3 : i32
        %dma_start3A_238 = arith.constant 0 : i32
        %dma_start3A_239 = arith.constant 0 : i32
        %dma_start3A_240 = tpu.memref_slice %arg2[%dma_start3A_238, %dma_start3A_239] : memref<20480x128xf32, #tpu.memory_space<hbm>> -> memref<20480x128xf32, #tpu.memory_space<hbm>>
        tpu.enqueue_indirect_dma source(%dma_start3A_240 : memref<20480x128xf32, #tpu.memory_space<hbm>>) target(%arg25 : memref<96x128xf32, #tpu.memory_space<vmem>>) offsets(%arg15 : memref<96xi32, #tpu.memory_space<vmem>>) semaphore(%arg30 : memref<!tpu.dma_semaphore, #tpu.memory_space<semaphore_mem>>)
      } else {
      }
      %add3A_210 = arith.constant 2 : i32
      %add3A_211 = arith.addi %add3A_189, %add3A_210 : i32
      %lt3A_212 = arith.constant 212 : i32
      %lt3A_213 = arith.cmpi slt, %add3A_211, %lt3A_212 : i32
      %convert_element_type3A_214 = arith.extui %lt3A_213 : i1 to i32
      %cond3A_215 = arith.constant 0 : i32
      %cond3A_216 = arith.cmpi ne, %convert_element_type3A_214, %cond3A_215 : i32
      scf.if %cond3A_216 {
        %add3A_233 = arith.constant 2 : i32
        %add3A_234 = arith.addi %add3A_189, %add3A_233 : i32
        %mul3A_235 = arith.constant 212 : i32
        %mul3A_236 = arith.muli %arg1, %mul3A_235 : i32
        %add3A_237 = arith.addi %mul3A_236, %add3A_234 : i32
        %mul3A_238 = arith.constant 48 : i32
        %mul3A_239 = arith.muli %add3A_237, %mul3A_238 : i32
        %dma_start3A_240 = tpu.memref_slice %arg4[%mul3A_239] : memref<162816xi32, #tpu.memory_space<hbm>> -> memref<48xi32, #tpu.memory_space<hbm>>
        %dma_start3A_241 = tpu.memref_slice %arg4[%mul3A_239] : memref<162816xi32, #tpu.memory_space<hbm>> -> memref<48xi32, #tpu.memory_space<hbm>>
        tpu.enqueue_dma source(%dma_start3A_241 : memref<48xi32, #tpu.memory_space<hbm>>) target(%arg8 : memref<48xi32, #tpu.memory_space<vmem>>) target_semaphore(%arg33 : memref<!tpu.dma_semaphore, #tpu.memory_space<semaphore_mem>>)
        %dma_start3A_242 = tpu.memref_slice %arg5[%mul3A_239] : memref<162816xi32, #tpu.memory_space<hbm>> -> memref<48xi32, #tpu.memory_space<hbm>>
        %dma_start3A_243 = tpu.memref_slice %arg5[%mul3A_239] : memref<162816xi32, #tpu.memory_space<hbm>> -> memref<48xi32, #tpu.memory_space<hbm>>
        tpu.enqueue_dma source(%dma_start3A_243 : memref<48xi32, #tpu.memory_space<hbm>>) target(%arg10 : memref<48xi32, #tpu.memory_space<vmem>>) target_semaphore(%arg33 : memref<!tpu.dma_semaphore, #tpu.memory_space<semaphore_mem>>)
        %dma_start3A_244 = tpu.memref_slice %arg3[%mul3A_239] : memref<162816xf32, #tpu.memory_space<hbm>> -> memref<48xf32, #tpu.memory_space<hbm>>
        %dma_start3A_245 = tpu.memref_slice %arg3[%mul3A_239] : memref<162816xf32, #tpu.memory_space<hbm>> -> memref<48xf32, #tpu.memory_space<hbm>>
        tpu.enqueue_dma source(%dma_start3A_245 : memref<48xf32, #tpu.memory_space<hbm>>) target(%arg12 : memref<48xf32, #tpu.memory_space<vmem>>) target_semaphore(%arg33 : memref<!tpu.dma_semaphore, #tpu.memory_space<semaphore_mem>>)
      } else {
      }
      %ge3A_217 = arith.constant 1 : i32
      %ge3A_218 = arith.cmpi sge, %add3A_189, %ge3A_217 : i32
      %convert_element_type3A_219 = arith.extui %ge3A_218 : i1 to i32
      %cond3A_220 = arith.constant 0 : i32
      %cond3A_221 = arith.cmpi ne, %convert_element_type3A_219, %cond3A_220 : i32
      scf.if %cond3A_221 {
        %dma_wait3A_233 = arith.constant 0 : i32
        %dma_wait3A_234 = arith.constant 0 : i32
        %dma_wait3A_235 = tpu.memref_slice %arg29[%dma_wait3A_233, %dma_wait3A_234] : memref<10240x128xf32, #tpu.memory_space<vmem_shared>> -> memref<10240x128xf32, #tpu.memory_space<vmem_shared>>
        tpu.wait_indirect_dma semaphore(%arg34 : memref<!tpu.dma_semaphore, #tpu.memory_space<semaphore_mem>>) src(%arg27 : memref<48x128xf32, #tpu.memory_space<vmem>>) dst(%dma_wait3A_235 : memref<10240x128xf32, #tpu.memory_space<vmem_shared>>)
        %dma_wait3A_236 = arith.constant 0 : i32
        %dma_wait3A_237 = arith.constant 0 : i32
        %dma_wait3A_238 = tpu.memref_slice %arg29[%dma_wait3A_236, %dma_wait3A_237] : memref<10240x128xf32, #tpu.memory_space<vmem_shared>> -> memref<10240x128xf32, #tpu.memory_space<vmem_shared>>
        tpu.wait_indirect_dma semaphore(%arg34 : memref<!tpu.dma_semaphore, #tpu.memory_space<semaphore_mem>>) src(%arg28 : memref<48x128xf32, #tpu.memory_space<vmem>>) dst(%dma_wait3A_238 : memref<10240x128xf32, #tpu.memory_space<vmem_shared>>)
      } else {
      }
      %scan3A_222 = arith.constant 0 : i32
      %scan3A_223 = arith.constant 24 : i32
      %scan3A_224 = arith.addi %scan3A_222, %scan3A_223 : i32
      %scan3A_225 = arith.constant 1 : i32
      scf.for %scan3A_233 = %scan3A_222 to %scan3A_224 step %scan3A_225  : i32 {
        %mul3A_234 = arith.constant 2 : i32
        %mul3A_235 = arith.muli %scan3A_233, %mul3A_234 : i32
        %add3A_236 = arith.constant 0 : i32
        %add3A_237 = arith.addi %add3A_236, %mul3A_235 : i32
        %add3A_238 = arith.constant 1 : i32
        %add3A_239 = arith.addi %add3A_237, %add3A_238 : i32
        %broadcast_in_dim3A_240 = arith.constant 0 : i32
        %broadcast_in_dim3A_241 = vector.broadcast %broadcast_in_dim3A_240 : i32 to vector<16xi32>
        %add3A_242 = vector.broadcast %add3A_237 : i32 to vector<16xi32>
        %add3A_243 = arith.addi %broadcast_in_dim3A_241, %add3A_242 : vector<16xi32>
        %gather3A = tpu.vector_load_idx %arg14[%add3A_243] : memref<48xf32, #tpu.memory_space<vmem>>[vector<16xi32>], vector<16xf32>,
        %broadcast_in_dim3A_244 = arith.constant 0 : i32
        %broadcast_in_dim3A_245 = vector.broadcast %broadcast_in_dim3A_244 : i32 to vector<16xi32>
        %add3A_246 = vector.broadcast %add3A_239 : i32 to vector<16xi32>
        %add3A_247 = arith.addi %broadcast_in_dim3A_245, %add3A_246 : vector<16xi32>
        %gather3A_248 = tpu.vector_load_idx %arg14[%add3A_247] : memref<48xf32, #tpu.memory_space<vmem>>[vector<16xi32>], vector<16xf32>,
        %get3A = arith.index_cast %add3A_237 : i32 to index
        %get3A_249 = arith.constant 0 : index
        %get3A_250 = tpu.vector_load %arg26[%get3A, %get3A_249] {strides = array<i32>} : memref<96x128xf32, #tpu.memory_space<vmem>>, vector<16xf32>,
        %add3A_251 = arith.constant 48 : i32
        %add3A_252 = arith.addi %add3A_251, %add3A_237 : i32
        %get3A_253 = arith.index_cast %add3A_252 : i32 to index
        %get3A_254 = arith.constant 0 : index
        %get3A_255 = tpu.vector_load %arg26[%get3A_253, %get3A_254] {strides = array<i32>} : memref<96x128xf32, #tpu.memory_space<vmem>>, vector<16xf32>,
        %get3A_256 = arith.index_cast %add3A_239 : i32 to index
        %get3A_257 = arith.constant 0 : index
        %get3A_258 = tpu.vector_load %arg26[%get3A_256, %get3A_257] {strides = array<i32>} : memref<96x128xf32, #tpu.memory_space<vmem>>, vector<16xf32>,
        %add3A_259 = arith.constant 48 : i32
        %add3A_260 = arith.addi %add3A_259, %add3A_239 : i32
        %get3A_261 = arith.index_cast %add3A_260 : i32 to index
        %get3A_262 = arith.constant 0 : index
        %get3A_263 = tpu.vector_load %arg26[%get3A_261, %get3A_262] {strides = array<i32>} : memref<96x128xf32, #tpu.memory_space<vmem>>, vector<16xf32>,
        %get3A_264 = arith.index_cast %add3A_237 : i32 to index
        %get3A_265 = arith.constant 16 : index
        %get3A_266 = tpu.vector_load %arg26[%get3A_264, %get3A_265] {strides = array<i32>} : memref<96x128xf32, #tpu.memory_space<vmem>>, vector<16xf32>,
        %add3A_267 = arith.constant 48 : i32
        %add3A_268 = arith.addi %add3A_267, %add3A_237 : i32
        %get3A_269 = arith.index_cast %add3A_268 : i32 to index
        %get3A_270 = arith.constant 16 : index
        %get3A_271 = tpu.vector_load %arg26[%get3A_269, %get3A_270] {strides = array<i32>} : memref<96x128xf32, #tpu.memory_space<vmem>>, vector<16xf32>,
        %get3A_272 = arith.index_cast %add3A_239 : i32 to index
        %get3A_273 = arith.constant 16 : index
        %get3A_274 = tpu.vector_load %arg26[%get3A_272, %get3A_273] {strides = array<i32>} : memref<96x128xf32, #tpu.memory_space<vmem>>, vector<16xf32>,
        %add3A_275 = arith.constant 48 : i32
        %add3A_276 = arith.addi %add3A_275, %add3A_239 : i32
        %get3A_277 = arith.index_cast %add3A_276 : i32 to index
        %get3A_278 = arith.constant 16 : index
        %get3A_279 = tpu.vector_load %arg26[%get3A_277, %get3A_278] {strides = array<i32>} : memref<96x128xf32, #tpu.memory_space<vmem>>, vector<16xf32>,
        %sub3A = arith.subf %get3A_250, %get3A_255 : vector<16xf32>
        %mul3A_280 = arith.mulf %gather3A, %sub3A : vector<16xf32>
        %swap3A = arith.index_cast %add3A_237 : i32 to index
        %swap3A_281 = arith.constant 0 : index
        %swap3A_282 = tpu.vector_load %arg27[%swap3A, %swap3A_281] {strides = array<i32>} : memref<48x128xf32, #tpu.memory_space<vmem>>, vector<16xf32>,
        tpu.vector_store %arg27[%swap3A, %swap3A_281], %mul3A_280 {strides = array<i32>} : memref<48x128xf32, #tpu.memory_space<vmem>>, vector<16xf32>,
        %neg3A = arith.constant 0.000000e+00 : f32
        %neg3A_283 = vector.broadcast %neg3A : f32 to vector<16xf32>
        %neg3A_284 = arith.subf %neg3A_283, %mul3A_280 : vector<16xf32>
        %swap3A_285 = arith.index_cast %add3A_237 : i32 to index
        %swap3A_286 = arith.constant 0 : index
        %swap3A_287 = tpu.vector_load %arg28[%swap3A_285, %swap3A_286] {strides = array<i32>} : memref<48x128xf32, #tpu.memory_space<vmem>>, vector<16xf32>,
        tpu.vector_store %arg28[%swap3A_285, %swap3A_286], %neg3A_284 {strides = array<i32>} : memref<48x128xf32, #tpu.memory_space<vmem>>, vector<16xf32>,
        %sub3A_288 = arith.subf %get3A_258, %get3A_263 : vector<16xf32>
        %mul3A_289 = arith.mulf %gather3A_248, %sub3A_288 : vector<16xf32>
        %swap3A_290 = arith.index_cast %add3A_239 : i32 to index
        %swap3A_291 = arith.constant 0 : index
        %swap3A_292 = tpu.vector_load %arg27[%swap3A_290, %swap3A_291] {strides = array<i32>} : memref<48x128xf32, #tpu.memory_space<vmem>>, vector<16xf32>,
        tpu.vector_store %arg27[%swap3A_290, %swap3A_291], %mul3A_289 {strides = array<i32>} : memref<48x128xf32, #tpu.memory_space<vmem>>, vector<16xf32>,
        %neg3A_293 = arith.constant 0.000000e+00 : f32
        %neg3A_294 = vector.broadcast %neg3A_293 : f32 to vector<16xf32>
        %neg3A_295 = arith.subf %neg3A_294, %mul3A_289 : vector<16xf32>
        %swap3A_296 = arith.index_cast %add3A_239 : i32 to index
        %swap3A_297 = arith.constant 0 : index
        %swap3A_298 = tpu.vector_load %arg28[%swap3A_296, %swap3A_297] {strides = array<i32>} : memref<48x128xf32, #tpu.memory_space<vmem>>, vector<16xf32>,
        tpu.vector_store %arg28[%swap3A_296, %swap3A_297], %neg3A_295 {strides = array<i32>} : memref<48x128xf32, #tpu.memory_space<vmem>>, vector<16xf32>,
        %get3A_299 = arith.index_cast %add3A_237 : i32 to index
        %get3A_300 = arith.constant 32 : index
        %get3A_301 = tpu.vector_load %arg26[%get3A_299, %get3A_300] {strides = array<i32>} : memref<96x128xf32, #tpu.memory_space<vmem>>, vector<16xf32>,
        %add3A_302 = arith.constant 48 : i32
        %add3A_303 = arith.addi %add3A_302, %add3A_237 : i32
        %get3A_304 = arith.index_cast %add3A_303 : i32 to index
        %get3A_305 = arith.constant 32 : index
        %get3A_306 = tpu.vector_load %arg26[%get3A_304, %get3A_305] {strides = array<i32>} : memref<96x128xf32, #tpu.memory_space<vmem>>, vector<16xf32>,
        %get3A_307 = arith.index_cast %add3A_239 : i32 to index
        %get3A_308 = arith.constant 32 : index
        %get3A_309 = tpu.vector_load %arg26[%get3A_307, %get3A_308] {strides = array<i32>} : memref<96x128xf32, #tpu.memory_space<vmem>>, vector<16xf32>,
        %add3A_310 = arith.constant 48 : i32
        %add3A_311 = arith.addi %add3A_310, %add3A_239 : i32
        %get3A_312 = arith.index_cast %add3A_311 : i32 to index
        %get3A_313 = arith.constant 32 : index
        %get3A_314 = tpu.vector_load %arg26[%get3A_312, %get3A_313] {strides = array<i32>} : memref<96x128xf32, #tpu.memory_space<vmem>>, vector<16xf32>,
        %sub3A_315 = arith.subf %get3A_266, %get3A_271 : vector<16xf32>
        %mul3A_316 = arith.mulf %gather3A, %sub3A_315 : vector<16xf32>
        %swap3A_317 = arith.index_cast %add3A_237 : i32 to index
        %swap3A_318 = arith.constant 16 : index
        %swap3A_319 = tpu.vector_load %arg27[%swap3A_317, %swap3A_318] {strides = array<i32>} : memref<48x128xf32, #tpu.memory_space<vmem>>, vector<16xf32>,
        tpu.vector_store %arg27[%swap3A_317, %swap3A_318], %mul3A_316 {strides = array<i32>} : memref<48x128xf32, #tpu.memory_space<vmem>>, vector<16xf32>,
        %neg3A_320 = arith.constant 0.000000e+00 : f32
        %neg3A_321 = vector.broadcast %neg3A_320 : f32 to vector<16xf32>
        %neg3A_322 = arith.subf %neg3A_321, %mul3A_316 : vector<16xf32>
        %swap3A_323 = arith.index_cast %add3A_237 : i32 to index
        %swap3A_324 = arith.constant 16 : index
        %swap3A_325 = tpu.vector_load %arg28[%swap3A_323, %swap3A_324] {strides = array<i32>} : memref<48x128xf32, #tpu.memory_space<vmem>>, vector<16xf32>,
        tpu.vector_store %arg28[%swap3A_323, %swap3A_324], %neg3A_322 {strides = array<i32>} : memref<48x128xf32, #tpu.memory_space<vmem>>, vector<16xf32>,
        %sub3A_326 = arith.subf %get3A_274, %get3A_279 : vector<16xf32>
        %mul3A_327 = arith.mulf %gather3A_248, %sub3A_326 : vector<16xf32>
        %swap3A_328 = arith.index_cast %add3A_239 : i32 to index
        %swap3A_329 = arith.constant 16 : index
        %swap3A_330 = tpu.vector_load %arg27[%swap3A_328, %swap3A_329] {strides = array<i32>} : memref<48x128xf32, #tpu.memory_space<vmem>>, vector<16xf32>,
        tpu.vector_store %arg27[%swap3A_328, %swap3A_329], %mul3A_327 {strides = array<i32>} : memref<48x128xf32, #tpu.memory_space<vmem>>, vector<16xf32>,
        %neg3A_331 = arith.constant 0.000000e+00 : f32
        %neg3A_332 = vector.broadcast %neg3A_331 : f32 to vector<16xf32>
        %neg3A_333 = arith.subf %neg3A_332, %mul3A_327 : vector<16xf32>
        %swap3A_334 = arith.index_cast %add3A_239 : i32 to index
        %swap3A_335 = arith.constant 16 : index
        %swap3A_336 = tpu.vector_load %arg28[%swap3A_334, %swap3A_335] {strides = array<i32>} : memref<48x128xf32, #tpu.memory_space<vmem>>, vector<16xf32>,
        tpu.vector_store %arg28[%swap3A_334, %swap3A_335], %neg3A_333 {strides = array<i32>} : memref<48x128xf32, #tpu.memory_space<vmem>>, vector<16xf32>,
        %get3A_337 = arith.index_cast %add3A_237 : i32 to index
        %get3A_338 = arith.constant 48 : index
        %get3A_339 = tpu.vector_load %arg26[%get3A_337, %get3A_338] {strides = array<i32>} : memref<96x128xf32, #tpu.memory_space<vmem>>, vector<16xf32>,
        %add3A_340 = arith.constant 48 : i32
        %add3A_341 = arith.addi %add3A_340, %add3A_237 : i32
        %get3A_342 = arith.index_cast %add3A_341 : i32 to index
        %get3A_343 = arith.constant 48 : index
        %get3A_344 = tpu.vector_load %arg26[%get3A_342, %get3A_343] {strides = array<i32>} : memref<96x128xf32, #tpu.memory_space<vmem>>, vector<16xf32>,
        %get3A_345 = arith.index_cast %add3A_239 : i32 to index
        %get3A_346 = arith.constant 48 : index
        %get3A_347 = tpu.vector_load %arg26[%get3A_345, %get3A_346] {strides = array<i32>} : memref<96x128xf32, #tpu.memory_space<vmem>>, vector<16xf32>,
        %add3A_348 = arith.constant 48 : i32
        %add3A_349 = arith.addi %add3A_348, %add3A_239 : i32
        %get3A_350 = arith.index_cast %add3A_349 : i32 to index
        %get3A_351 = arith.constant 48 : index
        %get3A_352 = tpu.vector_load %arg26[%get3A_350, %get3A_351] {strides = array<i32>} : memref<96x128xf32, #tpu.memory_space<vmem>>, vector<16xf32>,
        %sub3A_353 = arith.subf %get3A_301, %get3A_306 : vector<16xf32>
        %mul3A_354 = arith.mulf %gather3A, %sub3A_353 : vector<16xf32>
        %swap3A_355 = arith.index_cast %add3A_237 : i32 to index
        %swap3A_356 = arith.constant 32 : index
        %swap3A_357 = tpu.vector_load %arg27[%swap3A_355, %swap3A_356] {strides = array<i32>} : memref<48x128xf32, #tpu.memory_space<vmem>>, vector<16xf32>,
        tpu.vector_store %arg27[%swap3A_355, %swap3A_356], %mul3A_354 {strides = array<i32>} : memref<48x128xf32, #tpu.memory_space<vmem>>, vector<16xf32>,
        %neg3A_358 = arith.constant 0.000000e+00 : f32
        %neg3A_359 = vector.broadcast %neg3A_358 : f32 to vector<16xf32>
        %neg3A_360 = arith.subf %neg3A_359, %mul3A_354 : vector<16xf32>
        %swap3A_361 = arith.index_cast %add3A_237 : i32 to index
        %swap3A_362 = arith.constant 32 : index
        %swap3A_363 = tpu.vector_load %arg28[%swap3A_361, %swap3A_362] {strides = array<i32>} : memref<48x128xf32, #tpu.memory_space<vmem>>, vector<16xf32>,
        tpu.vector_store %arg28[%swap3A_361, %swap3A_362], %neg3A_360 {strides = array<i32>} : memref<48x128xf32, #tpu.memory_space<vmem>>, vector<16xf32>,
        %sub3A_364 = arith.subf %get3A_309, %get3A_314 : vector<16xf32>
        %mul3A_365 = arith.mulf %gather3A_248, %sub3A_364 : vector<16xf32>
        %swap3A_366 = arith.index_cast %add3A_239 : i32 to index
        %swap3A_367 = arith.constant 32 : index
        %swap3A_368 = tpu.vector_load %arg27[%swap3A_366, %swap3A_367] {strides = array<i32>} : memref<48x128xf32, #tpu.memory_space<vmem>>, vector<16xf32>,
        tpu.vector_store %arg27[%swap3A_366, %swap3A_367], %mul3A_365 {strides = array<i32>} : memref<48x128xf32, #tpu.memory_space<vmem>>, vector<16xf32>,
        %neg3A_369 = arith.constant 0.000000e+00 : f32
        %neg3A_370 = vector.broadcast %neg3A_369 : f32 to vector<16xf32>
        %neg3A_371 = arith.subf %neg3A_370, %mul3A_365 : vector<16xf32>
        %swap3A_372 = arith.index_cast %add3A_239 : i32 to index
        %swap3A_373 = arith.constant 32 : index
        %swap3A_374 = tpu.vector_load %arg28[%swap3A_372, %swap3A_373] {strides = array<i32>} : memref<48x128xf32, #tpu.memory_space<vmem>>, vector<16xf32>,
        tpu.vector_store %arg28[%swap3A_372, %swap3A_373], %neg3A_371 {strides = array<i32>} : memref<48x128xf32, #tpu.memory_space<vmem>>, vector<16xf32>,
        %get3A_375 = arith.index_cast %add3A_237 : i32 to index
        %get3A_376 = arith.constant 64 : index
        %get3A_377 = tpu.vector_load %arg26[%get3A_375, %get3A_376] {strides = array<i32>} : memref<96x128xf32, #tpu.memory_space<vmem>>, vector<16xf32>,
        %add3A_378 = arith.constant 48 : i32
        %add3A_379 = arith.addi %add3A_378, %add3A_237 : i32
        %get3A_380 = arith.index_cast %add3A_379 : i32 to index
        %get3A_381 = arith.constant 64 : index
        %get3A_382 = tpu.vector_load %arg26[%get3A_380, %get3A_381] {strides = array<i32>} : memref<96x128xf32, #tpu.memory_space<vmem>>, vector<16xf32>,
        %get3A_383 = arith.index_cast %add3A_239 : i32 to index
        %get3A_384 = arith.constant 64 : index
        %get3A_385 = tpu.vector_load %arg26[%get3A_383, %get3A_384] {strides = array<i32>} : memref<96x128xf32, #tpu.memory_space<vmem>>, vector<16xf32>,
        %add3A_386 = arith.constant 48 : i32
        %add3A_387 = arith.addi %add3A_386, %add3A_239 : i32
        %get3A_388 = arith.index_cast %add3A_387 : i32 to index
        %get3A_389 = arith.constant 64 : index
        %get3A_390 = tpu.vector_load %arg26[%get3A_388, %get3A_389] {strides = array<i32>} : memref<96x128xf32, #tpu.memory_space<vmem>>, vector<16xf32>,
        %sub3A_391 = arith.subf %get3A_339, %get3A_344 : vector<16xf32>
        %mul3A_392 = arith.mulf %gather3A, %sub3A_391 : vector<16xf32>
        %swap3A_393 = arith.index_cast %add3A_237 : i32 to index
        %swap3A_394 = arith.constant 48 : index
        %swap3A_395 = tpu.vector_load %arg27[%swap3A_393, %swap3A_394] {strides = array<i32>} : memref<48x128xf32, #tpu.memory_space<vmem>>, vector<16xf32>,
        tpu.vector_store %arg27[%swap3A_393, %swap3A_394], %mul3A_392 {strides = array<i32>} : memref<48x128xf32, #tpu.memory_space<vmem>>, vector<16xf32>,
        %neg3A_396 = arith.constant 0.000000e+00 : f32
        %neg3A_397 = vector.broadcast %neg3A_396 : f32 to vector<16xf32>
        %neg3A_398 = arith.subf %neg3A_397, %mul3A_392 : vector<16xf32>
        %swap3A_399 = arith.index_cast %add3A_237 : i32 to index
        %swap3A_400 = arith.constant 48 : index
        %swap3A_401 = tpu.vector_load %arg28[%swap3A_399, %swap3A_400] {strides = array<i32>} : memref<48x128xf32, #tpu.memory_space<vmem>>, vector<16xf32>,
        tpu.vector_store %arg28[%swap3A_399, %swap3A_400], %neg3A_398 {strides = array<i32>} : memref<48x128xf32, #tpu.memory_space<vmem>>, vector<16xf32>,
        %sub3A_402 = arith.subf %get3A_347, %get3A_352 : vector<16xf32>
        %mul3A_403 = arith.mulf %gather3A_248, %sub3A_402 : vector<16xf32>
        %swap3A_404 = arith.index_cast %add3A_239 : i32 to index
        %swap3A_405 = arith.constant 48 : index
        %swap3A_406 = tpu.vector_load %arg27[%swap3A_404, %swap3A_405] {strides = array<i32>} : memref<48x128xf32, #tpu.memory_space<vmem>>, vector<16xf32>,
        tpu.vector_store %arg27[%swap3A_404, %swap3A_405], %mul3A_403 {strides = array<i32>} : memref<48x128xf32, #tpu.memory_space<vmem>>, vector<16xf32>,
        %neg3A_407 = arith.constant 0.000000e+00 : f32
        %neg3A_408 = vector.broadcast %neg3A_407 : f32 to vector<16xf32>
        %neg3A_409 = arith.subf %neg3A_408, %mul3A_403 : vector<16xf32>
        %swap3A_410 = arith.index_cast %add3A_239 : i32 to index
        %swap3A_411 = arith.constant 48 : index
        %swap3A_412 = tpu.vector_load %arg28[%swap3A_410, %swap3A_411] {strides = array<i32>} : memref<48x128xf32, #tpu.memory_space<vmem>>, vector<16xf32>,
        tpu.vector_store %arg28[%swap3A_410, %swap3A_411], %neg3A_409 {strides = array<i32>} : memref<48x128xf32, #tpu.memory_space<vmem>>, vector<16xf32>,
        %get3A_413 = arith.index_cast %add3A_237 : i32 to index
        %get3A_414 = arith.constant 80 : index
        %get3A_415 = tpu.vector_load %arg26[%get3A_413, %get3A_414] {strides = array<i32>} : memref<96x128xf32, #tpu.memory_space<vmem>>, vector<16xf32>,
        %add3A_416 = arith.constant 48 : i32
        %add3A_417 = arith.addi %add3A_416, %add3A_237 : i32
        %get3A_418 = arith.index_cast %add3A_417 : i32 to index
        %get3A_419 = arith.constant 80 : index
        %get3A_420 = tpu.vector_load %arg26[%get3A_418, %get3A_419] {strides = array<i32>} : memref<96x128xf32, #tpu.memory_space<vmem>>, vector<16xf32>,
        %get3A_421 = arith.index_cast %add3A_239 : i32 to index
        %get3A_422 = arith.constant 80 : index
        %get3A_423 = tpu.vector_load %arg26[%get3A_421, %get3A_422] {strides = array<i32>} : memref<96x128xf32, #tpu.memory_space<vmem>>, vector<16xf32>,
        %add3A_424 = arith.constant 48 : i32
        %add3A_425 = arith.addi %add3A_424, %add3A_239 : i32
        %get3A_426 = arith.index_cast %add3A_425 : i32 to index
        %get3A_427 = arith.constant 80 : index
        %get3A_428 = tpu.vector_load %arg26[%get3A_426, %get3A_427] {strides = array<i32>} : memref<96x128xf32, #tpu.memory_space<vmem>>, vector<16xf32>,
        %sub3A_429 = arith.subf %get3A_377, %get3A_382 : vector<16xf32>
        %mul3A_430 = arith.mulf %gather3A, %sub3A_429 : vector<16xf32>
        %swap3A_431 = arith.index_cast %add3A_237 : i32 to index
        %swap3A_432 = arith.constant 64 : index
        %swap3A_433 = tpu.vector_load %arg27[%swap3A_431, %swap3A_432] {strides = array<i32>} : memref<48x128xf32, #tpu.memory_space<vmem>>, vector<16xf32>,
        tpu.vector_store %arg27[%swap3A_431, %swap3A_432], %mul3A_430 {strides = array<i32>} : memref<48x128xf32, #tpu.memory_space<vmem>>, vector<16xf32>,
        %neg3A_434 = arith.constant 0.000000e+00 : f32
        %neg3A_435 = vector.broadcast %neg3A_434 : f32 to vector<16xf32>
        %neg3A_436 = arith.subf %neg3A_435, %mul3A_430 : vector<16xf32>
        %swap3A_437 = arith.index_cast %add3A_237 : i32 to index
        %swap3A_438 = arith.constant 64 : index
        %swap3A_439 = tpu.vector_load %arg28[%swap3A_437, %swap3A_438] {strides = array<i32>} : memref<48x128xf32, #tpu.memory_space<vmem>>, vector<16xf32>,
        tpu.vector_store %arg28[%swap3A_437, %swap3A_438], %neg3A_436 {strides = array<i32>} : memref<48x128xf32, #tpu.memory_space<vmem>>, vector<16xf32>,
        %sub3A_440 = arith.subf %get3A_385, %get3A_390 : vector<16xf32>
        %mul3A_441 = arith.mulf %gather3A_248, %sub3A_440 : vector<16xf32>
        %swap3A_442 = arith.index_cast %add3A_239 : i32 to index
        %swap3A_443 = arith.constant 64 : index
        %swap3A_444 = tpu.vector_load %arg27[%swap3A_442, %swap3A_443] {strides = array<i32>} : memref<48x128xf32, #tpu.memory_space<vmem>>, vector<16xf32>,
        tpu.vector_store %arg27[%swap3A_442, %swap3A_443], %mul3A_441 {strides = array<i32>} : memref<48x128xf32, #tpu.memory_space<vmem>>, vector<16xf32>,
        %neg3A_445 = arith.constant 0.000000e+00 : f32
        %neg3A_446 = vector.broadcast %neg3A_445 : f32 to vector<16xf32>
        %neg3A_447 = arith.subf %neg3A_446, %mul3A_441 : vector<16xf32>
        %swap3A_448 = arith.index_cast %add3A_239 : i32 to index
        %swap3A_449 = arith.constant 64 : index
        %swap3A_450 = tpu.vector_load %arg28[%swap3A_448, %swap3A_449] {strides = array<i32>} : memref<48x128xf32, #tpu.memory_space<vmem>>, vector<16xf32>,
        tpu.vector_store %arg28[%swap3A_448, %swap3A_449], %neg3A_447 {strides = array<i32>} : memref<48x128xf32, #tpu.memory_space<vmem>>, vector<16xf32>,
        %get3A_451 = arith.index_cast %add3A_237 : i32 to index
        %get3A_452 = arith.constant 96 : index
        %get3A_453 = tpu.vector_load %arg26[%get3A_451, %get3A_452] {strides = array<i32>} : memref<96x128xf32, #tpu.memory_space<vmem>>, vector<16xf32>,
        %add3A_454 = arith.constant 48 : i32
        %add3A_455 = arith.addi %add3A_454, %add3A_237 : i32
        %get3A_456 = arith.index_cast %add3A_455 : i32 to index
        %get3A_457 = arith.constant 96 : index
        %get3A_458 = tpu.vector_load %arg26[%get3A_456, %get3A_457] {strides = array<i32>} : memref<96x128xf32, #tpu.memory_space<vmem>>, vector<16xf32>,
        %get3A_459 = arith.index_cast %add3A_239 : i32 to index
        %get3A_460 = arith.constant 96 : index
        %get3A_461 = tpu.vector_load %arg26[%get3A_459, %get3A_460] {strides = array<i32>} : memref<96x128xf32, #tpu.memory_space<vmem>>, vector<16xf32>,
        %add3A_462 = arith.constant 48 : i32
        %add3A_463 = arith.addi %add3A_462, %add3A_239 : i32
        %get3A_464 = arith.index_cast %add3A_463 : i32 to index
        %get3A_465 = arith.constant 96 : index
        %get3A_466 = tpu.vector_load %arg26[%get3A_464, %get3A_465] {strides = array<i32>} : memref<96x128xf32, #tpu.memory_space<vmem>>, vector<16xf32>,
        %sub3A_467 = arith.subf %get3A_415, %get3A_420 : vector<16xf32>
        %mul3A_468 = arith.mulf %gather3A, %sub3A_467 : vector<16xf32>
        %swap3A_469 = arith.index_cast %add3A_237 : i32 to index
        %swap3A_470 = arith.constant 80 : index
        %swap3A_471 = tpu.vector_load %arg27[%swap3A_469, %swap3A_470] {strides = array<i32>} : memref<48x128xf32, #tpu.memory_space<vmem>>, vector<16xf32>,
        tpu.vector_store %arg27[%swap3A_469, %swap3A_470], %mul3A_468 {strides = array<i32>} : memref<48x128xf32, #tpu.memory_space<vmem>>, vector<16xf32>,
        %neg3A_472 = arith.constant 0.000000e+00 : f32
        %neg3A_473 = vector.broadcast %neg3A_472 : f32 to vector<16xf32>
        %neg3A_474 = arith.subf %neg3A_473, %mul3A_468 : vector<16xf32>
        %swap3A_475 = arith.index_cast %add3A_237 : i32 to index
        %swap3A_476 = arith.constant 80 : index
        %swap3A_477 = tpu.vector_load %arg28[%swap3A_475, %swap3A_476] {strides = array<i32>} : memref<48x128xf32, #tpu.memory_space<vmem>>, vector<16xf32>,
        tpu.vector_store %arg28[%swap3A_475, %swap3A_476], %neg3A_474 {strides = array<i32>} : memref<48x128xf32, #tpu.memory_space<vmem>>, vector<16xf32>,
        %sub3A_478 = arith.subf %get3A_423, %get3A_428 : vector<16xf32>
        %mul3A_479 = arith.mulf %gather3A_248, %sub3A_478 : vector<16xf32>
        %swap3A_480 = arith.index_cast %add3A_239 : i32 to index
        %swap3A_481 = arith.constant 80 : index
        %swap3A_482 = tpu.vector_load %arg27[%swap3A_480, %swap3A_481] {strides = array<i32>} : memref<48x128xf32, #tpu.memory_space<vmem>>, vector<16xf32>,
        tpu.vector_store %arg27[%swap3A_480, %swap3A_481], %mul3A_479 {strides = array<i32>} : memref<48x128xf32, #tpu.memory_space<vmem>>, vector<16xf32>,
        %neg3A_483 = arith.constant 0.000000e+00 : f32
        %neg3A_484 = vector.broadcast %neg3A_483 : f32 to vector<16xf32>
        %neg3A_485 = arith.subf %neg3A_484, %mul3A_479 : vector<16xf32>
        %swap3A_486 = arith.index_cast %add3A_239 : i32 to index
        %swap3A_487 = arith.constant 80 : index
        %swap3A_488 = tpu.vector_load %arg28[%swap3A_486, %swap3A_487] {strides = array<i32>} : memref<48x128xf32, #tpu.memory_space<vmem>>, vector<16xf32>,
        tpu.vector_store %arg28[%swap3A_486, %swap3A_487], %neg3A_485 {strides = array<i32>} : memref<48x128xf32, #tpu.memory_space<vmem>>, vector<16xf32>,
        %get3A_489 = arith.index_cast %add3A_237 : i32 to index
        %get3A_490 = arith.constant 112 : index
        %get3A_491 = tpu.vector_load %arg26[%get3A_489, %get3A_490] {strides = array<i32>} : memref<96x128xf32, #tpu.memory_space<vmem>>, vector<16xf32>,
        %add3A_492 = arith.constant 48 : i32
        %add3A_493 = arith.addi %add3A_492, %add3A_237 : i32
        %get3A_494 = arith.index_cast %add3A_493 : i32 to index
        %get3A_495 = arith.constant 112 : index
        %get3A_496 = tpu.vector_load %arg26[%get3A_494, %get3A_495] {strides = array<i32>} : memref<96x128xf32, #tpu.memory_space<vmem>>, vector<16xf32>,
        %get3A_497 = arith.index_cast %add3A_239 : i32 to index
        %get3A_498 = arith.constant 112 : index
        %get3A_499 = tpu.vector_load %arg26[%get3A_497, %get3A_498] {strides = array<i32>} : memref<96x128xf32, #tpu.memory_space<vmem>>, vector<16xf32>,
        %add3A_500 = arith.constant 48 : i32
        %add3A_501 = arith.addi %add3A_500, %add3A_239 : i32
        %get3A_502 = arith.index_cast %add3A_501 : i32 to index
        %get3A_503 = arith.constant 112 : index
        %get3A_504 = tpu.vector_load %arg26[%get3A_502, %get3A_503] {strides = array<i32>} : memref<96x128xf32, #tpu.memory_space<vmem>>, vector<16xf32>,
        %sub3A_505 = arith.subf %get3A_453, %get3A_458 : vector<16xf32>
        %mul3A_506 = arith.mulf %gather3A, %sub3A_505 : vector<16xf32>
        %swap3A_507 = arith.index_cast %add3A_237 : i32 to index
        %swap3A_508 = arith.constant 96 : index
        %swap3A_509 = tpu.vector_load %arg27[%swap3A_507, %swap3A_508] {strides = array<i32>} : memref<48x128xf32, #tpu.memory_space<vmem>>, vector<16xf32>,
        tpu.vector_store %arg27[%swap3A_507, %swap3A_508], %mul3A_506 {strides = array<i32>} : memref<48x128xf32, #tpu.memory_space<vmem>>, vector<16xf32>,
        %neg3A_510 = arith.constant 0.000000e+00 : f32
        %neg3A_511 = vector.broadcast %neg3A_510 : f32 to vector<16xf32>
        %neg3A_512 = arith.subf %neg3A_511, %mul3A_506 : vector<16xf32>
        %swap3A_513 = arith.index_cast %add3A_237 : i32 to index
        %swap3A_514 = arith.constant 96 : index
        %swap3A_515 = tpu.vector_load %arg28[%swap3A_513, %swap3A_514] {strides = array<i32>} : memref<48x128xf32, #tpu.memory_space<vmem>>, vector<16xf32>,
        tpu.vector_store %arg28[%swap3A_513, %swap3A_514], %neg3A_512 {strides = array<i32>} : memref<48x128xf32, #tpu.memory_space<vmem>>, vector<16xf32>,
        %sub3A_516 = arith.subf %get3A_461, %get3A_466 : vector<16xf32>
        %mul3A_517 = arith.mulf %gather3A_248, %sub3A_516 : vector<16xf32>
        %swap3A_518 = arith.index_cast %add3A_239 : i32 to index
        %swap3A_519 = arith.constant 96 : index
        %swap3A_520 = tpu.vector_load %arg27[%swap3A_518, %swap3A_519] {strides = array<i32>} : memref<48x128xf32, #tpu.memory_space<vmem>>, vector<16xf32>,
        tpu.vector_store %arg27[%swap3A_518, %swap3A_519], %mul3A_517 {strides = array<i32>} : memref<48x128xf32, #tpu.memory_space<vmem>>, vector<16xf32>,
        %neg3A_521 = arith.constant 0.000000e+00 : f32
        %neg3A_522 = vector.broadcast %neg3A_521 : f32 to vector<16xf32>
        %neg3A_523 = arith.subf %neg3A_522, %mul3A_517 : vector<16xf32>
        %swap3A_524 = arith.index_cast %add3A_239 : i32 to index
        %swap3A_525 = arith.constant 96 : index
        %swap3A_526 = tpu.vector_load %arg28[%swap3A_524, %swap3A_525] {strides = array<i32>} : memref<48x128xf32, #tpu.memory_space<vmem>>, vector<16xf32>,
        tpu.vector_store %arg28[%swap3A_524, %swap3A_525], %neg3A_523 {strides = array<i32>} : memref<48x128xf32, #tpu.memory_space<vmem>>, vector<16xf32>,
        %sub3A_527 = arith.subf %get3A_491, %get3A_496 : vector<16xf32>
        %mul3A_528 = arith.mulf %gather3A, %sub3A_527 : vector<16xf32>
        %swap3A_529 = arith.index_cast %add3A_237 : i32 to index
        %swap3A_530 = arith.constant 112 : index
        %swap3A_531 = tpu.vector_load %arg27[%swap3A_529, %swap3A_530] {strides = array<i32>} : memref<48x128xf32, #tpu.memory_space<vmem>>, vector<16xf32>,
        tpu.vector_store %arg27[%swap3A_529, %swap3A_530], %mul3A_528 {strides = array<i32>} : memref<48x128xf32, #tpu.memory_space<vmem>>, vector<16xf32>,
        %neg3A_532 = arith.constant 0.000000e+00 : f32
        %neg3A_533 = vector.broadcast %neg3A_532 : f32 to vector<16xf32>
        %neg3A_534 = arith.subf %neg3A_533, %mul3A_528 : vector<16xf32>
        %swap3A_535 = arith.index_cast %add3A_237 : i32 to index
        %swap3A_536 = arith.constant 112 : index
        %swap3A_537 = tpu.vector_load %arg28[%swap3A_535, %swap3A_536] {strides = array<i32>} : memref<48x128xf32, #tpu.memory_space<vmem>>, vector<16xf32>,
        tpu.vector_store %arg28[%swap3A_535, %swap3A_536], %neg3A_534 {strides = array<i32>} : memref<48x128xf32, #tpu.memory_space<vmem>>, vector<16xf32>,
        %sub3A_538 = arith.subf %get3A_499, %get3A_504 : vector<16xf32>
        %mul3A_539 = arith.mulf %gather3A_248, %sub3A_538 : vector<16xf32>
        %swap3A_540 = arith.index_cast %add3A_239 : i32 to index
        %swap3A_541 = arith.constant 112 : index
        %swap3A_542 = tpu.vector_load %arg27[%swap3A_540, %swap3A_541] {strides = array<i32>} : memref<48x128xf32, #tpu.memory_space<vmem>>, vector<16xf32>,
        tpu.vector_store %arg27[%swap3A_540, %swap3A_541], %mul3A_539 {strides = array<i32>} : memref<48x128xf32, #tpu.memory_space<vmem>>, vector<16xf32>,
        %neg3A_543 = arith.constant 0.000000e+00 : f32
        %neg3A_544 = vector.broadcast %neg3A_543 : f32 to vector<16xf32>
        %neg3A_545 = arith.subf %neg3A_544, %mul3A_539 : vector<16xf32>
        %swap3A_546 = arith.index_cast %add3A_239 : i32 to index
        %swap3A_547 = arith.constant 112 : index
        %swap3A_548 = tpu.vector_load %arg28[%swap3A_546, %swap3A_547] {strides = array<i32>} : memref<48x128xf32, #tpu.memory_space<vmem>>, vector<16xf32>,
        tpu.vector_store %arg28[%swap3A_546, %swap3A_547], %neg3A_545 {strides = array<i32>} : memref<48x128xf32, #tpu.memory_space<vmem>>, vector<16xf32>,
      }
      %scan3A_226 = arith.constant 24 : i32
      %dma_start3A_227 = arith.constant 0 : i32
      %dma_start3A_228 = arith.constant 0 : i32
      %dma_start3A_229 = tpu.memref_slice %arg29[%dma_start3A_227, %dma_start3A_228] : memref<10240x128xf32, #tpu.memory_space<vmem_shared>> -> memref<10240x128xf32, #tpu.memory_space<vmem_shared>>
      tpu.enqueue_indirect_dma source(%arg27 : memref<48x128xf32, #tpu.memory_space<vmem>>) target(%dma_start3A_229 : memref<10240x128xf32, #tpu.memory_space<vmem_shared>>) offsets(%arg20 : memref<48xi32, #tpu.memory_space<vmem>>) semaphore(%arg35 : memref<!tpu.dma_semaphore, #tpu.memory_space<semaphore_mem>>) {add = true}
      %dma_start3A_230 = arith.constant 0 : i32
      %dma_start3A_231 = arith.constant 0 : i32
      %dma_start3A_232 = tpu.memref_slice %arg29[%dma_start3A_230, %dma_start3A_231] : memref<10240x128xf32, #tpu.memory_space<vmem_shared>> -> memref<10240x128xf32, #tpu.memory_space<vmem_shared>>
      tpu.enqueue_indirect_dma source(%arg28 : memref<48x128xf32, #tpu.memory_space<vmem>>) target(%dma_start3A_232 : memref<10240x128xf32, #tpu.memory_space<vmem_shared>>) offsets(%arg24 : memref<48xi32, #tpu.memory_space<vmem>>) semaphore(%arg35 : memref<!tpu.dma_semaphore, #tpu.memory_space<semaphore_mem>>) {add = true}
    }
    %scan3A_33 = arith.constant 53 : i32
    %dma_wait3A = arith.constant 0 : i32
    %dma_wait3A_34 = arith.constant 0 : i32
    %dma_wait3A_35 = tpu.memref_slice %arg29[%dma_wait3A, %dma_wait3A_34] : memref<10240x128xf32, #tpu.memory_space<vmem_shared>> -> memref<10240x128xf32, #tpu.memory_space<vmem_shared>>
    tpu.wait_indirect_dma semaphore(%arg35 : memref<!tpu.dma_semaphore, #tpu.memory_space<semaphore_mem>>) src(%arg27 : memref<48x128xf32, #tpu.memory_space<vmem>>) dst(%dma_wait3A_35 : memref<10240x128xf32, #tpu.memory_space<vmem_shared>>)
    %dma_wait3A_36 = arith.constant 0 : i32
    %dma_wait3A_37 = arith.constant 0 : i32
    %dma_wait3A_38 = tpu.memref_slice %arg29[%dma_wait3A_36, %dma_wait3A_37] : memref<10240x128xf32, #tpu.memory_space<vmem_shared>> -> memref<10240x128xf32, #tpu.memory_space<vmem_shared>>
    tpu.wait_indirect_dma semaphore(%arg35 : memref<!tpu.dma_semaphore, #tpu.memory_space<semaphore_mem>>) src(%arg28 : memref<48x128xf32, #tpu.memory_space<vmem>>) dst(%dma_wait3A_38 : memref<10240x128xf32, #tpu.memory_space<vmem_shared>>)
    %barrier3A_39 = arith.constant 0 : index
    tpu.barrier barrier_id(%barrier3A_39)
    %scan3A_40 = arith.constant 0 : i32
    %scan3A_41 = arith.constant 16 : i32
    %scan3A_42 = arith.addi %scan3A_40, %scan3A_41 : i32
    %scan3A_43 = arith.constant 1 : i32
    scf.for %scan3A_45 = %scan3A_40 to %scan3A_42 step %scan3A_43  : i32 {
      %mul3A_46 = arith.constant 1 : i32
      %mul3A_47 = arith.muli %scan3A_45, %mul3A_46 : i32
      %add3A_48 = arith.constant 0 : i32
      %add3A_49 = arith.addi %add3A_48, %mul3A_47 : i32
      %mul3A_50 = arith.constant 640 : i32
      %mul3A_51 = arith.muli %arg1, %mul3A_50 : i32
      %mul3A_52 = arith.constant 40 : i32
      %mul3A_53 = arith.muli %add3A_49, %mul3A_52 : i32
      %add3A_54 = arith.addi %mul3A_51, %mul3A_53 : i32
      "tpu.region"() ({
        %run_scoped3A = tpu.sem_alloc : memref<!tpu.dma_semaphore, #tpu.memory_space<semaphore_mem>>
        %dma_start3A_58 = arith.constant 0 : i32
        %dma_start3A_59 = arith.constant 0 : i32
        %dma_start3A_60 = tpu.memref_slice %arg27[%dma_start3A_58, %dma_start3A_59] : memref<48x128xf32, #tpu.memory_space<vmem>> -> memref<40x128xf32, #tpu.memory_space<vmem>>
        %dma_start3A_61 = arith.constant 0 : i32
        %dma_start3A_62 = tpu.memref_slice %arg29[%add3A_54, %dma_start3A_61] : memref<10240x128xf32, #tpu.memory_space<vmem_shared>> -> memref<40x128xf32, #tpu.memory_space<vmem_shared>>
        %dma_start3A_63 = arith.constant 0 : i32
        %dma_start3A_64 = arith.constant 0 : i32
        %dma_start3A_65 = tpu.memref_slice %arg27[%dma_start3A_63, %dma_start3A_64] : memref<48x128xf32, #tpu.memory_space<vmem>> -> memref<40x128xf32, #tpu.memory_space<vmem>>
        %dma_start3A_66 = arith.constant 0 : i32
        %dma_start3A_67 = tpu.memref_slice %arg29[%add3A_54, %dma_start3A_66] : memref<10240x128xf32, #tpu.memory_space<vmem_shared>> -> memref<40x128xf32, #tpu.memory_space<vmem_shared>>
        tpu.enqueue_dma source(%dma_start3A_67 : memref<40x128xf32, #tpu.memory_space<vmem_shared>>) target(%dma_start3A_65 : memref<40x128xf32, #tpu.memory_space<vmem>>) target_semaphore(%run_scoped3A : memref<!tpu.dma_semaphore, #tpu.memory_space<semaphore_mem>>)
        %dma_wait3A_68 = arith.constant 0 : i32
        %dma_wait3A_69 = arith.constant 0 : i32
        %dma_wait3A_70 = tpu.memref_slice %arg27[%dma_wait3A_68, %dma_wait3A_69] : memref<48x128xf32, #tpu.memory_space<vmem>> -> memref<40x128xf32, #tpu.memory_space<vmem>>
        %dma_wait3A_71 = arith.constant 0 : i32
        %dma_wait3A_72 = tpu.memref_slice %arg29[%add3A_54, %dma_wait3A_71] : memref<10240x128xf32, #tpu.memory_space<vmem_shared>> -> memref<40x128xf32, #tpu.memory_space<vmem_shared>>
        %dma_wait3A_73 = arith.constant 0 : i32
        %dma_wait3A_74 = arith.constant 0 : i32
        %dma_wait3A_75 = tpu.memref_slice %arg27[%dma_wait3A_73, %dma_wait3A_74] : memref<48x128xf32, #tpu.memory_space<vmem>> -> memref<40x128xf32, #tpu.memory_space<vmem>>
        %dma_wait3A_76 = arith.constant 0 : i32
        %dma_wait3A_77 = tpu.memref_slice %arg29[%add3A_54, %dma_wait3A_76] : memref<10240x128xf32, #tpu.memory_space<vmem_shared>> -> memref<40x128xf32, #tpu.memory_space<vmem_shared>>
        tpu.wait_dma2 semaphore(%run_scoped3A : memref<!tpu.dma_semaphore, #tpu.memory_space<semaphore_mem>>) src(%dma_wait3A_77 : memref<40x128xf32, #tpu.memory_space<vmem_shared>>) dst(%dma_wait3A_75 : memref<40x128xf32, #tpu.memory_space<vmem>>)
        tpu.yield
      }) : () -> ()
      %mul3A_55 = arith.constant 10240 : i32
      %mul3A_56 = arith.muli %arg0, %mul3A_55 : i32
      %add3A_57 = arith.addi %mul3A_56, %add3A_54 : i32
      "tpu.region"() ({
        %run_scoped3A = tpu.sem_alloc : memref<!tpu.dma_semaphore, #tpu.memory_space<semaphore_mem>>
        %dma_start3A_58 = arith.constant 0 : i32
        %dma_start3A_59 = arith.constant 0 : i32
        %dma_start3A_60 = tpu.memref_slice %arg27[%dma_start3A_58, %dma_start3A_59] : memref<48x128xf32, #tpu.memory_space<vmem>> -> memref<40x128xf32, #tpu.memory_space<vmem>>
        %dma_start3A_61 = arith.constant 0 : i32
        %dma_start3A_62 = tpu.memref_slice %arg6[%add3A_57, %dma_start3A_61] : memref<20480x128xf32, #tpu.memory_space<hbm>> -> memref<40x128xf32, #tpu.memory_space<hbm>>
        %dma_start3A_63 = arith.constant 0 : i32
        %dma_start3A_64 = tpu.memref_slice %arg6[%add3A_57, %dma_start3A_63] : memref<20480x128xf32, #tpu.memory_space<hbm>> -> memref<40x128xf32, #tpu.memory_space<hbm>>
        %dma_start3A_65 = arith.constant 0 : i32
        %dma_start3A_66 = arith.constant 0 : i32
        %dma_start3A_67 = tpu.memref_slice %arg27[%dma_start3A_65, %dma_start3A_66] : memref<48x128xf32, #tpu.memory_space<vmem>> -> memref<40x128xf32, #tpu.memory_space<vmem>>
        tpu.enqueue_dma source(%dma_start3A_67 : memref<40x128xf32, #tpu.memory_space<vmem>>) target(%dma_start3A_64 : memref<40x128xf32, #tpu.memory_space<hbm>>) target_semaphore(%run_scoped3A : memref<!tpu.dma_semaphore, #tpu.memory_space<semaphore_mem>>)
        %dma_wait3A_68 = arith.constant 0 : i32
        %dma_wait3A_69 = arith.constant 0 : i32
        %dma_wait3A_70 = tpu.memref_slice %arg27[%dma_wait3A_68, %dma_wait3A_69] : memref<48x128xf32, #tpu.memory_space<vmem>> -> memref<40x128xf32, #tpu.memory_space<vmem>>
        %dma_wait3A_71 = arith.constant 0 : i32
        %dma_wait3A_72 = tpu.memref_slice %arg6[%add3A_57, %dma_wait3A_71] : memref<20480x128xf32, #tpu.memory_space<hbm>> -> memref<40x128xf32, #tpu.memory_space<hbm>>
        %dma_wait3A_73 = arith.constant 0 : i32
        %dma_wait3A_74 = tpu.memref_slice %arg6[%add3A_57, %dma_wait3A_73] : memref<20480x128xf32, #tpu.memory_space<hbm>> -> memref<40x128xf32, #tpu.memory_space<hbm>>
        %dma_wait3A_75 = arith.constant 0 : i32
        %dma_wait3A_76 = arith.constant 0 : i32
        %dma_wait3A_77 = tpu.memref_slice %arg27[%dma_wait3A_75, %dma_wait3A_76] : memref<48x128xf32, #tpu.memory_space<vmem>> -> memref<40x128xf32, #tpu.memory_space<vmem>>
        tpu.wait_dma2 semaphore(%run_scoped3A : memref<!tpu.dma_semaphore, #tpu.memory_space<semaphore_mem>>) src(%dma_wait3A_77 : memref<40x128xf32, #tpu.memory_space<vmem>>) dst(%dma_wait3A_74 : memref<40x128xf32, #tpu.memory_space<hbm>>)
        tpu.yield
      }) : () -> ()
    }
    %scan3A_44 = arith.constant 16 : i32
    return
  }
}

</mosaic_0001>

<sc_bundles>
// kernel: kernel.3.cloned.1.call-start
scs
__scs_entry_jumppad:
0x0: {  	(pc) =	sbr.rel $0x88, $3  }
0x1: {  	(tag) =	ssettag $0x0;
	lr =	simm.s32 $0x1  }
0x2: {  	[smem:$0x3F9D] =	sst lr;
	_ =	strace $0xD0000000  }
0x3: {  	_ = 	snop  }
0x4: {  	_ = 	snop  }
0x5: {  	_ = 	snop  }
0x6: {  	_ = 	snop  }
0x7: {  	_ = 	snop  }
__scs_overlays_trampoline_lowered:
0x8: {  	[smem:$0x3FAC] =	sst s0  }
0x9: {  	[smem:$0x3FAD] =	sst s1  }
0xa: {  	[smem:$0x3FAE] =	sst s2  }
0xb: {  	[smem:$0x3FAF] =	sst s3  }
0xc: {  	[smem:$0x3FB0] =	sst s4  }
0xd: {  	[smem:$0x3FB1] =	sst s5  }
0xe: {  	[smem:$0x3FB2] =	sst s6  }
0xf: {  	[smem:$0x3FB3] =	sst s7  }
0x10: {  	[smem:$0x3FB4] =	sst s8  }
0x11: {  	[smem:$0x3FB5] =	sst s9;
	s0 =	simm.s32 @!p0 $0x0  }
0x12: {  	s1 =	sld [smem:$0x3F9B];
	s0 =	simm.s32 @p0 $0x1  }
0x13: {  	[smem:$0x3FB6] =	sst s0;
	s0 =	simm.s32 @!p1 $0x0  }
0x14: {  	s2 =	sld [smem:$0x3F9A];
	s0 =	simm.s32 @p1 $0x1  }
0x15: {  	[smem:$0x3FB7] =	sst s0;
	s0 =	simm.s32 @!p2 $0x0  }
0x16: {  	s3 =	sld [smem:$0x3FDB];
	s0 =	simm.s32 @p2 $0x1  }
0x17: {  	s4 =	simm.s32 $0x1BF5;
	[smem:$0x3FB9] =	sst s0  }
0x18: {  	s0 =	sld [smem:$0x3F9C];
	_ =	swait.ge [sflag:s4], $0x0  }
0x19: {  	s7 =	sld [smem:$0x3F9D]  }
0x1a: {  	s8 =	sadd.s32 $0xFFFFE003, lr  }
0x1b: {  	s9 =	sadd.s32 $0xFFFFFEF7, lr;
	s5 =	simm.s32 $0xFFFFFFFF;
	p2 =	slt.u32 s8, $0xFFFFF086  }
0x1c: {  	p1 =	slt.u32 s9, $0xF7A;
	s5 =	simm.s32 @!p2 $0x0  }
0x1d: {  	s5 =	simm.s32 @p1 $0x1;
	p0 =	seq.s32 s7, s2  }
0x1e: {  	s7 =	smul.u32 @!p0 $0xF7A, s2;
	p2 =	seq.s32 @!p0 s5, $0x0  }
0x1f: {  	s9 =	smul.u32 $0xF7A, s1;
	s8 =	simm.s32 @!p0 $0x1BF5;
	p2 =	por !p2, p0  }
0x20: {  	[sflag:s8] =	ssyncset.s32 @!p0 $0xFFFFF086;
	s6 =	sadd.s32 @!p0 s3, s7;
	s7 =	simm.s32 @!p0 $0x108  }
0x21: {  	s3 =	sadd.s32 s3, s9;
	s6 =	sadd.s32 @!p0 $0x88, s6;
	s7 =	simm.s32 @p2 $0x1082  }
0x22: {  	[simem:s7], [sflag:s8] =	dma.local @!p0 [hbm:s6], $0xF7A  }
0x23: {  	s9 =	sor.u32 $0xD0000000, s2;
	s6 =	simm.s32 $0x108;
	_ =	swait.ge @!p0 [sflag:s8], $0x0  }
0x24: {  	s3 =	sadd.s32 $0x88, s3;
	s6 =	simm.s32 @!p1 $0x1082;
	[sflag:s4] =	ssyncset.s32 $0xFFFFF086  }
0x25: {  	[simem:s6], [sflag:s4] =	dma.local [hbm:s3], $0xF7A  }
0x26: {  	[smem:$0x3F9D] =	sst s1;
	(tag) =	ssettag s2;
	_ =	strace s9  }
0x27: {  	s1 =	sld [smem:$0x3FAD]  }
0x28: {  	s2 =	sld [smem:$0x3FAE]  }
0x29: {  	s4 =	sld [smem:$0x3FB0]  }
0x2a: {  	p0 =	seq.s32 s5, $0x0;
	s5 =	sld [smem:$0x3FB1]  }
0x2b: {  	s6 =	sld [smem:$0x3FB2]  }
0x2c: {  	s7 =	sld [smem:$0x3FB3]  }
0x2d: {  	s3 =	simm.s32 $0x108;
	s8 =	sld [smem:$0x3FB4]  }
0x2e: {  	s3 =	simm.s32 @!p0 $0x1082;
	s9 =	sld [smem:$0x3FB5]  }
0x2f: {  	lr =	sadd.s32 s0, s3;
	s0 =	sld [smem:$0x3FAC]  }
0x30: {  	s3 =	sld [smem:$0x3FAF]  }
0x31: {  	[smem:$0x3FB8] =	sst s10  }
0x32: {  	s10 =	sld [smem:$0x3FB6];
	_ =	sdelay $0x3  }
0x33: {  	p0 =	seq.s32 s10, $0x1;
	s10 =	sld [smem:$0x3FB8];
	_ =	sdelay $0x3  }
0x34: {  	[smem:$0x3FB8] =	sst s10  }
0x35: {  	s10 =	sld [smem:$0x3FB7];
	_ =	sdelay $0x3  }
0x36: {  	p1 =	seq.s32 s10, $0x1;
	s10 =	sld [smem:$0x3FB8];
	_ =	sdelay $0x3  }
0x37: {  	[smem:$0x3FB8] =	sst s10  }
0x38: {  	s10 =	sld [smem:$0x3FB9]  }
0x39: {  	_ = 	snop;
	(pc) =	sbr.ind lr, $3  }
0x3a: {  	_ = 	snop  }
0x3b: {  	_ = 	snop  }
0x3c: {  	p2 =	seq.s32 s10, $0x1;
	s10 =	sld [smem:$0x3FB8]  }
0x3d: {  	_ =	shalt  }
0x3e: {  	_ =	shalt  }
0x3f: {  	_ =	shalt  }
0x40: {  	_ =	shalt  }
0x41: {  	_ =	shalt  }
0x42: {  	_ =	shalt  }
0x43: {  	_ =	shalt  }
0x44: {  	_ =	shalt  }
0x45: {  	_ =	shalt  }
0x46: {  	_ =	shalt  }
0x47: {  	_ =	shalt  }
0x48: {  	_ =	shalt  }
0x49: {  	_ =	shalt  }
0x4a: {  	_ =	shalt  }
0x4b: {  	_ =	shalt  }
0x4c: {  	_ =	shalt  }
0x4d: {  	_ =	shalt  }
0x4e: {  	_ =	shalt  }
0x4f: {  	_ =	shalt  }
0x50: {  	_ =	shalt  }
0x51: {  	_ =	shalt  }
0x52: {  	_ =	shalt  }
0x53: {  	_ =	shalt  }
0x54: {  	_ =	shalt  }
0x55: {  	_ =	shalt  }
0x56: {  	_ =	shalt  }
0x57: {  	_ =	shalt  }
0x58: {  	_ =	shalt  }
0x59: {  	_ =	shalt  }
0x5a: {  	_ =	shalt  }
0x5b: {  	_ =	shalt  }
0x5c: {  	_ =	shalt  }
0x5d: {  	_ =	shalt  }
0x5e: {  	_ =	shalt  }
0x5f: {  	_ =	shalt  }
0x60: {  	_ =	shalt  }
0x61: {  	_ =	shalt  }
0x62: {  	_ =	shalt  }
0x63: {  	_ =	shalt  }
0x64: {  	_ =	shalt  }
0x65: {  	_ =	shalt  }
0x66: {  	_ =	shalt  }
0x67: {  	_ =	shalt  }
0x68: {  	_ =	shalt  }
0x69: {  	_ =	shalt  }
0x6a: {  	_ =	shalt  }
0x6b: {  	_ =	shalt  }
0x6c: {  	_ =	shalt  }
0x6d: {  	_ =	shalt  }
0x6e: {  	_ =	shalt  }
0x6f: {  	_ =	shalt  }
0x70: {  	_ =	shalt  }
0x71: {  	_ =	shalt  }
0x72: {  	_ =	shalt  }
0x73: {  	_ =	shalt  }
0x74: {  	_ =	shalt  }
0x75: {  	_ =	shalt  }
0x76: {  	_ =	shalt  }
0x77: {  	_ =	shalt  }
0x78: {  	_ =	shalt  }
0x79: {  	_ =	shalt  }
0x7a: {  	_ =	shalt  }
0x7b: {  	_ =	shalt  }
0x7c: {  	_ =	shalt  }
0x7d: {  	_ =	shalt  }
0x7e: {  	_ =	shalt  }
0x7f: {  	_ =	shalt  }
0x80: {  	_ =	shalt  }
0x81: {  	_ =	shalt  }
0x82: {  	_ =	shalt  }
0x83: {  	_ =	shalt  }
0x84: {  	_ =	shalt  }
0x85: {  	_ =	shalt  }
0x86: {  	_ =	shalt  }
0x87: {  	_ =	shalt  }
.Lfunc_end0:
.L_simem_size_0:
called_computation_lowered:
.L_overlay_start_0:
0x88: {  	s2 =	sld [smem:$0x3FD9]  }
0x89: {  	s3 =	sld [smem:$0x3FFE];
	_ =	sdelay $0x1  }
0x8a: {  	s1 =	srdreg.scid  }
0x8b: {  	s0 =	sand.u32 $0x1, s1  }
0x8c: {  	s17 =	sshll.u32 s0, $0xA;
	s2 =	sadd.s32 s3, s2  }
0x8d: {  	s2 =	sadd.s32 s2, s17  }
0x8e: {  	[smem:$0x3FC4] =	sst s2  }
0x8f: {  	_ = 	snop  }
0x90: {  	s2 =	sld [smem:$0x3FD0];
	(tm) =	ssettm $0x1  }
0x91: {  	s18 =	sld [smem:$0x3FFB];
	_ =	sdelay $0x3  }
0x92: {  	_ =	strace s18  }
0x93: {  	s3 =	sld [smem:$0x3FFC];
	_ =	sdelay $0x3  }
0x94: {  	_ =	strace s3  }
0x95: {  	s3 =	sld [smem:$0x3FFD];
	_ =	sdelay $0x3  }
0x96: {  	_ =	strace s3  }
0x97: {  	_ =	strace $0x8FFFFFFF  }
0x98: {  	s19 =	sld [smem:$0x3FDB];
	_ =	sdelay $0x1  }
0x99: {  	s4 =	simm.s32 $_scs_section_size  }
0x9a: {  	s5 =	simm.s32 $_size__tile_overlayer_lowered;
	s6 =	simm.s32 $_tile_overlayer_lowered  }
0x9b: {  	s22 =	simm.s32 $0x1BFF;
	s21 =	sshll.u32 s6, $0x1;
	s3 =	sadd.s32 s4, s19  }
0x9c: {  	s7 =	simm.s32 $0x0;
	s20 =	sshll.u32 s5, $0x1;
	s5 =	sadd.s32 s21, s3  }
0x9d: {  	[timem:s7], [sflag:s22] =	dma.local [hbm:s5], s20  }
0x9e: {  	_ =	swait.ge [sflag:s22], s20  }
0x9f: {  	s4 =	ssub.s32 $0x0, s20;
	[sflag:s22] =	ssyncset.done $0x0  }
0xa0: {  	[sflag:s22] =	ssyncadd.s32 s4;
	_ =	sdelay $0x1  }
0xa1: {  	s23 =	simm.s32 $0x1B8B  }
0xa2: {  	_ =	swait.ge [sflag:s23], $0x1  }
0xa3: {  	[sflag:s23] =	ssyncset.done $0x0  }
0xa4: {  	s25 =	simm.s32 $0x1B8E;
	s24 =	sld [smem:$0x3FFE];
	[sflag:s23] =	ssyncadd.s32 $0xFFFFFFFF  }
0xa5: {  	s26 =	simm.s32 $execute0_lowered;
	[smem:$0x3FD2] =	sst s25  }
0xa6: {  	s5 =	sshll.u32 s26, $0x1;
	_ =	strace $0x80000046;
	[dreg:$0x1] =	wrdreg $0xFFFFFFFF  }
0xa7: {  	s28 =	simm.s32 $_size_execute0_lowered;
	s3 =	sadd.s32 s3, s5;
	[dreg:$0x0] =	wrdreg $0x0  }
0xa8: {  	s5 =	sshll.u32 s28, $0x1;
	[dreg:$0x2] =	wrdreg s3  }
0xa9: {  	[dreg:$0x3] =	wrdreg s5  }
0xaa: {  	[dreg:$0x4] =	wrdreg $0xC0  }
0xab: {  	_ =	task [dreg:s7], $0x5FFFF  }
0xac: {  	[dreg:$0x1] =	wrdreg $0xFFFFFFFF  }
0xad: {  	[dreg:$0x0] =	wrdreg $0x60  }
0xae: {  	[dreg:$0x2] =	wrdreg s24  }
0xaf: {  	[dreg:$0x3] =	wrdreg s2  }
0xb0: {  	[dreg:$0x4] =	wrdreg $0x99000  }
0xb1: {  	[dreg:$0x5] =	wrdreg $0x9  }
0xb2: {  	_ =	task.clear_ibuf [dreg:s7], $0x6FFFF;
	_ =	strace $0x90000046  }
0xb3: {  	s29 =	simm.s32 $0x9;
	_ =	strace $0x80000048  }
0xb4: {  	_ =	swait.ge [sflag:s29], $0x1  }
0xb5: {  	[sflag:s29] =	ssyncadd.s32 $0xFFFFFFFF  }
0xb6: {  	_ =	strace $0x90000048  }
0xb7: {  	_ =	sfence  }
0xb8: {  	s30 =	sld [smem:$0x0];
	_ =	sdelay $0x2  }
0xb9: {  	s31 =	sshll.u32 s1, $0xD;
	s1 =	sshrl.u32 s1, $0x2  }
0xba: {  	s3 =	sand.u32 $0x4000, s31;
	s1 =	sadd.s32 s1, s30  }
0xbb: {  	s0 =	sor.u32 s3, s0;
	s1 =	sshll.u32 s1, $0x11  }
0xbc: {  	s0 =	sor.u32 s1, s0  }
0xbd: {  	s0 =	sadd.s32 $0x8F2B, s0  }
0xbe: {  	[sflag:s0] =	ssyncadd.remote.s32 $0x1  }
0xbf: {  	_ =	sfence.sel $0xFFFF  }
0xc0: {  	[dreg:$0x0] =	wrdreg $0xFFFFFFFF;
	(pc) =	sbr.abs _section_cstart, $3  }
0xc1: {  	[dreg:$0x1] =	wrdreg $0xFFFFFFFF  }
0xc2: {  	_ =	task.clear_ibuf [dreg:s7], $0x2FFFF;
	_ =	strace $0x9FFFFFFF  }
0xc3: {  	(tm) =	ssettm $0x7FFFFFFF  }
tec
execute0_lowered:
.L_overlay_start_1:
0x0: {  	(tag) =	ssettag $0x1  }
0x1: {  	s0 =	rddreg [dreg:$0x0]  }
0x2: {  	s1 =	rddreg [dreg:$0x1]  }
0x3: {  	s2 =	rddreg [dreg:$0x2];
	s12 =	stileid.u32  }
0x4: {  	s3 =	simm.s32 $0x0;
	s4 =	srdreg.scid;
	s11 =	smul.u32 $0x4F8, s12  }
0x5: {  	[smem:$0x7FF] =	sst s3;
	s4 =	sand.u32 $0x1, s4;
	s6 =	sadd.s32 $0x600, s0  }
0x6: {  	s7 =	sadd.s32 $0x5600, s0;
	s18 =	smul.u32 $0xD4, s12;
	s15 =	sadd.s32 s6, s11  }
0x7: {  	_ =	strace $0x80000047;
	s16 =	sadd.s32 s7, s11;
	[dreg:$0x4] =	wrdreg s15  }
0x8: {  	s22 =	smul.u32 $0x50000, s12;
	s17 =	sadd.s32 s1, s11;
	[dreg:$0x5] =	wrdreg s16  }
0x9: {  	s8 =	smul.u32 $0x28000, s4;
	s23 =	sor.u32 $0x2, s18;
	[dreg:$0x6] =	wrdreg s17  }
0xa: {  	s9 =	ssub.s32 $0x2, s4;
	s24 =	sor.u32 $0x3, s18;
	[dreg:$0xa] =	wrdreg s23  }
0xb: {  	s14 =	smul.u32 $0x2800, s4;
	s25 =	sadd.s32 $0x4, s18;
	[dreg:$0xb] =	wrdreg s24  }
0xc: {  	s19 =	sor.u32 $0x6, s11;
	s4 =	sadd.s32 $0x5, s18;
	[dreg:$0xc] =	wrdreg s25  }
0xd: {  	s10 =	sshrl.u32 s9, $0x1;
	s20 =	sadd.s32 s6, s19;
	[dreg:$0xd] =	wrdreg s4  }
0xe: {  	s26 =	sshrl.u32 s22, $0x2;
	s21 =	sadd.s32 s7, s19;
	[dreg:$0x7] =	wrdreg s20  }
0xf: {  	s13 =	ssub.s32 s9, s10;
	s9 =	sadd.s32 s1, s19;
	[dreg:$0x8] =	wrdreg s21  }
0x10: {  	s5 =	sadd.s32 $0xA600, s0;
	s17 =	sadd.s32 s26, s2;
	[dreg:$0x9] =	wrdreg s9  }
0x11: {  	s0 =	sadd.s32 s8, s0;
	s8 =	smax.u32 s13, $0x1;
	[dreg:$0xf] =	wrdreg s17  }
0x12: {  	s9 =	sadd.s32 $0x1400, s17;
	[dreg:$0xe] =	wrdreg s8  }
0x13: {  	s11 =	sadd.s32 $0x2800, s17;
	[dreg:$0x10] =	wrdreg s9  }
0x14: {  	s29 =	smul.u32 $0x2800, s12;
	s12 =	sadd.s32 $0x3C00, s17;
	[dreg:$0x11] =	wrdreg s11  }
0x15: {  	s13 =	sadd.s32 $0x5000, s17;
	[dreg:$0x12] =	wrdreg s12  }
0x16: {  	s15 =	sadd.s32 $0x6400, s17;
	[dreg:$0x13] =	wrdreg s13  }
0x17: {  	s16 =	sadd.s32 $0x7800, s17;
	[dreg:$0x14] =	wrdreg s15  }
0x18: {  	s18 =	sadd.s32 $0x8C00, s17;
	[dreg:$0x15] =	wrdreg s16  }
0x19: {  	s19 =	sadd.s32 $0xA000, s17;
	[dreg:$0x16] =	wrdreg s18  }
0x1a: {  	s20 =	sadd.s32 $0xB400, s17;
	[dreg:$0x17] =	wrdreg s19  }
0x1b: {  	s28 =	simm.s32 $0x1;
	s21 =	sadd.s32 $0xC800, s17;
	[dreg:$0x18] =	wrdreg s20  }
0x1c: {  	s30 =	simm.s32 $0x3900;
	s22 =	sadd.s32 $0xDC00, s17;
	[dreg:$0x19] =	wrdreg s21  }
0x1d: {  	s31 =	simm.s32 $0x300;
	s23 =	sadd.s32 $0xF000, s17;
	[dreg:$0x1a] =	wrdreg s22  }
0x1e: {  	s10 =	simm.s32 $0x2;
	s25 =	sadd.s32 $0x10400, s17;
	[dreg:$0x1b] =	wrdreg s23  }
0x1f: {  	s4 =	simm.s32 $0x5;
	s26 =	sadd.s32 $0x11800, s17;
	[dreg:$0x1c] =	wrdreg s25  }
0x20: {  	s0 =	sadd.s32 s29, s0;
	s29 =	sadd.s32 $0x12C00, s17;
	[dreg:$0x1d] =	wrdreg s26  }
0x21: {  	s24 =	sadd.s32 $0x5A600, s0;
	[dreg:$0x1e] =	wrdreg s29;
	s11 =	simm.s32 $0x6900  }
0x22: {  	s12 =	simm.s32 $0x7;
	s23 =	simm.s32 $0x60;
	s0 =	simm.s32 $0x30  }
0x23: {  	s9 =	simm.s32 $0x8100;
	s19 =	simm.s32 $0x3;
	s8 =	simm.s32 $0x380  }
0x24: {  	v1 =	vimm.f32 $0.0e+00;
	v0 =	vmov s14;
	s13 =	simm.s32 $0x4;
	s18 =	simm.s32 $0x6;
	s15 =	simm.s32 $0x0  }
.LBB2_1:
0x25: {  	[dreg:$0x1f] =	wrdreg s15;
	s14 =	simm.s32 $0x0;
	s15 =	simm.s32 $0x200  }
.LBB2_2:
0x26: {  	p0 =	sne.s32 s15, $0x4E00;
	[tilespmem:s14+$0x6970] =	vst v1  }
0x27: {  	[tilespmem:s14+$0x6900] =	vst v1  }
0x28: {  	[tilespmem:s14+$0x6910] =	vst v1  }
.Ltmp0:
0x29: {  	[tilespmem:s14+$0x6920] =	vst v1;
	(pc) =	sbr.rel @p0 .LBB2_2-.Ltmp0, $4  }
0x2a: {  	[tilespmem:s14+$0x6930] =	vst v1  }
0x2b: {  	[tilespmem:s14+$0x6940] =	vst v1  }
0x2c: {  	[tilespmem:s14+$0x6950] =	vst v1  }
0x2d: {  	[tilespmem:s14+$0x6960] =	vst v1;
	s14 =	sshra.s32 s15, $0x2;
	s15 =	sadd.s32 $0x200, s15  }
0x2e: {  	[tilespmem:s14+$0x6970] =	vst v1  }
0x2f: {  	[tilespmem:s14+$0x6900] =	vst v1  }
0x30: {  	[tilespmem:s14+$0x6910] =	vst v1  }
0x31: {  	[tilespmem:s14+$0x6920] =	vst v1  }
0x32: {  	[tilespmem:s14+$0x6930] =	vst v1  }
0x33: {  	[tilespmem:s14+$0x6940] =	vst v1  }
0x34: {  	[tilespmem:s14+$0x6950] =	vst v1  }
0x35: {  	[tilespmem:s14+$0x6960] =	vst v1  }
0x36: {  	[spmem:s17] =	stream.linear.scatter [tilespmem:s11], [sflag:$0x7], $0x1400, $0x38;
	[tilespmem:$0x1D900] =	vst v63  }
0x37: {  	_ =	swait.ge [sflag:s12], $0x1400  }
0x38: {  	[sflag:s12] =	ssyncset.done $0x0  }
0x39: {  	s29 =	rddreg [dreg:$0x10];
	[sflag:s12] =	ssyncadd.s32 $0xFFFFEC00  }
0x3a: {  	[spmem:s29] =	stream.linear.scatter [tilespmem:s11], [sflag:$0x7], $0x1400, $0x38;
	[tilespmem:$0x1D900] =	vst v63  }
0x3b: {  	_ =	swait.ge [sflag:s12], $0x1400  }
0x3c: {  	[sflag:s12] =	ssyncset.done $0x0  }
0x3d: {  	s15 =	rddreg [dreg:$0x11];
	[sflag:s12] =	ssyncadd.s32 $0xFFFFEC00  }
0x3e: {  	[spmem:s15] =	stream.linear.scatter [tilespmem:s11], [sflag:$0x7], $0x1400, $0x38;
	[tilespmem:$0x1D900] =	vst v63  }
0x3f: {  	_ =	swait.ge [sflag:s12], $0x1400  }
0x40: {  	[sflag:s12] =	ssyncset.done $0x0  }
0x41: {  	s16 =	rddreg [dreg:$0x12];
	[sflag:s12] =	ssyncadd.s32 $0xFFFFEC00  }
0x42: {  	[spmem:s16] =	stream.linear.scatter [tilespmem:s11], [sflag:$0x7], $0x1400, $0x38;
	[tilespmem:$0x1D900] =	vst v63  }
0x43: {  	_ =	swait.ge [sflag:s12], $0x1400  }
0x44: {  	[sflag:s12] =	ssyncset.done $0x0  }
0x45: {  	s17 =	rddreg [dreg:$0x13];
	[sflag:s12] =	ssyncadd.s32 $0xFFFFEC00  }
0x46: {  	[spmem:s17] =	stream.linear.scatter [tilespmem:s11], [sflag:$0x7], $0x1400, $0x38;
	[tilespmem:$0x1D900] =	vst v63  }
0x47: {  	_ =	swait.ge [sflag:s12], $0x1400  }
0x48: {  	[sflag:s12] =	ssyncset.done $0x0  }
0x49: {  	s20 =	rddreg [dreg:$0x14];
	[sflag:s12] =	ssyncadd.s32 $0xFFFFEC00  }
0x4a: {  	[spmem:s20] =	stream.linear.scatter [tilespmem:s11], [sflag:$0x7], $0x1400, $0x38;
	[tilespmem:$0x1D900] =	vst v63  }
0x4b: {  	_ =	swait.ge [sflag:s12], $0x1400  }
0x4c: {  	[sflag:s12] =	ssyncset.done $0x0  }
0x4d: {  	s21 =	rddreg [dreg:$0x15];
	[sflag:s12] =	ssyncadd.s32 $0xFFFFEC00  }
0x4e: {  	[spmem:s21] =	stream.linear.scatter [tilespmem:s11], [sflag:$0x7], $0x1400, $0x38;
	[tilespmem:$0x1D900] =	vst v63  }
0x4f: {  	_ =	swait.ge [sflag:s12], $0x1400  }
0x50: {  	[sflag:s12] =	ssyncset.done $0x0  }
0x51: {  	s22 =	rddreg [dreg:$0x16];
	[sflag:s12] =	ssyncadd.s32 $0xFFFFEC00  }
0x52: {  	[spmem:s22] =	stream.linear.scatter [tilespmem:s11], [sflag:$0x7], $0x1400, $0x38;
	[tilespmem:$0x1D900] =	vst v63  }
0x53: {  	_ =	swait.ge [sflag:s12], $0x1400  }
0x54: {  	[sflag:s12] =	ssyncset.done $0x0  }
0x55: {  	s25 =	rddreg [dreg:$0x17];
	[sflag:s12] =	ssyncadd.s32 $0xFFFFEC00  }
0x56: {  	[spmem:s25] =	stream.linear.scatter [tilespmem:s11], [sflag:$0x7], $0x1400, $0x38;
	[tilespmem:$0x1D900] =	vst v63  }
0x57: {  	_ =	swait.ge [sflag:s12], $0x1400  }
0x58: {  	[sflag:s12] =	ssyncset.done $0x0  }
0x59: {  	s26 =	rddreg [dreg:$0x18];
	[sflag:s12] =	ssyncadd.s32 $0xFFFFEC00  }
0x5a: {  	[spmem:s26] =	stream.linear.scatter [tilespmem:s11], [sflag:$0x7], $0x1400, $0x38;
	[tilespmem:$0x1D900] =	vst v63  }
0x5b: {  	_ =	swait.ge [sflag:s12], $0x1400  }
0x5c: {  	[sflag:s12] =	ssyncset.done $0x0  }
0x5d: {  	s29 =	rddreg [dreg:$0x19];
	[sflag:s12] =	ssyncadd.s32 $0xFFFFEC00  }
0x5e: {  	[spmem:s29] =	stream.linear.scatter [tilespmem:s11], [sflag:$0x7], $0x1400, $0x38;
	[tilespmem:$0x1D900] =	vst v63  }
0x5f: {  	_ =	swait.ge [sflag:s12], $0x1400  }
0x60: {  	[sflag:s12] =	ssyncset.done $0x0  }
0x61: {  	s15 =	rddreg [dreg:$0x1a];
	[sflag:s12] =	ssyncadd.s32 $0xFFFFEC00  }
0x62: {  	[spmem:s15] =	stream.linear.scatter [tilespmem:s11], [sflag:$0x7], $0x1400, $0x38;
	[tilespmem:$0x1D900] =	vst v63  }
0x63: {  	_ =	swait.ge [sflag:s12], $0x1400  }
0x64: {  	[sflag:s12] =	ssyncset.done $0x0  }
0x65: {  	s16 =	rddreg [dreg:$0x1b];
	[sflag:s12] =	ssyncadd.s32 $0xFFFFEC00  }
0x66: {  	[spmem:s16] =	stream.linear.scatter [tilespmem:s11], [sflag:$0x7], $0x1400, $0x38;
	[tilespmem:$0x1D900] =	vst v63  }
0x67: {  	_ =	swait.ge [sflag:s12], $0x1400  }
0x68: {  	[sflag:s12] =	ssyncset.done $0x0  }
0x69: {  	s17 =	rddreg [dreg:$0x1c];
	[sflag:s12] =	ssyncadd.s32 $0xFFFFEC00  }
0x6a: {  	[spmem:s17] =	stream.linear.scatter [tilespmem:s11], [sflag:$0x7], $0x1400, $0x38;
	[tilespmem:$0x1D900] =	vst v63  }
0x6b: {  	_ =	swait.ge [sflag:s12], $0x1400  }
0x6c: {  	[sflag:s12] =	ssyncset.done $0x0  }
0x6d: {  	s20 =	rddreg [dreg:$0x1d];
	[sflag:s12] =	ssyncadd.s32 $0xFFFFEC00  }
0x6e: {  	[spmem:s20] =	stream.linear.scatter [tilespmem:s11], [sflag:$0x7], $0x1400, $0x38;
	[tilespmem:$0x1D900] =	vst v63  }
0x6f: {  	_ =	swait.ge [sflag:s12], $0x1400  }
0x70: {  	[sflag:s12] =	ssyncset.done $0x0  }
0x71: {  	s21 =	rddreg [dreg:$0x1e];
	[sflag:s12] =	ssyncadd.s32 $0xFFFFEC00  }
0x72: {  	[spmem:s21] =	stream.linear.scatter [tilespmem:s11], [sflag:$0x7], $0x1400, $0x38;
	[tilespmem:$0x1D900] =	vst v63  }
0x73: {  	_ =	swait.ge [sflag:s12], $0x1400  }
0x74: {  	[sflag:s12] =	ssyncset.done $0x0  }
0x75: {  	s20 =	simm.s32 $0x0;
	s22 =	rddreg [dreg:$0x4];
	[sflag:s12] =	ssyncadd.s32 $0xFFFFEC00  }
0x76: {  	[tilespmem:s20], [sflag:$0x7] =	stream.linear.gather [hbm4b:s22+s20], $0x30, $0x38;
	[tilespmem:$0x1D900] =	vst v63  }
0x77: {  	_ =	swait.ge [sflag:s12], $0x30  }
0x78: {  	[sflag:s12] =	ssyncset.done $0x0  }
0x79: {  	s15 =	simm.s32 $0x100;
	s25 =	rddreg [dreg:$0x5];
	[sflag:s12] =	ssyncadd.s32 $0xFFFFFFD0  }
0x7a: {  	[tilespmem:s15], [sflag:$0x7] =	stream.linear.gather [hbm4b:s25+s20], $0x30, $0x38;
	[tilespmem:$0x1D900] =	vst v63  }
0x7b: {  	_ =	swait.ge [sflag:s12], $0x30  }
0x7c: {  	[sflag:s12] =	ssyncset.done $0x0  }
0x7d: {  	s29 =	simm.s32 $0x200;
	s26 =	rddreg [dreg:$0x6];
	[sflag:s12] =	ssyncadd.s32 $0xFFFFFFD0  }
0x7e: {  	[tilespmem:s29], [sflag:$0x7] =	stream.linear.gather [hbm4b:s26+s20], $0x30, $0x38;
	[tilespmem:$0x1D900] =	vst v63  }
0x7f: {  	_ =	swait.ge [sflag:s12], $0x30  }
0x80: {  	[sflag:s12] =	ssyncset.done $0x0  }
0x81: {  	s16 =	simm.s32 $0x80;
	s15 =	rddreg [dreg:$0x7];
	[sflag:s12] =	ssyncadd.s32 $0xFFFFFFD0  }
0x82: {  	[tilespmem:s16], [sflag:$0x7] =	stream.linear.gather [hbm4b:s15+s20], $0x30, $0x38;
	[tilespmem:$0x1D900] =	vst v63  }
0x83: {  	_ =	swait.ge [sflag:s12], $0x30  }
0x84: {  	[sflag:s12] =	ssyncset.done $0x0  }
0x85: {  	s21 =	simm.s32 $0x180;
	s17 =	rddreg [dreg:$0x8];
	[sflag:s12] =	ssyncadd.s32 $0xFFFFFFD0  }
0x86: {  	[tilespmem:s21], [sflag:$0x7] =	stream.linear.gather [hbm4b:s17+s20], $0x30, $0x38;
	[tilespmem:$0x1D900] =	vst v63  }
0x87: {  	_ =	swait.ge [sflag:s12], $0x30  }
0x88: {  	[sflag:s12] =	ssyncset.done $0x0  }
0x89: {  	s25 =	simm.s32 $0x280;
	s22 =	rddreg [dreg:$0x9];
	[sflag:s12] =	ssyncadd.s32 $0xFFFFFFD0  }
0x8a: {  	[tilespmem:s25], [sflag:$0x7] =	stream.linear.gather [hbm4b:s22+s20], $0x30, $0x38;
	[tilespmem:$0x1D900] =	vst v63  }
0x8b: {  	_ =	swait.ge [sflag:s12], $0x30  }
0x8c: {  	[sflag:s12] =	ssyncset.done $0x0  }
0x8d: {  	[sflag:s12] =	ssyncadd.s32 $0xFFFFFFD0  }
0x8e: {  	v2 =	vld [tilespmem:$0x200]  }
0x8f: {  	v3 =	vld [tilespmem:$0x0]  }
0x90: {  	v4 =	vld [tilespmem:$0x100]  }
0x91: {  	v6 =	vld [tilespmem:$0x10]  }
0x92: {  	v7 =	vld [tilespmem:$0x110];
	_ =	sdelay $0x1  }
0x93: {  	[tilespmem:$0x500] =	vst v3  }
0x94: {  	v5 =	vld [tilespmem:$0x210];
	[tilespmem:$0x700] =	vst v4  }
0x95: {  	v62 =	vld [tilespmem:$0x20];
	v2 =	vmul.f32 v2, v2;
	[tilespmem:$0x510] =	vst v6  }
0x96: {  	[tilespmem:$0x710] =	vst v7  }
0x97: {  	[tilespmem:$0x300] =	vst v2;
	v2 =	vadd.s32 v0, v3  }
0x98: {  	v3 =	vld [tilespmem:$0x220];
	[tilespmem:$0x400] =	vst v2;
	v2 =	vadd.s32 v0, v4  }
0x99: {  	v63 =	vld [tilespmem:$0x120];
	[tilespmem:$0x430] =	vst v2;
	v2 =	vmul.f32 v5, v5  }
0x9a: {  	[tilespmem:$0x520] =	vst v62  }
0x9b: {  	[tilespmem:$0x310] =	vst v2;
	v2 =	vadd.s32 v0, v6  }
0x9c: {  	[tilespmem:$0x410] =	vst v2;
	v2 =	vadd.s32 v0, v7  }
0x9d: {  	[tilespmem:$0x440] =	vst v2;
	v2 =	vmul.f32 v3, v3  }
0x9e: {  	[tilespmem:$0x720] =	vst v63  }
0x9f: {  	[tilespmem:$0x320] =	vst v2;
	v2 =	vadd.s32 v0, v62  }
0xa0: {  	[tilespmem:$0x420] =	vst v2;
	v2 =	vadd.s32 v0, v63  }
0xa1: {  	s26 =	simm.s32 $0x400;
	s29 =	simm.s32 $0x900;
	[tilespmem:$0x450] =	vst v2  }
0xa2: {  	[tilespmem:s29], [sflag:$0x1] =	stream.indirect.gather [hbm4b:s5+s23], $0x80, s26, s23, $0xb8;
	[tilespmem:$0x1D900] =	vst v63  }
0xa3: {  	[bflag:$0x0] =	sbarrier.arrive $0xFFFF  }
.LBB2_4:
0xa4: {  	_ =	swait.ge [sflag:s28], $0x3000  }
0xa5: {  	p0 =	seq.s32 s20, $0x0;
	[sflag:s28] =	ssyncset.done $0x0  }
0xa6: {  	s14 =	simm.s32 @!p0 $0x4;
	[sflag:s28] =	ssyncadd.s32 $0xFFFFD000  }
0xa7: {  	_ =	swait.ge @!p0 [sflag:s14], $0x30  }
0xa8: {  	[sflag:s14] =	ssyncset.done @!p0 $0x0  }
0xa9: {  	[sflag:s14] =	ssyncadd.s32 @!p0 $0xFFFFFFD0  }
0xaa: {  	_ =	swait.ge @!p0 [sflag:s14], $0x30  }
0xab: {  	[sflag:s14] =	ssyncset.done @!p0 $0x0  }
0xac: {  	[sflag:s14] =	ssyncadd.s32 @!p0 $0xFFFFFFD0  }
0xad: {  	_ =	swait.ge @!p0 [sflag:s14], $0x30  }
0xae: {  	[sflag:s14] =	ssyncset.done @!p0 $0x0  }
0xaf: {  	[sflag:s14] =	ssyncadd.s32 @!p0 $0xFFFFFFD0  }
0xb0: {  	v2 =	vld [tilespmem:$0x280]  }
0xb1: {  	v3 =	vld [tilespmem:$0x80]  }
0xb2: {  	v4 =	vld [tilespmem:$0x180]  }
0xb3: {  	v6 =	vld [tilespmem:$0x90];
	_ =	sdelay $0x2  }
0xb4: {  	v5 =	vld [tilespmem:$0x290];
	[tilespmem:$0x580] =	vst v3  }
0xb5: {  	v7 =	vld [tilespmem:$0x190];
	v2 =	vmul.f32 v2, v2;
	[tilespmem:$0x780] =	vst v4  }
0xb6: {  	[tilespmem:$0x590] =	vst v6  }
0xb7: {  	[tilespmem:$0x380] =	vst v2;
	v2 =	vadd.s32 v0, v3  }
0xb8: {  	v3 =	vld [tilespmem:$0x2A0];
	[tilespmem:$0x480] =	vst v2;
	v2 =	vadd.s32 v0, v4  }
0xb9: {  	v4 =	vld [tilespmem:$0xA0];
	[tilespmem:$0x4B0] =	vst v2;
	v2 =	vmul.f32 v5, v5  }
0xba: {  	[tilespmem:$0x790] =	vst v7;
	v5 =	vld [tilespmem:$0x1A0]  }
0xbb: {  	[tilespmem:$0x390] =	vst v2;
	v2 =	vadd.s32 v0, v6  }
0xbc: {  	[tilespmem:$0x490] =	vst v2;
	v2 =	vadd.s32 v0, v7  }
0xbd: {  	[tilespmem:$0x4C0] =	vst v2  }
0xbe: {  	v2 =	vmul.f32 v3, v3;
	[tilespmem:$0x5A0] =	vst v4  }
0xbf: {  	[tilespmem:$0x7A0] =	vst v5  }
0xc0: {  	s21 =	sshll.u32 s20, $0x2;
	s16 =	rddreg [dreg:$0xa];
	[tilespmem:$0x3A0] =	vst v2;
	v2 =	vadd.s32 v0, v4  }
0xc1: {  	s14 =	sadd.s32 s21, s16;
	[tilespmem:$0x4A0] =	vst v2;
	v2 =	vadd.s32 v0, v5  }
0xc2: {  	s15 =	simm.s32 $0x480;
	s14 =	smul.u32 $0x6, s14;
	[tilespmem:$0x4D0] =	vst v2  }
0xc3: {  	[tilespmem:s30], [sflag:$0x2] =	stream.indirect.gather [hbm4b:s5+s23], $0x80, s15, s23, $0xb8;
	[tilespmem:$0x1D900] =	vst v63  }
0xc4: {  	s17 =	sadd.s32 s6, s14  }
0xc5: {  	[tilespmem:s3], [sflag:$0x3] =	stream.linear.gather [hbm4b:s17+s3], $0x30, $0x38;
	[tilespmem:$0x1D900] =	vst v63  }
0xc6: {  	s16 =	simm.s32 $0x100;
	s22 =	sadd.s32 s7, s14  }
0xc7: {  	[tilespmem:s16], [sflag:$0x3] =	stream.linear.gather [hbm4b:s22+s3], $0x30, $0x38;
	[tilespmem:$0x1D900] =	vst v63  }
0xc8: {  	s25 =	simm.s32 $0x200;
	s14 =	sadd.s32 s1, s14  }
0xc9: {  	[tilespmem:s25], [sflag:$0x3] =	stream.linear.gather [hbm4b:s14+s3], $0x30, $0x38;
	[tilespmem:$0x1D900] =	vst v63  }
0xca: {  	s14 =	simm.s32 @!p0 $0x6  }
0xcb: {  	s26 =	simm.s32 $0x0;
	_ =	swait.ge @!p0 [sflag:s14], $0x1800  }
0xcc: {  	v2 =	vmov s26;
	[sflag:s14] =	ssyncset.done @!p0 $0x0  }
0xcd: {  	v2 =	vand.u32 $0xFFFFFFFE, v2;
	[sflag:s14] =	ssyncadd.s32 @!p0 $0xFFFFE800  }
0xce: {  	v2 =	vbroadcast v2, $0x0;
	_ =	swait.ge @!p0 [sflag:s14], $0x1800  }
0xcf: {  	[sflag:s14] =	ssyncset.done @!p0 $0x0  }
0xd0: {  	s22 =	simm.s32 $0x21F0;
	[sflag:s14] =	ssyncadd.s32 @!p0 $0xFFFFE800  }
0xd1: {  	s29 =	simm.s32 $0x1;
	v4 =	vld [tilespmem:s22+$0xFFFFE710]  }
0xd2: {  	v5 =	vmov s29;
	v6 =	vld [tilespmem:s22+$0xFFFFFF90]  }
0xd3: {  	v7 =	vld [tilespmem:s22+$0xFFFFFF10]  }
0xd4: {  	v3 =	vld.idx.msk [tilespmem:v2+s31+$0x0], $0xffff  }
0xd5: {  	v8 =	vld [tilespmem:s22+$0xFFFFE790];
	_ =	sdelay $0x1  }
0xd6: {  	v2 =	vld.idx.msk [tilespmem:v5+s31+$0x0], $0xffff  }
0xd7: {  	v4 =	vsub.f32 v4, v7;
	_ =	sdelay $0x1  }
0xd8: {  	v7 =	vld [tilespmem:s22+$0xFFFFFF20];
	v6 =	vsub.f32 v8, v6;
	v4 =	vmul.f32 v4, v3  }
0xd9: {  	v8 =	vld [tilespmem:s22+$0xFFFFE720]  }
0xda: {  	s25 =	simm.s32 $0x6980;
	v5 =	vld [tilespmem:s22+$0xFFFFFFA0];
	v6 =	vmul.f32 v6, v2;
	v10 =	vsub.f32 $0.0e+00, v4  }
0xdb: {  	s26 =	simm.s32 $0x8180;
	v9 =	vld [tilespmem:s22+$0xFFFFE7A0];
	[tilespmem:s25+$0xFFFFFF80] =	vst v4  }
0xdc: {  	v4 =	vsub.f32 $0.0e+00, v6;
	[tilespmem:s26+$0xFFFFFF80] =	vst v10  }
0xdd: {  	[tilespmem:s25+$0x0] =	vst v6  }
0xde: {  	[tilespmem:s26+$0x0] =	vst v4;
	v4 =	vsub.f32 v8, v7;
	_ =	sdelay $0x1  }
0xdf: {  	v5 =	vsub.f32 v9, v5;
	v6 =	vld [tilespmem:s22+$0xFFFFE730];
	v4 =	vmul.f32 v4, v3  }
0xe0: {  	v8 =	vld [tilespmem:s22+$0xFFFFFF30]  }
0xe1: {  	v5 =	vmul.f32 v5, v2;
	v7 =	vld [tilespmem:s22+$0xFFFFE7B0];
	v10 =	vsub.f32 $0.0e+00, v4  }
0xe2: {  	v9 =	vld [tilespmem:s22+$0xFFFFFFB0];
	[tilespmem:s25+$0xFFFFFF90] =	vst v4  }
0xe3: {  	v4 =	vsub.f32 $0.0e+00, v5;
	[tilespmem:s26+$0xFFFFFF90] =	vst v10  }
0xe4: {  	[tilespmem:s25+$0x10] =	vst v5  }
0xe5: {  	[tilespmem:s26+$0x10] =	vst v4;
	v4 =	vsub.f32 v6, v8;
	_ =	sdelay $0x1  }
0xe6: {  	v6 =	vsub.f32 v7, v9;
	v5 =	vld [tilespmem:s22+$0xFFFFE740];
	v4 =	vmul.f32 v4, v3  }
0xe7: {  	v7 =	vld [tilespmem:s22+$0xFFFFFF40]  }
0xe8: {  	v8 =	vld [tilespmem:s22+$0xFFFFE7C0];
	v6 =	vmul.f32 v6, v2;
	v10 =	vsub.f32 $0.0e+00, v4  }
0xe9: {  	v9 =	vld [tilespmem:s22+$0xFFFFFFC0];
	[tilespmem:s25+$0xFFFFFFA0] =	vst v4  }
0xea: {  	v4 =	vsub.f32 $0.0e+00, v6;
	[tilespmem:s26+$0xFFFFFFA0] =	vst v10  }
0xeb: {  	[tilespmem:s25+$0x20] =	vst v6  }
0xec: {  	v5 =	vsub.f32 v5, v7;
	[tilespmem:s26+$0x20] =	vst v4  }
0xed: {  	v4 =	vld [tilespmem:s22+$0xFFFFE750]  }
0xee: {  	v6 =	vsub.f32 v8, v9;
	v5 =	vmul.f32 v5, v3;
	v7 =	vld [tilespmem:s22+$0xFFFFFF50]  }
0xef: {  	v8 =	vld [tilespmem:s22+$0xFFFFFFD0]  }
0xf0: {  	v6 =	vmul.f32 v6, v2;
	v10 =	vld [tilespmem:s22+$0xFFFFE7D0];
	v9 =	vsub.f32 $0.0e+00, v5  }
0xf1: {  	[tilespmem:s25+$0xFFFFFFB0] =	vst v5  }
0xf2: {  	v5 =	vsub.f32 $0.0e+00, v6;
	[tilespmem:s26+$0xFFFFFFB0] =	vst v9  }
0xf3: {  	[tilespmem:s25+$0x30] =	vst v6;
	v4 =	vsub.f32 v4, v7  }
0xf4: {  	[tilespmem:s26+$0x30] =	vst v5  }
0xf5: {  	v6 =	vsub.f32 v10, v8;
	v7 =	vld [tilespmem:s22+$0xFFFFFF60];
	v4 =	vmul.f32 v4, v3  }
0xf6: {  	v8 =	vld [tilespmem:s22+$0xFFFFE760]  }
0xf7: {  	v5 =	vld [tilespmem:s22+$0xFFFFE7E0];
	v6 =	vmul.f32 v6, v2;
	v10 =	vsub.f32 $0.0e+00, v4  }
0xf8: {  	v9 =	vld [tilespmem:s22+$0xFFFFFFE0];
	[tilespmem:s25+$0xFFFFFFC0] =	vst v4  }
0xf9: {  	v4 =	vsub.f32 $0.0e+00, v6;
	[tilespmem:s26+$0xFFFFFFC0] =	vst v10  }
0xfa: {  	[tilespmem:s25+$0x40] =	vst v6  }
0xfb: {  	[tilespmem:s26+$0x40] =	vst v4;
	v4 =	vsub.f32 v8, v7;
	_ =	sdelay $0x1  }
0xfc: {  	v5 =	vsub.f32 v5, v9;
	v6 =	vld [tilespmem:s22+$0xFFFFE770];
	v4 =	vmul.f32 v4, v3  }
0xfd: {  	v7 =	vld [tilespmem:s22+$0xFFFFFF70]  }
0xfe: {  	v5 =	vmul.f32 v5, v2;
	v8 =	vld [tilespmem:s22+$0xFFFFE7F0];
	v9 =	vsub.f32 $0.0e+00, v4  }
0xff: {  	v10 =	vld [tilespmem:s22+$0xFFFFFFF0];
	[tilespmem:s25+$0xFFFFFFD0] =	vst v4  }
0x100: {  	v4 =	vsub.f32 $0.0e+00, v5;
	[tilespmem:s26+$0xFFFFFFD0] =	vst v9  }
0x101: {  	[tilespmem:s25+$0x50] =	vst v5  }
0x102: {  	v6 =	vsub.f32 v6, v7;
	[tilespmem:s26+$0x50] =	vst v4  }
0x103: {  	v5 =	vld [tilespmem:s22+$0xFFFFE780]  }
0x104: {  	v7 =	vsub.f32 v8, v10;
	v9 =	vmul.f32 v6, v3;
	v6 =	vld [tilespmem:s22+$0xFFFFFF80]  }
0x105: {  	v4 =	vld [tilespmem:s22+$0xFFFFE800]  }
0x106: {  	s15 =	simm.s32 $0x3;
	s16 =	simm.s32 $0x6980;
	s14 =	simm.s32 $0x8180;
	v8 =	vmul.f32 v7, v2;
	v7 =	vld [tilespmem:s22+$0x0];
	v10 =	vsub.f32 $0.0e+00, v9  }
.LBB2_5:
0x107: {  	[tilespmem:s25+$0xFFFFFFE0] =	vst v9;
	s22 =	sadd.s32 $0x100, s22;
	s16 =	sadd.s32 $0x100, s16;
	s26 =	sadd.s32 $0x100, s26  }
0x108: {  	p0 =	sne.s32 s15, $0x2F;
	v9 =	vsub.f32 $0.0e+00, v8;
	s17 =	smov.u32 s15;
	s15 =	sadd.s32 $0x2, s15;
	[tilespmem:s14+$0xFFFFFFE0] =	vst v10  }
0x109: {  	[tilespmem:s25+$0x60] =	vst v8;
	v5 =	vsub.f32 v5, v6  }
0x10a: {  	[tilespmem:s14+$0x60] =	vst v9  }
0x10b: {  	s29 =	sadd.s32 $0xFFFFFFFF, s17;
	v3 =	vmul.f32 v5, v3;
	v4 =	vsub.f32 v4, v7  }
0x10c: {  	v5 =	vmov s29  }
0x10d: {  	v5 =	vand.u32 $0xFFFFFFFE, v5;
	[tilespmem:s25+$0xFFFFFFF0] =	vst v3;
	v3 =	vsub.f32 $0.0e+00, v3;
	v2 =	vmul.f32 v4, v2  }
0x10e: {  	v4 =	vbroadcast v5, $0x0  }
0x10f: {  	[tilespmem:s14+$0xFFFFFFF0] =	vst v3;
	v3 =	vsub.f32 $0.0e+00, v2  }
0x110: {  	[tilespmem:s25+$0x70] =	vst v2;
	s25 =	smov.u32 s16  }
0x111: {  	[tilespmem:s14+$0x70] =	vst v3;
	s14 =	smov.u32 s26  }
0x112: {  	v2 =	vmov s17;
	v5 =	vld [tilespmem:s22+$0xFFFFE710]  }
0x113: {  	v6 =	vld [tilespmem:s22+$0xFFFFFF90]  }
0x114: {  	v7 =	vld [tilespmem:s22+$0xFFFFFF10]  }
0x115: {  	v3 =	vld.idx.msk [tilespmem:v4+s31+$0x0], $0xffff  }
0x116: {  	v4 =	vld [tilespmem:s22+$0xFFFFE790]  }
0x117: {  	v2 =	vld.idx.msk [tilespmem:v2+s31+$0x0], $0xffff;
	_ =	sdelay $0x1  }
0x118: {  	v5 =	vsub.f32 v5, v7  }
0x119: {  	v7 =	vld [tilespmem:s22+$0xFFFFFFA0]  }
0x11a: {  	v8 =	vld [tilespmem:s22+$0xFFFFFF20];
	v5 =	vmul.f32 v5, v3;
	v4 =	vsub.f32 v4, v6  }
0x11b: {  	v6 =	vld [tilespmem:s22+$0xFFFFE720]  }
0x11c: {  	v9 =	vld [tilespmem:s22+$0xFFFFE7A0];
	v10 =	vsub.f32 $0.0e+00, v5;
	v4 =	vmul.f32 v4, v2  }
0x11d: {  	[tilespmem:s16+$0xFFFFFF80] =	vst v5  }
0x11e: {  	[tilespmem:s26+$0xFFFFFF80] =	vst v10;
	v5 =	vsub.f32 $0.0e+00, v4  }
0x11f: {  	[tilespmem:s16+$0x0] =	vst v4  }
0x120: {  	[tilespmem:s26+$0x0] =	vst v5;
	v4 =	vsub.f32 v6, v8  }
0x121: {  	v5 =	vld [tilespmem:s22+$0xFFFFE730];
	v6 =	vsub.f32 v9, v7  }
0x122: {  	v7 =	vld [tilespmem:s22+$0xFFFFE7B0];
	v4 =	vmul.f32 v4, v3  }
0x123: {  	v8 =	vld [tilespmem:s22+$0xFFFFFFB0]  }
0x124: {  	v6 =	vmul.f32 v6, v2;
	v9 =	vld [tilespmem:s22+$0xFFFFFF30];
	v10 =	vsub.f32 $0.0e+00, v4  }
0x125: {  	[tilespmem:s16+$0xFFFFFF90] =	vst v4  }
0x126: {  	v4 =	vsub.f32 $0.0e+00, v6;
	[tilespmem:s26+$0xFFFFFF90] =	vst v10  }
0x127: {  	[tilespmem:s16+$0x10] =	vst v6  }
0x128: {  	[tilespmem:s26+$0x10] =	vst v4;
	v4 =	vsub.f32 v7, v8  }
0x129: {  	v6 =	vld [tilespmem:s22+$0xFFFFE740];
	v5 =	vsub.f32 v5, v9  }
0x12a: {  	v7 =	vld [tilespmem:s22+$0xFFFFFF40];
	v4 =	vmul.f32 v4, v2  }
0x12b: {  	v8 =	vld [tilespmem:s22+$0xFFFFE7C0];
	v5 =	vmul.f32 v5, v3  }
0x12c: {  	v9 =	vld [tilespmem:s22+$0xFFFFFFC0]  }
0x12d: {  	[tilespmem:s16+$0xFFFFFFA0] =	vst v5;
	v5 =	vsub.f32 $0.0e+00, v5;
	_ =	sdelay $0x1  }
0x12e: {  	[tilespmem:s26+$0xFFFFFFA0] =	vst v5;
	v5 =	vsub.f32 $0.0e+00, v4;
	v6 =	vsub.f32 v6, v7  }
0x12f: {  	[tilespmem:s16+$0x20] =	vst v4  }
0x130: {  	[tilespmem:s26+$0x20] =	vst v5;
	v4 =	vmul.f32 v6, v3;
	v5 =	vsub.f32 v8, v9  }
0x131: {  	v6 =	vld [tilespmem:s22+$0xFFFFE750]  }
0x132: {  	v7 =	vld [tilespmem:s22+$0xFFFFFF50];
	v8 =	vsub.f32 $0.0e+00, v4;
	v5 =	vmul.f32 v5, v2  }
0x133: {  	v9 =	vld [tilespmem:s22+$0xFFFFFFD0]  }
0x134: {  	v10 =	vld [tilespmem:s22+$0xFFFFE7D0]  }
0x135: {  	[tilespmem:s16+$0xFFFFFFB0] =	vst v4  }
0x136: {  	v4 =	vsub.f32 $0.0e+00, v5;
	[tilespmem:s26+$0xFFFFFFB0] =	vst v8  }
0x137: {  	[tilespmem:s16+$0x30] =	vst v5;
	v5 =	vsub.f32 v6, v7  }
0x138: {  	[tilespmem:s26+$0x30] =	vst v4  }
0x139: {  	v4 =	vld [tilespmem:s22+$0xFFFFE7E0];
	v6 =	vsub.f32 v10, v9  }
0x13a: {  	v5 =	vmul.f32 v5, v3;
	v7 =	vld [tilespmem:s22+$0xFFFFFF60]  }
0x13b: {  	v8 =	vld [tilespmem:s22+$0xFFFFE760];
	v6 =	vmul.f32 v6, v2  }
0x13c: {  	v10 =	vsub.f32 $0.0e+00, v5;
	v9 =	vld [tilespmem:s22+$0xFFFFFFE0]  }
0x13d: {  	[tilespmem:s16+$0xFFFFFFC0] =	vst v5;
	v5 =	vsub.f32 $0.0e+00, v6  }
0x13e: {  	[tilespmem:s26+$0xFFFFFFC0] =	vst v10  }
0x13f: {  	[tilespmem:s16+$0x40] =	vst v6  }
0x140: {  	[tilespmem:s26+$0x40] =	vst v5;
	v5 =	vsub.f32 v8, v7  }
0x141: {  	v6 =	vld [tilespmem:s22+$0xFFFFE770];
	v4 =	vsub.f32 v4, v9  }
0x142: {  	v7 =	vld [tilespmem:s22+$0xFFFFFF70];
	v5 =	vmul.f32 v5, v3  }
0x143: {  	v8 =	vld [tilespmem:s22+$0xFFFFE7F0];
	v4 =	vmul.f32 v4, v2  }
0x144: {  	v10 =	vld [tilespmem:s22+$0xFFFFFFF0];
	v9 =	vsub.f32 $0.0e+00, v5  }
0x145: {  	[tilespmem:s16+$0xFFFFFFD0] =	vst v5  }
0x146: {  	v5 =	vsub.f32 $0.0e+00, v4;
	[tilespmem:s26+$0xFFFFFFD0] =	vst v9  }
0x147: {  	[tilespmem:s16+$0x50] =	vst v4;
	v4 =	vsub.f32 v6, v7  }
.Ltmp1:
0x148: {  	[tilespmem:s26+$0x50] =	vst v5;
	(pc) =	sbr.rel @p0 .LBB2_5-.Ltmp1, $4  }
0x149: {  	v5 =	vld [tilespmem:s22+$0xFFFFE780];
	v9 =	vmul.f32 v4, v3;
	v7 =	vsub.f32 v8, v10  }
0x14a: {  	v6 =	vld [tilespmem:s22+$0xFFFFFF80]  }
0x14b: {  	v4 =	vld [tilespmem:s22+$0xFFFFE800];
	v10 =	vsub.f32 $0.0e+00, v9;
	v8 =	vmul.f32 v7, v2  }
0x14c: {  	v7 =	vld [tilespmem:s22+$0x0]  }
0x14d: {  	_ =	sdelay $0x1  }
0x14e: {  	v5 =	vsub.f32 v5, v6  }
0x14f: {  	[tilespmem:s25+$0xFFFFFFE0] =	vst v9  }
0x150: {  	[tilespmem:s14+$0xFFFFFFE0] =	vst v10;
	v6 =	vsub.f32 $0.0e+00, v8;
	v3 =	vmul.f32 v5, v3;
	v4 =	vsub.f32 v4, v7  }
0x151: {  	[tilespmem:s25+$0x60] =	vst v8  }
0x152: {  	[tilespmem:s14+$0x60] =	vst v6;
	v5 =	vsub.f32 $0.0e+00, v3;
	v2 =	vmul.f32 v4, v2  }
0x153: {  	[tilespmem:s25+$0xFFFFFFF0] =	vst v3  }
0x154: {  	[tilespmem:s14+$0xFFFFFFF0] =	vst v5;
	v3 =	vsub.f32 $0.0e+00, v2  }
0x155: {  	[tilespmem:s25+$0x70] =	vst v2  }
0x156: {  	s17 =	simm.s32 $0x500;
	[tilespmem:s14+$0x70] =	vst v3  }
0x157: {  	[spmem:s2] =	stream.indirect.scatter.add.f32 [tilespmem:s11], [sflag:$0x5], $0x80, s17, s0, $0xb8;
	[tilespmem:$0x1D900] =	vst v63  }
0x158: {  	s22 =	simm.s32 $0x700  }
0x159: {  	[spmem:s2] =	stream.indirect.scatter.add.f32 [tilespmem:s9], [sflag:$0x5], $0x80, s22, s0, $0xb8;
	[tilespmem:$0x1D900] =	vst v63  }
0x15a: {  	_ =	swait.ge [sflag:s10], $0x3000  }
0x15b: {  	[sflag:s10] =	ssyncset.done $0x0  }
0x15c: {  	[sflag:s10] =	ssyncadd.s32 $0xFFFFD000  }
0x15d: {  	_ =	swait.ge [sflag:s19], $0x30  }
0x15e: {  	[sflag:s19] =	ssyncset.done $0x0  }
0x15f: {  	[sflag:s19] =	ssyncadd.s32 $0xFFFFFFD0  }
0x160: {  	_ =	swait.ge [sflag:s19], $0x30  }
0x161: {  	[sflag:s19] =	ssyncset.done $0x0  }
0x162: {  	[sflag:s19] =	ssyncadd.s32 $0xFFFFFFD0  }
0x163: {  	_ =	swait.ge [sflag:s19], $0x30  }
0x164: {  	[sflag:s19] =	ssyncset.done $0x0  }
0x165: {  	[sflag:s19] =	ssyncadd.s32 $0xFFFFFFD0  }
0x166: {  	v2 =	vld [tilespmem:$0x200]  }
0x167: {  	v3 =	vld [tilespmem:$0x0]  }
0x168: {  	v4 =	vld [tilespmem:$0x100]  }
0x169: {  	v6 =	vld [tilespmem:$0x10];
	_ =	sdelay $0x2  }
0x16a: {  	v5 =	vld [tilespmem:$0x210];
	[tilespmem:$0x600] =	vst v3  }
0x16b: {  	v7 =	vld [tilespmem:$0x110];
	v2 =	vmul.f32 v2, v2;
	[tilespmem:$0x800] =	vst v4  }
0x16c: {  	[tilespmem:$0x610] =	vst v6  }
0x16d: {  	[tilespmem:$0x300] =	vst v2;
	v2 =	vadd.s32 v0, v3  }
0x16e: {  	v3 =	vld [tilespmem:$0x220];
	[tilespmem:$0x400] =	vst v2;
	v2 =	vadd.s32 v0, v4  }
0x16f: {  	v4 =	vld [tilespmem:$0x20];
	[tilespmem:$0x430] =	vst v2;
	v2 =	vmul.f32 v5, v5  }
0x170: {  	[tilespmem:$0x810] =	vst v7;
	v5 =	vld [tilespmem:$0x120]  }
0x171: {  	[tilespmem:$0x310] =	vst v2;
	v2 =	vadd.s32 v0, v6  }
0x172: {  	[tilespmem:$0x410] =	vst v2;
	v2 =	vadd.s32 v0, v7  }
0x173: {  	[tilespmem:$0x440] =	vst v2  }
0x174: {  	v2 =	vmul.f32 v3, v3;
	[tilespmem:$0x620] =	vst v4  }
0x175: {  	[tilespmem:$0x820] =	vst v5  }
0x176: {  	s25 =	rddreg [dreg:$0xb];
	[tilespmem:$0x320] =	vst v2;
	v2 =	vadd.s32 v0, v4  }
0x177: {  	s14 =	sadd.s32 s21, s25;
	[tilespmem:$0x420] =	vst v2;
	v2 =	vadd.s32 v0, v5  }
0x178: {  	s15 =	simm.s32 $0x400;
	s16 =	simm.s32 $0x900;
	s14 =	smul.u32 $0x6, s14;
	[tilespmem:$0x450] =	vst v2  }
0x179: {  	[tilespmem:s16], [sflag:$0x1] =	stream.indirect.gather [hbm4b:s5+s23], $0x80, s15, s23, $0xb8;
	[tilespmem:$0x1D900] =	vst v63  }
0x17a: {  	s29 =	simm.s32 $0x80;
	s26 =	sadd.s32 s6, s14  }
0x17b: {  	[tilespmem:s29], [sflag:$0x4] =	stream.linear.gather [hbm4b:s26+s3], $0x30, $0x38;
	[tilespmem:$0x1D900] =	vst v63  }
0x17c: {  	s22 =	simm.s32 $0x180;
	s17 =	sadd.s32 s7, s14  }
0x17d: {  	[tilespmem:s22], [sflag:$0x4] =	stream.linear.gather [hbm4b:s17+s3], $0x30, $0x38;
	[tilespmem:$0x1D900] =	vst v63  }
0x17e: {  	s25 =	simm.s32 $0x280;
	s14 =	sadd.s32 s1, s14  }
0x17f: {  	[tilespmem:s25], [sflag:$0x4] =	stream.linear.gather [hbm4b:s14+s3], $0x30, $0x38;
	[tilespmem:$0x1D900] =	vst v63  }
0x180: {  	s26 =	simm.s32 $0x0;
	_ =	swait.ge [sflag:s4], $0x1800  }
0x181: {  	v2 =	vmov s26;
	[sflag:s4] =	ssyncset.done $0x0  }
0x182: {  	v2 =	vand.u32 $0xFFFFFFFE, v2;
	[sflag:s4] =	ssyncadd.s32 $0xFFFFE800  }
0x183: {  	v2 =	vbroadcast v2, $0x0;
	_ =	swait.ge [sflag:s4], $0x1800  }
0x184: {  	[sflag:s4] =	ssyncset.done $0x0  }
0x185: {  	s22 =	simm.s32 $0x51F0;
	[sflag:s4] =	ssyncadd.s32 $0xFFFFE800  }
0x186: {  	s29 =	simm.s32 $0x1;
	v4 =	vld [tilespmem:s22+$0xFFFFE710]  }
0x187: {  	v5 =	vmov s29;
	v6 =	vld [tilespmem:s22+$0xFFFFFF90]  }
0x188: {  	v7 =	vld [tilespmem:s22+$0xFFFFFF10]  }
0x189: {  	v3 =	vld.idx.msk [tilespmem:v2+s8+$0x0], $0xffff  }
0x18a: {  	v8 =	vld [tilespmem:s22+$0xFFFFE790];
	_ =	sdelay $0x1  }
0x18b: {  	v2 =	vld.idx.msk [tilespmem:v5+s8+$0x0], $0xffff  }
0x18c: {  	v4 =	vsub.f32 v4, v7;
	_ =	sdelay $0x1  }
0x18d: {  	v7 =	vld [tilespmem:s22+$0xFFFFFF20];
	v6 =	vsub.f32 v8, v6;
	v4 =	vmul.f32 v4, v3  }
0x18e: {  	v8 =	vld [tilespmem:s22+$0xFFFFE720]  }
0x18f: {  	s25 =	simm.s32 $0x6980;
	v5 =	vld [tilespmem:s22+$0xFFFFFFA0];
	v6 =	vmul.f32 v6, v2;
	v10 =	vsub.f32 $0.0e+00, v4  }
0x190: {  	s26 =	simm.s32 $0x8180;
	v9 =	vld [tilespmem:s22+$0xFFFFE7A0];
	[tilespmem:s25+$0xFFFFFF80] =	vst v4  }
0x191: {  	v4 =	vsub.f32 $0.0e+00, v6;
	[tilespmem:s26+$0xFFFFFF80] =	vst v10  }
0x192: {  	[tilespmem:s25+$0x0] =	vst v6  }
0x193: {  	[tilespmem:s26+$0x0] =	vst v4;
	v4 =	vsub.f32 v8, v7;
	_ =	sdelay $0x1  }
0x194: {  	v5 =	vsub.f32 v9, v5;
	v6 =	vld [tilespmem:s22+$0xFFFFE730];
	v4 =	vmul.f32 v4, v3  }
0x195: {  	v8 =	vld [tilespmem:s22+$0xFFFFFF30]  }
0x196: {  	v5 =	vmul.f32 v5, v2;
	v7 =	vld [tilespmem:s22+$0xFFFFE7B0];
	v10 =	vsub.f32 $0.0e+00, v4  }
0x197: {  	v9 =	vld [tilespmem:s22+$0xFFFFFFB0];
	[tilespmem:s25+$0xFFFFFF90] =	vst v4  }
0x198: {  	v4 =	vsub.f32 $0.0e+00, v5;
	[tilespmem:s26+$0xFFFFFF90] =	vst v10  }
0x199: {  	[tilespmem:s25+$0x10] =	vst v5  }
0x19a: {  	[tilespmem:s26+$0x10] =	vst v4;
	v4 =	vsub.f32 v6, v8;
	_ =	sdelay $0x1  }
0x19b: {  	v6 =	vsub.f32 v7, v9;
	v5 =	vld [tilespmem:s22+$0xFFFFE740];
	v4 =	vmul.f32 v4, v3  }
0x19c: {  	v7 =	vld [tilespmem:s22+$0xFFFFFF40]  }
0x19d: {  	v8 =	vld [tilespmem:s22+$0xFFFFE7C0];
	v6 =	vmul.f32 v6, v2;
	v10 =	vsub.f32 $0.0e+00, v4  }
0x19e: {  	v9 =	vld [tilespmem:s22+$0xFFFFFFC0];
	[tilespmem:s25+$0xFFFFFFA0] =	vst v4  }
0x19f: {  	v4 =	vsub.f32 $0.0e+00, v6;
	[tilespmem:s26+$0xFFFFFFA0] =	vst v10  }
0x1a0: {  	[tilespmem:s25+$0x20] =	vst v6  }
0x1a1: {  	v5 =	vsub.f32 v5, v7;
	[tilespmem:s26+$0x20] =	vst v4  }
0x1a2: {  	v4 =	vld [tilespmem:s22+$0xFFFFE750]  }
0x1a3: {  	v6 =	vsub.f32 v8, v9;
	v5 =	vmul.f32 v5, v3;
	v7 =	vld [tilespmem:s22+$0xFFFFFF50]  }
0x1a4: {  	v8 =	vld [tilespmem:s22+$0xFFFFFFD0]  }
0x1a5: {  	v6 =	vmul.f32 v6, v2;
	v10 =	vld [tilespmem:s22+$0xFFFFE7D0];
	v9 =	vsub.f32 $0.0e+00, v5  }
0x1a6: {  	[tilespmem:s25+$0xFFFFFFB0] =	vst v5  }
0x1a7: {  	v5 =	vsub.f32 $0.0e+00, v6;
	[tilespmem:s26+$0xFFFFFFB0] =	vst v9  }
0x1a8: {  	[tilespmem:s25+$0x30] =	vst v6;
	v4 =	vsub.f32 v4, v7  }
0x1a9: {  	[tilespmem:s26+$0x30] =	vst v5  }
0x1aa: {  	v6 =	vsub.f32 v10, v8;
	v7 =	vld [tilespmem:s22+$0xFFFFFF60];
	v4 =	vmul.f32 v4, v3  }
0x1ab: {  	v8 =	vld [tilespmem:s22+$0xFFFFE760]  }
0x1ac: {  	v5 =	vld [tilespmem:s22+$0xFFFFE7E0];
	v6 =	vmul.f32 v6, v2;
	v10 =	vsub.f32 $0.0e+00, v4  }
0x1ad: {  	v9 =	vld [tilespmem:s22+$0xFFFFFFE0];
	[tilespmem:s25+$0xFFFFFFC0] =	vst v4  }
0x1ae: {  	v4 =	vsub.f32 $0.0e+00, v6;
	[tilespmem:s26+$0xFFFFFFC0] =	vst v10  }
0x1af: {  	[tilespmem:s25+$0x40] =	vst v6  }
0x1b0: {  	[tilespmem:s26+$0x40] =	vst v4;
	v4 =	vsub.f32 v8, v7;
	_ =	sdelay $0x1  }
0x1b1: {  	v5 =	vsub.f32 v5, v9;
	v6 =	vld [tilespmem:s22+$0xFFFFE770];
	v4 =	vmul.f32 v4, v3  }
0x1b2: {  	v7 =	vld [tilespmem:s22+$0xFFFFFF70]  }
0x1b3: {  	v5 =	vmul.f32 v5, v2;
	v8 =	vld [tilespmem:s22+$0xFFFFE7F0];
	v9 =	vsub.f32 $0.0e+00, v4  }
0x1b4: {  	v10 =	vld [tilespmem:s22+$0xFFFFFFF0];
	[tilespmem:s25+$0xFFFFFFD0] =	vst v4  }
0x1b5: {  	v4 =	vsub.f32 $0.0e+00, v5;
	[tilespmem:s26+$0xFFFFFFD0] =	vst v9  }
0x1b6: {  	[tilespmem:s25+$0x50] =	vst v5  }
0x1b7: {  	v6 =	vsub.f32 v6, v7;
	[tilespmem:s26+$0x50] =	vst v4  }
0x1b8: {  	v5 =	vld [tilespmem:s22+$0xFFFFE780]  }
0x1b9: {  	v7 =	vsub.f32 v8, v10;
	v9 =	vmul.f32 v6, v3;
	v6 =	vld [tilespmem:s22+$0xFFFFFF80]  }
0x1ba: {  	v4 =	vld [tilespmem:s22+$0xFFFFE800]  }
0x1bb: {  	s15 =	simm.s32 $0x3;
	s16 =	simm.s32 $0x6980;
	s14 =	simm.s32 $0x8180;
	v8 =	vmul.f32 v7, v2;
	v7 =	vld [tilespmem:s22+$0x0];
	v10 =	vsub.f32 $0.0e+00, v9  }
.LBB2_7:
0x1bc: {  	[tilespmem:s25+$0xFFFFFFE0] =	vst v9;
	s22 =	sadd.s32 $0x100, s22;
	s16 =	sadd.s32 $0x100, s16;
	s26 =	sadd.s32 $0x100, s26  }
0x1bd: {  	p0 =	sne.s32 s15, $0x2F;
	v9 =	vsub.f32 $0.0e+00, v8;
	s17 =	smov.u32 s15;
	s15 =	sadd.s32 $0x2, s15;
	[tilespmem:s14+$0xFFFFFFE0] =	vst v10  }
0x1be: {  	[tilespmem:s25+$0x60] =	vst v8;
	v5 =	vsub.f32 v5, v6  }
0x1bf: {  	[tilespmem:s14+$0x60] =	vst v9  }
0x1c0: {  	s29 =	sadd.s32 $0xFFFFFFFF, s17;
	v3 =	vmul.f32 v5, v3;
	v4 =	vsub.f32 v4, v7  }
0x1c1: {  	v5 =	vmov s29  }
0x1c2: {  	v5 =	vand.u32 $0xFFFFFFFE, v5;
	[tilespmem:s25+$0xFFFFFFF0] =	vst v3;
	v3 =	vsub.f32 $0.0e+00, v3;
	v2 =	vmul.f32 v4, v2  }
0x1c3: {  	v4 =	vbroadcast v5, $0x0  }
0x1c4: {  	[tilespmem:s14+$0xFFFFFFF0] =	vst v3;
	v3 =	vsub.f32 $0.0e+00, v2  }
0x1c5: {  	[tilespmem:s25+$0x70] =	vst v2;
	s25 =	smov.u32 s16  }
0x1c6: {  	[tilespmem:s14+$0x70] =	vst v3;
	s14 =	smov.u32 s26  }
0x1c7: {  	v2 =	vmov s17;
	v5 =	vld [tilespmem:s22+$0xFFFFE710]  }
0x1c8: {  	v6 =	vld [tilespmem:s22+$0xFFFFFF90]  }
0x1c9: {  	v7 =	vld [tilespmem:s22+$0xFFFFFF10]  }
0x1ca: {  	v3 =	vld.idx.msk [tilespmem:v4+s8+$0x0], $0xffff  }
0x1cb: {  	v4 =	vld [tilespmem:s22+$0xFFFFE790]  }
0x1cc: {  	v2 =	vld.idx.msk [tilespmem:v2+s8+$0x0], $0xffff;
	_ =	sdelay $0x1  }
0x1cd: {  	v5 =	vsub.f32 v5, v7  }
0x1ce: {  	v7 =	vld [tilespmem:s22+$0xFFFFFFA0]  }
0x1cf: {  	v8 =	vld [tilespmem:s22+$0xFFFFFF20];
	v5 =	vmul.f32 v5, v3;
	v4 =	vsub.f32 v4, v6  }
0x1d0: {  	v6 =	vld [tilespmem:s22+$0xFFFFE720]  }
0x1d1: {  	v9 =	vld [tilespmem:s22+$0xFFFFE7A0];
	v10 =	vsub.f32 $0.0e+00, v5;
	v4 =	vmul.f32 v4, v2  }
0x1d2: {  	[tilespmem:s16+$0xFFFFFF80] =	vst v5  }
0x1d3: {  	[tilespmem:s26+$0xFFFFFF80] =	vst v10;
	v5 =	vsub.f32 $0.0e+00, v4  }
0x1d4: {  	[tilespmem:s16+$0x0] =	vst v4  }
0x1d5: {  	[tilespmem:s26+$0x0] =	vst v5;
	v4 =	vsub.f32 v6, v8  }
0x1d6: {  	v5 =	vld [tilespmem:s22+$0xFFFFE730];
	v6 =	vsub.f32 v9, v7  }
0x1d7: {  	v7 =	vld [tilespmem:s22+$0xFFFFE7B0];
	v4 =	vmul.f32 v4, v3  }
0x1d8: {  	v8 =	vld [tilespmem:s22+$0xFFFFFFB0]  }
0x1d9: {  	v6 =	vmul.f32 v6, v2;
	v9 =	vld [tilespmem:s22+$0xFFFFFF30];
	v10 =	vsub.f32 $0.0e+00, v4  }
0x1da: {  	[tilespmem:s16+$0xFFFFFF90] =	vst v4  }
0x1db: {  	v4 =	vsub.f32 $0.0e+00, v6;
	[tilespmem:s26+$0xFFFFFF90] =	vst v10  }
0x1dc: {  	[tilespmem:s16+$0x10] =	vst v6  }
0x1dd: {  	[tilespmem:s26+$0x10] =	vst v4;
	v4 =	vsub.f32 v7, v8  }
0x1de: {  	v6 =	vld [tilespmem:s22+$0xFFFFE740];
	v5 =	vsub.f32 v5, v9  }
0x1df: {  	v7 =	vld [tilespmem:s22+$0xFFFFFF40];
	v4 =	vmul.f32 v4, v2  }
0x1e0: {  	v8 =	vld [tilespmem:s22+$0xFFFFE7C0];
	v5 =	vmul.f32 v5, v3  }
0x1e1: {  	v9 =	vld [tilespmem:s22+$0xFFFFFFC0]  }
0x1e2: {  	[tilespmem:s16+$0xFFFFFFA0] =	vst v5;
	v5 =	vsub.f32 $0.0e+00, v5;
	_ =	sdelay $0x1  }
0x1e3: {  	[tilespmem:s26+$0xFFFFFFA0] =	vst v5;
	v5 =	vsub.f32 $0.0e+00, v4;
	v6 =	vsub.f32 v6, v7  }
0x1e4: {  	[tilespmem:s16+$0x20] =	vst v4  }
0x1e5: {  	[tilespmem:s26+$0x20] =	vst v5;
	v4 =	vmul.f32 v6, v3;
	v5 =	vsub.f32 v8, v9  }
0x1e6: {  	v6 =	vld [tilespmem:s22+$0xFFFFE750]  }
0x1e7: {  	v7 =	vld [tilespmem:s22+$0xFFFFFF50];
	v8 =	vsub.f32 $0.0e+00, v4;
	v5 =	vmul.f32 v5, v2  }
0x1e8: {  	v9 =	vld [tilespmem:s22+$0xFFFFFFD0]  }
0x1e9: {  	v10 =	vld [tilespmem:s22+$0xFFFFE7D0]  }
0x1ea: {  	[tilespmem:s16+$0xFFFFFFB0] =	vst v4  }
0x1eb: {  	v4 =	vsub.f32 $0.0e+00, v5;
	[tilespmem:s26+$0xFFFFFFB0] =	vst v8  }
0x1ec: {  	[tilespmem:s16+$0x30] =	vst v5;
	v5 =	vsub.f32 v6, v7  }
0x1ed: {  	[tilespmem:s26+$0x30] =	vst v4  }
0x1ee: {  	v4 =	vld [tilespmem:s22+$0xFFFFE7E0];
	v6 =	vsub.f32 v10, v9  }
0x1ef: {  	v5 =	vmul.f32 v5, v3;
	v7 =	vld [tilespmem:s22+$0xFFFFFF60]  }
0x1f0: {  	v8 =	vld [tilespmem:s22+$0xFFFFE760];
	v6 =	vmul.f32 v6, v2  }
0x1f1: {  	v10 =	vsub.f32 $0.0e+00, v5;
	v9 =	vld [tilespmem:s22+$0xFFFFFFE0]  }
0x1f2: {  	[tilespmem:s16+$0xFFFFFFC0] =	vst v5;
	v5 =	vsub.f32 $0.0e+00, v6  }
0x1f3: {  	[tilespmem:s26+$0xFFFFFFC0] =	vst v10  }
0x1f4: {  	[tilespmem:s16+$0x40] =	vst v6  }
0x1f5: {  	[tilespmem:s26+$0x40] =	vst v5;
	v5 =	vsub.f32 v8, v7  }
0x1f6: {  	v6 =	vld [tilespmem:s22+$0xFFFFE770];
	v4 =	vsub.f32 v4, v9  }
0x1f7: {  	v7 =	vld [tilespmem:s22+$0xFFFFFF70];
	v5 =	vmul.f32 v5, v3  }
0x1f8: {  	v8 =	vld [tilespmem:s22+$0xFFFFE7F0];
	v4 =	vmul.f32 v4, v2  }
0x1f9: {  	v10 =	vld [tilespmem:s22+$0xFFFFFFF0];
	v9 =	vsub.f32 $0.0e+00, v5  }
0x1fa: {  	[tilespmem:s16+$0xFFFFFFD0] =	vst v5  }
0x1fb: {  	v5 =	vsub.f32 $0.0e+00, v4;
	[tilespmem:s26+$0xFFFFFFD0] =	vst v9  }
0x1fc: {  	[tilespmem:s16+$0x50] =	vst v4;
	v4 =	vsub.f32 v6, v7  }
.Ltmp2:
0x1fd: {  	[tilespmem:s26+$0x50] =	vst v5;
	(pc) =	sbr.rel @p0 .LBB2_7-.Ltmp2, $4  }
0x1fe: {  	v5 =	vld [tilespmem:s22+$0xFFFFE780];
	v9 =	vmul.f32 v4, v3;
	v7 =	vsub.f32 v8, v10  }
0x1ff: {  	v6 =	vld [tilespmem:s22+$0xFFFFFF80]  }
0x200: {  	v4 =	vld [tilespmem:s22+$0xFFFFE800];
	v10 =	vsub.f32 $0.0e+00, v9;
	v8 =	vmul.f32 v7, v2  }
0x201: {  	v7 =	vld [tilespmem:s22+$0x0]  }
0x202: {  	_ =	sdelay $0x1  }
0x203: {  	v5 =	vsub.f32 v5, v6  }
0x204: {  	[tilespmem:s25+$0xFFFFFFE0] =	vst v9  }
0x205: {  	[tilespmem:s14+$0xFFFFFFE0] =	vst v10;
	v6 =	vsub.f32 $0.0e+00, v8;
	v3 =	vmul.f32 v5, v3;
	v4 =	vsub.f32 v4, v7  }
0x206: {  	[tilespmem:s25+$0x60] =	vst v8  }
0x207: {  	[tilespmem:s14+$0x60] =	vst v6;
	v5 =	vsub.f32 $0.0e+00, v3;
	v2 =	vmul.f32 v4, v2  }
0x208: {  	[tilespmem:s25+$0xFFFFFFF0] =	vst v3  }
0x209: {  	[tilespmem:s14+$0xFFFFFFF0] =	vst v5;
	v3 =	vsub.f32 $0.0e+00, v2  }
0x20a: {  	[tilespmem:s25+$0x70] =	vst v2  }
0x20b: {  	s22 =	simm.s32 $0x580;
	[tilespmem:s14+$0x70] =	vst v3  }
0x20c: {  	[spmem:s2] =	stream.indirect.scatter.add.f32 [tilespmem:s11], [sflag:$0x6], $0x80, s22, s0, $0xb8;
	[tilespmem:$0x1D900] =	vst v63  }
0x20d: {  	s25 =	simm.s32 $0x780  }
0x20e: {  	[spmem:s2] =	stream.indirect.scatter.add.f32 [tilespmem:s9], [sflag:$0x6], $0x80, s25, s0, $0xb8;
	[tilespmem:$0x1D900] =	vst v63  }
0x20f: {  	_ =	swait.ge [sflag:s28], $0x3000  }
0x210: {  	[sflag:s28] =	ssyncset.done $0x0  }
0x211: {  	[sflag:s28] =	ssyncadd.s32 $0xFFFFD000  }
0x212: {  	_ =	swait.ge [sflag:s13], $0x30  }
0x213: {  	[sflag:s13] =	ssyncset.done $0x0  }
0x214: {  	[sflag:s13] =	ssyncadd.s32 $0xFFFFFFD0  }
0x215: {  	_ =	swait.ge [sflag:s13], $0x30  }
0x216: {  	[sflag:s13] =	ssyncset.done $0x0  }
0x217: {  	[sflag:s13] =	ssyncadd.s32 $0xFFFFFFD0  }
0x218: {  	_ =	swait.ge [sflag:s13], $0x30  }
0x219: {  	[sflag:s13] =	ssyncset.done $0x0  }
0x21a: {  	[sflag:s13] =	ssyncadd.s32 $0xFFFFFFD0  }
0x21b: {  	v2 =	vld [tilespmem:$0x280]  }
0x21c: {  	v3 =	vld [tilespmem:$0x80]  }
0x21d: {  	v4 =	vld [tilespmem:$0x180]  }
0x21e: {  	v6 =	vld [tilespmem:$0x90];
	_ =	sdelay $0x2  }
0x21f: {  	v5 =	vld [tilespmem:$0x290];
	[tilespmem:$0x680] =	vst v3  }
0x220: {  	v7 =	vld [tilespmem:$0x190];
	v2 =	vmul.f32 v2, v2;
	[tilespmem:$0x880] =	vst v4  }
0x221: {  	[tilespmem:$0x690] =	vst v6  }
0x222: {  	[tilespmem:$0x380] =	vst v2;
	v2 =	vadd.s32 v0, v3  }
0x223: {  	v3 =	vld [tilespmem:$0x2A0];
	[tilespmem:$0x480] =	vst v2;
	v2 =	vadd.s32 v0, v4  }
0x224: {  	v4 =	vld [tilespmem:$0xA0];
	[tilespmem:$0x4B0] =	vst v2;
	v2 =	vmul.f32 v5, v5  }
0x225: {  	[tilespmem:$0x890] =	vst v7;
	v5 =	vld [tilespmem:$0x1A0]  }
0x226: {  	[tilespmem:$0x390] =	vst v2;
	v2 =	vadd.s32 v0, v6  }
0x227: {  	[tilespmem:$0x490] =	vst v2;
	v2 =	vadd.s32 v0, v7  }
0x228: {  	[tilespmem:$0x4C0] =	vst v2  }
0x229: {  	v2 =	vmul.f32 v3, v3;
	[tilespmem:$0x6A0] =	vst v4  }
0x22a: {  	[tilespmem:$0x8A0] =	vst v5  }
0x22b: {  	p0 =	seq.s32 s20, $0x34;
	s14 =	rddreg [dreg:$0xc];
	[tilespmem:$0x3A0] =	vst v2;
	v2 =	vadd.s32 v0, v4  }
0x22c: {  	s14 =	sadd.s32 @!p0 s21, s14;
	[tilespmem:$0x4A0] =	vst v2;
	v2 =	vadd.s32 v0, v5  }
0x22d: {  	s15 =	simm.s32 $0x480;
	s14 =	smul.u32 @!p0 $0x6, s14;
	[tilespmem:$0x4D0] =	vst v2  }
0x22e: {  	[tilespmem:s30], [sflag:$0x2] =	stream.indirect.gather [hbm4b:s5+s23], $0x80, s15, s23, $0xb8;
	[tilespmem:$0x1D900] =	vst v63  }
0x22f: {  	s16 =	simm.s32 @!p0 $0x0;
	s15 =	sadd.s32 @!p0 s6, s14  }
0x230: {  	[tilespmem:s16], [sflag:$0x3] =	stream.linear.gather @!p0 [hbm4b:s15+s16], $0x30, $0x38;
	[tilespmem:$0x1D900] =	vst v63  }
0x231: {  	s17 =	simm.s32 @!p0 $0x100;
	s15 =	sadd.s32 @!p0 s7, s14  }
0x232: {  	[tilespmem:s17], [sflag:$0x3] =	stream.linear.gather @!p0 [hbm4b:s15+s16], $0x30, $0x38;
	[tilespmem:$0x1D900] =	vst v63  }
0x233: {  	s14 =	sadd.s32 @!p0 s1, s14;
	s15 =	simm.s32 @!p0 $0x200  }
0x234: {  	[tilespmem:s15], [sflag:$0x3] =	stream.linear.gather @!p0 [hbm4b:s14+s16], $0x30, $0x38;
	[tilespmem:$0x1D900] =	vst v63  }
0x235: {  	s26 =	simm.s32 $0x0;
	_ =	swait.ge [sflag:s18], $0x1800  }
0x236: {  	v2 =	vmov s26;
	[sflag:s18] =	ssyncset.done $0x0  }
0x237: {  	v2 =	vand.u32 $0xFFFFFFFE, v2;
	[sflag:s18] =	ssyncadd.s32 $0xFFFFE800  }
0x238: {  	v2 =	vbroadcast v2, $0x0;
	_ =	swait.ge [sflag:s18], $0x1800  }
0x239: {  	[sflag:s18] =	ssyncset.done $0x0  }
0x23a: {  	s22 =	simm.s32 $0x21F0;
	[sflag:s18] =	ssyncadd.s32 $0xFFFFE800  }
0x23b: {  	s29 =	simm.s32 $0x1;
	v4 =	vld [tilespmem:s22+$0xFFFFE710]  }
0x23c: {  	v5 =	vmov s29;
	v6 =	vld [tilespmem:s22+$0xFFFFFF90]  }
0x23d: {  	v7 =	vld [tilespmem:s22+$0xFFFFFF10]  }
0x23e: {  	v3 =	vld.idx.msk [tilespmem:v2+s31+$0x0], $0xffff  }
0x23f: {  	v8 =	vld [tilespmem:s22+$0xFFFFE790];
	_ =	sdelay $0x1  }
0x240: {  	v2 =	vld.idx.msk [tilespmem:v5+s31+$0x0], $0xffff  }
0x241: {  	v4 =	vsub.f32 v4, v7;
	_ =	sdelay $0x1  }
0x242: {  	v7 =	vld [tilespmem:s22+$0xFFFFFF20];
	v6 =	vsub.f32 v8, v6;
	v4 =	vmul.f32 v4, v3  }
0x243: {  	v8 =	vld [tilespmem:s22+$0xFFFFE720]  }
0x244: {  	s25 =	simm.s32 $0x6980;
	v5 =	vld [tilespmem:s22+$0xFFFFFFA0];
	v6 =	vmul.f32 v6, v2;
	v10 =	vsub.f32 $0.0e+00, v4  }
0x245: {  	s26 =	simm.s32 $0x8180;
	v9 =	vld [tilespmem:s22+$0xFFFFE7A0];
	[tilespmem:s25+$0xFFFFFF80] =	vst v4  }
0x246: {  	v4 =	vsub.f32 $0.0e+00, v6;
	[tilespmem:s26+$0xFFFFFF80] =	vst v10  }
0x247: {  	[tilespmem:s25+$0x0] =	vst v6  }
0x248: {  	[tilespmem:s26+$0x0] =	vst v4;
	v4 =	vsub.f32 v8, v7;
	_ =	sdelay $0x1  }
0x249: {  	v5 =	vsub.f32 v9, v5;
	v6 =	vld [tilespmem:s22+$0xFFFFE730];
	v4 =	vmul.f32 v4, v3  }
0x24a: {  	v8 =	vld [tilespmem:s22+$0xFFFFFF30]  }
0x24b: {  	v5 =	vmul.f32 v5, v2;
	v7 =	vld [tilespmem:s22+$0xFFFFE7B0];
	v10 =	vsub.f32 $0.0e+00, v4  }
0x24c: {  	v9 =	vld [tilespmem:s22+$0xFFFFFFB0];
	[tilespmem:s25+$0xFFFFFF90] =	vst v4  }
0x24d: {  	v4 =	vsub.f32 $0.0e+00, v5;
	[tilespmem:s26+$0xFFFFFF90] =	vst v10  }
0x24e: {  	[tilespmem:s25+$0x10] =	vst v5  }
0x24f: {  	[tilespmem:s26+$0x10] =	vst v4;
	v4 =	vsub.f32 v6, v8;
	_ =	sdelay $0x1  }
0x250: {  	v6 =	vsub.f32 v7, v9;
	v5 =	vld [tilespmem:s22+$0xFFFFE740];
	v4 =	vmul.f32 v4, v3  }
0x251: {  	v7 =	vld [tilespmem:s22+$0xFFFFFF40]  }
0x252: {  	v8 =	vld [tilespmem:s22+$0xFFFFE7C0];
	v6 =	vmul.f32 v6, v2;
	v10 =	vsub.f32 $0.0e+00, v4  }
0x253: {  	v9 =	vld [tilespmem:s22+$0xFFFFFFC0];
	[tilespmem:s25+$0xFFFFFFA0] =	vst v4  }
0x254: {  	v4 =	vsub.f32 $0.0e+00, v6;
	[tilespmem:s26+$0xFFFFFFA0] =	vst v10  }
0x255: {  	[tilespmem:s25+$0x20] =	vst v6  }
0x256: {  	v5 =	vsub.f32 v5, v7;
	[tilespmem:s26+$0x20] =	vst v4  }
0x257: {  	v4 =	vld [tilespmem:s22+$0xFFFFE750]  }
0x258: {  	v6 =	vsub.f32 v8, v9;
	v5 =	vmul.f32 v5, v3;
	v7 =	vld [tilespmem:s22+$0xFFFFFF50]  }
0x259: {  	v8 =	vld [tilespmem:s22+$0xFFFFFFD0]  }
0x25a: {  	v6 =	vmul.f32 v6, v2;
	v10 =	vld [tilespmem:s22+$0xFFFFE7D0];
	v9 =	vsub.f32 $0.0e+00, v5  }
0x25b: {  	[tilespmem:s25+$0xFFFFFFB0] =	vst v5  }
0x25c: {  	v5 =	vsub.f32 $0.0e+00, v6;
	[tilespmem:s26+$0xFFFFFFB0] =	vst v9  }
0x25d: {  	[tilespmem:s25+$0x30] =	vst v6;
	v4 =	vsub.f32 v4, v7  }
0x25e: {  	[tilespmem:s26+$0x30] =	vst v5  }
0x25f: {  	v6 =	vsub.f32 v10, v8;
	v7 =	vld [tilespmem:s22+$0xFFFFFF60];
	v4 =	vmul.f32 v4, v3  }
0x260: {  	v8 =	vld [tilespmem:s22+$0xFFFFE760]  }
0x261: {  	v5 =	vld [tilespmem:s22+$0xFFFFE7E0];
	v6 =	vmul.f32 v6, v2;
	v10 =	vsub.f32 $0.0e+00, v4  }
0x262: {  	v9 =	vld [tilespmem:s22+$0xFFFFFFE0];
	[tilespmem:s25+$0xFFFFFFC0] =	vst v4  }
0x263: {  	v4 =	vsub.f32 $0.0e+00, v6;
	[tilespmem:s26+$0xFFFFFFC0] =	vst v10  }
0x264: {  	[tilespmem:s25+$0x40] =	vst v6  }
0x265: {  	[tilespmem:s26+$0x40] =	vst v4;
	v4 =	vsub.f32 v8, v7;
	_ =	sdelay $0x1  }
0x266: {  	v5 =	vsub.f32 v5, v9;
	v6 =	vld [tilespmem:s22+$0xFFFFE770];
	v4 =	vmul.f32 v4, v3  }
0x267: {  	v7 =	vld [tilespmem:s22+$0xFFFFFF70]  }
0x268: {  	v5 =	vmul.f32 v5, v2;
	v8 =	vld [tilespmem:s22+$0xFFFFE7F0];
	v9 =	vsub.f32 $0.0e+00, v4  }
0x269: {  	v10 =	vld [tilespmem:s22+$0xFFFFFFF0];
	[tilespmem:s25+$0xFFFFFFD0] =	vst v4  }
0x26a: {  	v4 =	vsub.f32 $0.0e+00, v5;
	[tilespmem:s26+$0xFFFFFFD0] =	vst v9  }
0x26b: {  	[tilespmem:s25+$0x50] =	vst v5  }
0x26c: {  	v6 =	vsub.f32 v6, v7;
	[tilespmem:s26+$0x50] =	vst v4  }
0x26d: {  	v5 =	vld [tilespmem:s22+$0xFFFFE780]  }
0x26e: {  	v7 =	vsub.f32 v8, v10;
	v9 =	vmul.f32 v6, v3;
	v6 =	vld [tilespmem:s22+$0xFFFFFF80]  }
0x26f: {  	v4 =	vld [tilespmem:s22+$0xFFFFE800]  }
0x270: {  	s15 =	simm.s32 $0x3;
	s16 =	simm.s32 $0x6980;
	s14 =	simm.s32 $0x8180;
	v8 =	vmul.f32 v7, v2;
	v7 =	vld [tilespmem:s22+$0x0];
	v10 =	vsub.f32 $0.0e+00, v9  }
.LBB2_9:
0x271: {  	[tilespmem:s25+$0xFFFFFFE0] =	vst v9;
	s22 =	sadd.s32 $0x100, s22;
	s16 =	sadd.s32 $0x100, s16;
	s26 =	sadd.s32 $0x100, s26  }
0x272: {  	p1 =	sne.s32 s15, $0x2F;
	v9 =	vsub.f32 $0.0e+00, v8;
	s17 =	smov.u32 s15;
	s15 =	sadd.s32 $0x2, s15;
	[tilespmem:s14+$0xFFFFFFE0] =	vst v10  }
0x273: {  	[tilespmem:s25+$0x60] =	vst v8;
	v5 =	vsub.f32 v5, v6  }
0x274: {  	[tilespmem:s14+$0x60] =	vst v9  }
0x275: {  	s29 =	sadd.s32 $0xFFFFFFFF, s17;
	v3 =	vmul.f32 v5, v3;
	v4 =	vsub.f32 v4, v7  }
0x276: {  	v5 =	vmov s29  }
0x277: {  	v5 =	vand.u32 $0xFFFFFFFE, v5;
	[tilespmem:s25+$0xFFFFFFF0] =	vst v3;
	v3 =	vsub.f32 $0.0e+00, v3;
	v2 =	vmul.f32 v4, v2  }
0x278: {  	v4 =	vbroadcast v5, $0x0  }
0x279: {  	[tilespmem:s14+$0xFFFFFFF0] =	vst v3;
	v3 =	vsub.f32 $0.0e+00, v2  }
0x27a: {  	[tilespmem:s25+$0x70] =	vst v2;
	s25 =	smov.u32 s16  }
0x27b: {  	[tilespmem:s14+$0x70] =	vst v3;
	s14 =	smov.u32 s26  }
0x27c: {  	v2 =	vmov s17;
	v5 =	vld [tilespmem:s22+$0xFFFFE710]  }
0x27d: {  	v6 =	vld [tilespmem:s22+$0xFFFFFF90]  }
0x27e: {  	v7 =	vld [tilespmem:s22+$0xFFFFFF10]  }
0x27f: {  	v3 =	vld.idx.msk [tilespmem:v4+s31+$0x0], $0xffff  }
0x280: {  	v4 =	vld [tilespmem:s22+$0xFFFFE790]  }
0x281: {  	v2 =	vld.idx.msk [tilespmem:v2+s31+$0x0], $0xffff;
	_ =	sdelay $0x1  }
0x282: {  	v5 =	vsub.f32 v5, v7  }
0x283: {  	v7 =	vld [tilespmem:s22+$0xFFFFFFA0]  }
0x284: {  	v8 =	vld [tilespmem:s22+$0xFFFFFF20];
	v5 =	vmul.f32 v5, v3;
	v4 =	vsub.f32 v4, v6  }
0x285: {  	v6 =	vld [tilespmem:s22+$0xFFFFE720]  }
0x286: {  	v9 =	vld [tilespmem:s22+$0xFFFFE7A0];
	v10 =	vsub.f32 $0.0e+00, v5;
	v4 =	vmul.f32 v4, v2  }
0x287: {  	[tilespmem:s16+$0xFFFFFF80] =	vst v5  }
0x288: {  	[tilespmem:s26+$0xFFFFFF80] =	vst v10;
	v5 =	vsub.f32 $0.0e+00, v4  }
0x289: {  	[tilespmem:s16+$0x0] =	vst v4  }
0x28a: {  	[tilespmem:s26+$0x0] =	vst v5;
	v4 =	vsub.f32 v6, v8  }
0x28b: {  	v5 =	vld [tilespmem:s22+$0xFFFFE730];
	v6 =	vsub.f32 v9, v7  }
0x28c: {  	v7 =	vld [tilespmem:s22+$0xFFFFE7B0];
	v4 =	vmul.f32 v4, v3  }
0x28d: {  	v8 =	vld [tilespmem:s22+$0xFFFFFFB0]  }
0x28e: {  	v6 =	vmul.f32 v6, v2;
	v9 =	vld [tilespmem:s22+$0xFFFFFF30];
	v10 =	vsub.f32 $0.0e+00, v4  }
0x28f: {  	[tilespmem:s16+$0xFFFFFF90] =	vst v4  }
0x290: {  	v4 =	vsub.f32 $0.0e+00, v6;
	[tilespmem:s26+$0xFFFFFF90] =	vst v10  }
0x291: {  	[tilespmem:s16+$0x10] =	vst v6  }
0x292: {  	[tilespmem:s26+$0x10] =	vst v4;
	v4 =	vsub.f32 v7, v8  }
0x293: {  	v6 =	vld [tilespmem:s22+$0xFFFFE740];
	v5 =	vsub.f32 v5, v9  }
0x294: {  	v7 =	vld [tilespmem:s22+$0xFFFFFF40];
	v4 =	vmul.f32 v4, v2  }
0x295: {  	v8 =	vld [tilespmem:s22+$0xFFFFE7C0];
	v5 =	vmul.f32 v5, v3  }
0x296: {  	v9 =	vld [tilespmem:s22+$0xFFFFFFC0]  }
0x297: {  	[tilespmem:s16+$0xFFFFFFA0] =	vst v5;
	v5 =	vsub.f32 $0.0e+00, v5;
	_ =	sdelay $0x1  }
0x298: {  	[tilespmem:s26+$0xFFFFFFA0] =	vst v5;
	v5 =	vsub.f32 $0.0e+00, v4;
	v6 =	vsub.f32 v6, v7  }
0x299: {  	[tilespmem:s16+$0x20] =	vst v4  }
0x29a: {  	[tilespmem:s26+$0x20] =	vst v5;
	v4 =	vmul.f32 v6, v3;
	v5 =	vsub.f32 v8, v9  }
0x29b: {  	v6 =	vld [tilespmem:s22+$0xFFFFE750]  }
0x29c: {  	v7 =	vld [tilespmem:s22+$0xFFFFFF50];
	v8 =	vsub.f32 $0.0e+00, v4;
	v5 =	vmul.f32 v5, v2  }
0x29d: {  	v9 =	vld [tilespmem:s22+$0xFFFFFFD0]  }
0x29e: {  	v10 =	vld [tilespmem:s22+$0xFFFFE7D0]  }
0x29f: {  	[tilespmem:s16+$0xFFFFFFB0] =	vst v4  }
0x2a0: {  	v4 =	vsub.f32 $0.0e+00, v5;
	[tilespmem:s26+$0xFFFFFFB0] =	vst v8  }
0x2a1: {  	[tilespmem:s16+$0x30] =	vst v5;
	v5 =	vsub.f32 v6, v7  }
0x2a2: {  	[tilespmem:s26+$0x30] =	vst v4  }
0x2a3: {  	v4 =	vld [tilespmem:s22+$0xFFFFE7E0];
	v6 =	vsub.f32 v10, v9  }
0x2a4: {  	v5 =	vmul.f32 v5, v3;
	v7 =	vld [tilespmem:s22+$0xFFFFFF60]  }
0x2a5: {  	v8 =	vld [tilespmem:s22+$0xFFFFE760];
	v6 =	vmul.f32 v6, v2  }
0x2a6: {  	v10 =	vsub.f32 $0.0e+00, v5;
	v9 =	vld [tilespmem:s22+$0xFFFFFFE0]  }
0x2a7: {  	[tilespmem:s16+$0xFFFFFFC0] =	vst v5;
	v5 =	vsub.f32 $0.0e+00, v6  }
0x2a8: {  	[tilespmem:s26+$0xFFFFFFC0] =	vst v10  }
0x2a9: {  	[tilespmem:s16+$0x40] =	vst v6  }
0x2aa: {  	[tilespmem:s26+$0x40] =	vst v5;
	v5 =	vsub.f32 v8, v7  }
0x2ab: {  	v6 =	vld [tilespmem:s22+$0xFFFFE770];
	v4 =	vsub.f32 v4, v9  }
0x2ac: {  	v7 =	vld [tilespmem:s22+$0xFFFFFF70];
	v5 =	vmul.f32 v5, v3  }
0x2ad: {  	v8 =	vld [tilespmem:s22+$0xFFFFE7F0];
	v4 =	vmul.f32 v4, v2  }
0x2ae: {  	v10 =	vld [tilespmem:s22+$0xFFFFFFF0];
	v9 =	vsub.f32 $0.0e+00, v5  }
0x2af: {  	[tilespmem:s16+$0xFFFFFFD0] =	vst v5  }
0x2b0: {  	v5 =	vsub.f32 $0.0e+00, v4;
	[tilespmem:s26+$0xFFFFFFD0] =	vst v9  }
0x2b1: {  	[tilespmem:s16+$0x50] =	vst v4;
	v4 =	vsub.f32 v6, v7  }
.Ltmp3:
0x2b2: {  	[tilespmem:s26+$0x50] =	vst v5;
	(pc) =	sbr.rel @p1 .LBB2_9-.Ltmp3, $4  }
0x2b3: {  	v5 =	vld [tilespmem:s22+$0xFFFFE780];
	v9 =	vmul.f32 v4, v3;
	v7 =	vsub.f32 v8, v10  }
0x2b4: {  	v6 =	vld [tilespmem:s22+$0xFFFFFF80]  }
0x2b5: {  	v4 =	vld [tilespmem:s22+$0xFFFFE800];
	v10 =	vsub.f32 $0.0e+00, v9;
	v8 =	vmul.f32 v7, v2  }
0x2b6: {  	v7 =	vld [tilespmem:s22+$0x0]  }
0x2b7: {  	_ =	sdelay $0x1  }
0x2b8: {  	v5 =	vsub.f32 v5, v6  }
0x2b9: {  	[tilespmem:s25+$0xFFFFFFE0] =	vst v9  }
0x2ba: {  	[tilespmem:s14+$0xFFFFFFE0] =	vst v10;
	v6 =	vsub.f32 $0.0e+00, v8;
	v3 =	vmul.f32 v5, v3;
	v4 =	vsub.f32 v4, v7  }
0x2bb: {  	[tilespmem:s25+$0x60] =	vst v8  }
0x2bc: {  	[tilespmem:s14+$0x60] =	vst v6;
	v5 =	vsub.f32 $0.0e+00, v3;
	v2 =	vmul.f32 v4, v2  }
0x2bd: {  	[tilespmem:s25+$0xFFFFFFF0] =	vst v3  }
0x2be: {  	[tilespmem:s14+$0xFFFFFFF0] =	vst v5;
	v3 =	vsub.f32 $0.0e+00, v2  }
0x2bf: {  	[tilespmem:s25+$0x70] =	vst v2  }
0x2c0: {  	s22 =	simm.s32 $0x600;
	[tilespmem:s14+$0x70] =	vst v3  }
0x2c1: {  	[spmem:s2] =	stream.indirect.scatter.add.f32 [tilespmem:s11], [sflag:$0x5], $0x80, s22, s0, $0xb8;
	[tilespmem:$0x1D900] =	vst v63  }
0x2c2: {  	s25 =	simm.s32 $0x800  }
0x2c3: {  	[spmem:s2] =	stream.indirect.scatter.add.f32 [tilespmem:s9], [sflag:$0x5], $0x80, s25, s0, $0xb8;
	[tilespmem:$0x1D900] =	vst v63  }
0x2c4: {  	_ =	swait.ge [sflag:s10], $0x3000  }
0x2c5: {  	[sflag:s10] =	ssyncset.done $0x0  }
0x2c6: {  	s14 =	simm.s32 @!p0 $0x3;
	[sflag:s10] =	ssyncadd.s32 $0xFFFFD000  }
0x2c7: {  	_ =	swait.ge @!p0 [sflag:s14], $0x30  }
0x2c8: {  	[sflag:s14] =	ssyncset.done @!p0 $0x0  }
0x2c9: {  	[sflag:s14] =	ssyncadd.s32 @!p0 $0xFFFFFFD0  }
0x2ca: {  	_ =	swait.ge @!p0 [sflag:s14], $0x30  }
0x2cb: {  	[sflag:s14] =	ssyncset.done @!p0 $0x0  }
0x2cc: {  	[sflag:s14] =	ssyncadd.s32 @!p0 $0xFFFFFFD0  }
0x2cd: {  	_ =	swait.ge @!p0 [sflag:s14], $0x30  }
0x2ce: {  	[sflag:s14] =	ssyncset.done @!p0 $0x0  }
0x2cf: {  	[sflag:s14] =	ssyncadd.s32 @!p0 $0xFFFFFFD0  }
0x2d0: {  	v2 =	vld @!p0 [tilespmem:$0x200]  }
0x2d1: {  	v3 =	vld @!p0 [tilespmem:$0x0]  }
0x2d2: {  	v4 =	vld @!p0 [tilespmem:$0x100]  }
0x2d3: {  	v6 =	vld @!p0 [tilespmem:$0x10];
	_ =	sdelay $0x2  }
0x2d4: {  	v5 =	vld @!p0 [tilespmem:$0x210];
	[tilespmem:$0x500] =	vst @!p0 v3  }
0x2d5: {  	v7 =	vld @!p0 [tilespmem:$0x110];
	v2 =	vmul.f32 @!p0 v2, v2;
	[tilespmem:$0x700] =	vst @!p0 v4  }
0x2d6: {  	[tilespmem:$0x510] =	vst @!p0 v6  }
0x2d7: {  	[tilespmem:$0x300] =	vst @!p0 v2;
	v2 =	vadd.s32 @!p0 v0, v3  }
0x2d8: {  	v3 =	vld @!p0 [tilespmem:$0x220];
	[tilespmem:$0x400] =	vst @!p0 v2;
	v2 =	vadd.s32 @!p0 v0, v4  }
0x2d9: {  	v4 =	vld @!p0 [tilespmem:$0x20];
	[tilespmem:$0x430] =	vst @!p0 v2;
	v2 =	vmul.f32 @!p0 v5, v5  }
0x2da: {  	[tilespmem:$0x710] =	vst @!p0 v7;
	v5 =	vld @!p0 [tilespmem:$0x120]  }
0x2db: {  	[tilespmem:$0x310] =	vst @!p0 v2;
	v2 =	vadd.s32 @!p0 v0, v6  }
0x2dc: {  	[tilespmem:$0x410] =	vst @!p0 v2;
	v2 =	vadd.s32 @!p0 v0, v7  }
0x2dd: {  	[tilespmem:$0x440] =	vst @!p0 v2  }
0x2de: {  	v2 =	vmul.f32 @!p0 v3, v3;
	[tilespmem:$0x520] =	vst @!p0 v4  }
0x2df: {  	[tilespmem:$0x720] =	vst @!p0 v5  }
0x2e0: {  	s15 =	rddreg [dreg:$0xd];
	[tilespmem:$0x320] =	vst @!p0 v2;
	v2 =	vadd.s32 @!p0 v0, v4  }
0x2e1: {  	s16 =	simm.s32 @!p0 $0x400;
	s15 =	sadd.s32 @!p0 s21, s15;
	[tilespmem:$0x420] =	vst @!p0 v2;
	v2 =	vadd.s32 @!p0 v0, v5  }
0x2e2: {  	s17 =	simm.s32 @!p0 $0x900;
	s14 =	simm.s32 @!p0 $0x60;
	s15 =	smul.u32 @!p0 $0x6, s15;
	[tilespmem:$0x450] =	vst @!p0 v2  }
0x2e3: {  	[tilespmem:s17], [sflag:$0x1] =	stream.indirect.gather @!p0 [hbm4b:s5+s14], $0x80, s16, s14, $0xb8;
	[tilespmem:$0x1D900] =	vst v63  }
0x2e4: {  	s14 =	sadd.s32 @!p0 s6, s15;
	s16 =	simm.s32 @!p0 $0x0;
	s17 =	simm.s32 @!p0 $0x80  }
0x2e5: {  	[tilespmem:s17], [sflag:$0x4] =	stream.linear.gather @!p0 [hbm4b:s14+s16], $0x30, $0x38;
	[tilespmem:$0x1D900] =	vst v63  }
0x2e6: {  	s14 =	sadd.s32 @!p0 s7, s15;
	s17 =	simm.s32 @!p0 $0x180  }
0x2e7: {  	[tilespmem:s17], [sflag:$0x4] =	stream.linear.gather @!p0 [hbm4b:s14+s16], $0x30, $0x38;
	[tilespmem:$0x1D900] =	vst v63  }
0x2e8: {  	s14 =	sadd.s32 @!p0 s1, s15;
	s15 =	simm.s32 @!p0 $0x280  }
0x2e9: {  	[tilespmem:s15], [sflag:$0x4] =	stream.linear.gather @!p0 [hbm4b:s14+s16], $0x30, $0x38;
	[tilespmem:$0x1D900] =	vst v63  }
0x2ea: {  	s26 =	simm.s32 $0x0;
	_ =	swait.ge [sflag:s4], $0x1800  }
0x2eb: {  	v2 =	vmov s26;
	[sflag:s4] =	ssyncset.done $0x0  }
0x2ec: {  	v2 =	vand.u32 $0xFFFFFFFE, v2;
	[sflag:s4] =	ssyncadd.s32 $0xFFFFE800  }
0x2ed: {  	v2 =	vbroadcast v2, $0x0;
	_ =	swait.ge [sflag:s4], $0x1800  }
0x2ee: {  	[sflag:s4] =	ssyncset.done $0x0  }
0x2ef: {  	s21 =	simm.s32 $0x51F0;
	[sflag:s4] =	ssyncadd.s32 $0xFFFFE800  }
0x2f0: {  	s29 =	simm.s32 $0x1;
	v4 =	vld [tilespmem:s21+$0xFFFFE710]  }
0x2f1: {  	v5 =	vmov s29;
	v6 =	vld [tilespmem:s21+$0xFFFFFF90]  }
0x2f2: {  	v7 =	vld [tilespmem:s21+$0xFFFFFF10]  }
0x2f3: {  	v3 =	vld.idx.msk [tilespmem:v2+s8+$0x0], $0xffff  }
0x2f4: {  	v8 =	vld [tilespmem:s21+$0xFFFFE790];
	_ =	sdelay $0x1  }
0x2f5: {  	v2 =	vld.idx.msk [tilespmem:v5+s8+$0x0], $0xffff  }
0x2f6: {  	v4 =	vsub.f32 v4, v7;
	_ =	sdelay $0x1  }
0x2f7: {  	v7 =	vld [tilespmem:s21+$0xFFFFFF20];
	v6 =	vsub.f32 v8, v6;
	v4 =	vmul.f32 v4, v3  }
0x2f8: {  	v8 =	vld [tilespmem:s21+$0xFFFFE720]  }
0x2f9: {  	s22 =	simm.s32 $0x6980;
	v5 =	vld [tilespmem:s21+$0xFFFFFFA0];
	v6 =	vmul.f32 v6, v2;
	v10 =	vsub.f32 $0.0e+00, v4  }
0x2fa: {  	s25 =	simm.s32 $0x8180;
	v9 =	vld [tilespmem:s21+$0xFFFFE7A0];
	[tilespmem:s22+$0xFFFFFF80] =	vst v4  }
0x2fb: {  	v4 =	vsub.f32 $0.0e+00, v6;
	[tilespmem:s25+$0xFFFFFF80] =	vst v10  }
0x2fc: {  	[tilespmem:s22+$0x0] =	vst v6  }
0x2fd: {  	[tilespmem:s25+$0x0] =	vst v4;
	v4 =	vsub.f32 v8, v7;
	_ =	sdelay $0x1  }
0x2fe: {  	v5 =	vsub.f32 v9, v5;
	v6 =	vld [tilespmem:s21+$0xFFFFE730];
	v4 =	vmul.f32 v4, v3  }
0x2ff: {  	v8 =	vld [tilespmem:s21+$0xFFFFFF30]  }
0x300: {  	v5 =	vmul.f32 v5, v2;
	v7 =	vld [tilespmem:s21+$0xFFFFE7B0];
	v10 =	vsub.f32 $0.0e+00, v4  }
0x301: {  	v9 =	vld [tilespmem:s21+$0xFFFFFFB0];
	[tilespmem:s22+$0xFFFFFF90] =	vst v4  }
0x302: {  	v4 =	vsub.f32 $0.0e+00, v5;
	[tilespmem:s25+$0xFFFFFF90] =	vst v10  }
0x303: {  	[tilespmem:s22+$0x10] =	vst v5  }
0x304: {  	[tilespmem:s25+$0x10] =	vst v4;
	v4 =	vsub.f32 v6, v8;
	_ =	sdelay $0x1  }
0x305: {  	v6 =	vsub.f32 v7, v9;
	v5 =	vld [tilespmem:s21+$0xFFFFE740];
	v4 =	vmul.f32 v4, v3  }
0x306: {  	v7 =	vld [tilespmem:s21+$0xFFFFFF40]  }
0x307: {  	v8 =	vld [tilespmem:s21+$0xFFFFE7C0];
	v6 =	vmul.f32 v6, v2;
	v10 =	vsub.f32 $0.0e+00, v4  }
0x308: {  	v9 =	vld [tilespmem:s21+$0xFFFFFFC0];
	[tilespmem:s22+$0xFFFFFFA0] =	vst v4  }
0x309: {  	v4 =	vsub.f32 $0.0e+00, v6;
	[tilespmem:s25+$0xFFFFFFA0] =	vst v10  }
0x30a: {  	[tilespmem:s22+$0x20] =	vst v6  }
0x30b: {  	v5 =	vsub.f32 v5, v7;
	[tilespmem:s25+$0x20] =	vst v4  }
0x30c: {  	v4 =	vld [tilespmem:s21+$0xFFFFE750]  }
0x30d: {  	v6 =	vsub.f32 v8, v9;
	v5 =	vmul.f32 v5, v3;
	v7 =	vld [tilespmem:s21+$0xFFFFFF50]  }
0x30e: {  	v8 =	vld [tilespmem:s21+$0xFFFFFFD0]  }
0x30f: {  	v6 =	vmul.f32 v6, v2;
	v10 =	vld [tilespmem:s21+$0xFFFFE7D0];
	v9 =	vsub.f32 $0.0e+00, v5  }
0x310: {  	[tilespmem:s22+$0xFFFFFFB0] =	vst v5  }
0x311: {  	v5 =	vsub.f32 $0.0e+00, v6;
	[tilespmem:s25+$0xFFFFFFB0] =	vst v9  }
0x312: {  	[tilespmem:s22+$0x30] =	vst v6;
	v4 =	vsub.f32 v4, v7  }
0x313: {  	[tilespmem:s25+$0x30] =	vst v5  }
0x314: {  	v6 =	vsub.f32 v10, v8;
	v7 =	vld [tilespmem:s21+$0xFFFFFF60];
	v4 =	vmul.f32 v4, v3  }
0x315: {  	v8 =	vld [tilespmem:s21+$0xFFFFE760]  }
0x316: {  	v5 =	vld [tilespmem:s21+$0xFFFFE7E0];
	v6 =	vmul.f32 v6, v2;
	v10 =	vsub.f32 $0.0e+00, v4  }
0x317: {  	v9 =	vld [tilespmem:s21+$0xFFFFFFE0];
	[tilespmem:s22+$0xFFFFFFC0] =	vst v4  }
0x318: {  	v4 =	vsub.f32 $0.0e+00, v6;
	[tilespmem:s25+$0xFFFFFFC0] =	vst v10  }
0x319: {  	[tilespmem:s22+$0x40] =	vst v6  }
0x31a: {  	[tilespmem:s25+$0x40] =	vst v4;
	v4 =	vsub.f32 v8, v7;
	_ =	sdelay $0x1  }
0x31b: {  	v5 =	vsub.f32 v5, v9;
	v6 =	vld [tilespmem:s21+$0xFFFFE770];
	v4 =	vmul.f32 v4, v3  }
0x31c: {  	v7 =	vld [tilespmem:s21+$0xFFFFFF70]  }
0x31d: {  	v5 =	vmul.f32 v5, v2;
	v8 =	vld [tilespmem:s21+$0xFFFFE7F0];
	v9 =	vsub.f32 $0.0e+00, v4  }
0x31e: {  	v10 =	vld [tilespmem:s21+$0xFFFFFFF0];
	[tilespmem:s22+$0xFFFFFFD0] =	vst v4  }
0x31f: {  	v4 =	vsub.f32 $0.0e+00, v5;
	[tilespmem:s25+$0xFFFFFFD0] =	vst v9  }
0x320: {  	[tilespmem:s22+$0x50] =	vst v5  }
0x321: {  	v6 =	vsub.f32 v6, v7;
	[tilespmem:s25+$0x50] =	vst v4  }
0x322: {  	v5 =	vld [tilespmem:s21+$0xFFFFE780]  }
0x323: {  	v7 =	vsub.f32 v8, v10;
	v9 =	vmul.f32 v6, v3;
	v6 =	vld [tilespmem:s21+$0xFFFFFF80]  }
0x324: {  	v4 =	vld [tilespmem:s21+$0xFFFFE800]  }
0x325: {  	s15 =	simm.s32 $0x3;
	s16 =	simm.s32 $0x6980;
	s14 =	simm.s32 $0x8180;
	v8 =	vmul.f32 v7, v2;
	v7 =	vld [tilespmem:s21+$0x0];
	v10 =	vsub.f32 $0.0e+00, v9  }
.LBB2_11:
0x326: {  	[tilespmem:s22+$0xFFFFFFE0] =	vst v9;
	s21 =	sadd.s32 $0x100, s21;
	s16 =	sadd.s32 $0x100, s16;
	s25 =	sadd.s32 $0x100, s25  }
0x327: {  	p0 =	sne.s32 s15, $0x2F;
	v9 =	vsub.f32 $0.0e+00, v8;
	s17 =	smov.u32 s15;
	s15 =	sadd.s32 $0x2, s15;
	[tilespmem:s14+$0xFFFFFFE0] =	vst v10  }
0x328: {  	[tilespmem:s22+$0x60] =	vst v8;
	v5 =	vsub.f32 v5, v6  }
0x329: {  	[tilespmem:s14+$0x60] =	vst v9  }
0x32a: {  	s26 =	sadd.s32 $0xFFFFFFFF, s17;
	v3 =	vmul.f32 v5, v3;
	v4 =	vsub.f32 v4, v7  }
0x32b: {  	v5 =	vmov s26  }
0x32c: {  	v5 =	vand.u32 $0xFFFFFFFE, v5;
	[tilespmem:s22+$0xFFFFFFF0] =	vst v3;
	v3 =	vsub.f32 $0.0e+00, v3;
	v2 =	vmul.f32 v4, v2  }
0x32d: {  	v4 =	vbroadcast v5, $0x0  }
0x32e: {  	[tilespmem:s14+$0xFFFFFFF0] =	vst v3;
	v3 =	vsub.f32 $0.0e+00, v2  }
0x32f: {  	[tilespmem:s22+$0x70] =	vst v2;
	s22 =	smov.u32 s16  }
0x330: {  	[tilespmem:s14+$0x70] =	vst v3;
	s14 =	smov.u32 s25  }
0x331: {  	v2 =	vmov s17;
	v5 =	vld [tilespmem:s21+$0xFFFFE710]  }
0x332: {  	v6 =	vld [tilespmem:s21+$0xFFFFFF90]  }
0x333: {  	v7 =	vld [tilespmem:s21+$0xFFFFFF10]  }
0x334: {  	v3 =	vld.idx.msk [tilespmem:v4+s8+$0x0], $0xffff  }
0x335: {  	v4 =	vld [tilespmem:s21+$0xFFFFE790]  }
0x336: {  	v2 =	vld.idx.msk [tilespmem:v2+s8+$0x0], $0xffff;
	_ =	sdelay $0x1  }
0x337: {  	v5 =	vsub.f32 v5, v7  }
0x338: {  	v7 =	vld [tilespmem:s21+$0xFFFFFFA0]  }
0x339: {  	v8 =	vld [tilespmem:s21+$0xFFFFFF20];
	v5 =	vmul.f32 v5, v3;
	v4 =	vsub.f32 v4, v6  }
0x33a: {  	v6 =	vld [tilespmem:s21+$0xFFFFE720]  }
0x33b: {  	v9 =	vld [tilespmem:s21+$0xFFFFE7A0];
	v10 =	vsub.f32 $0.0e+00, v5;
	v4 =	vmul.f32 v4, v2  }
0x33c: {  	[tilespmem:s16+$0xFFFFFF80] =	vst v5  }
0x33d: {  	[tilespmem:s25+$0xFFFFFF80] =	vst v10;
	v5 =	vsub.f32 $0.0e+00, v4  }
0x33e: {  	[tilespmem:s16+$0x0] =	vst v4  }
0x33f: {  	[tilespmem:s25+$0x0] =	vst v5;
	v4 =	vsub.f32 v6, v8  }
0x340: {  	v5 =	vld [tilespmem:s21+$0xFFFFE730];
	v6 =	vsub.f32 v9, v7  }
0x341: {  	v7 =	vld [tilespmem:s21+$0xFFFFE7B0];
	v4 =	vmul.f32 v4, v3  }
0x342: {  	v8 =	vld [tilespmem:s21+$0xFFFFFFB0]  }
0x343: {  	v6 =	vmul.f32 v6, v2;
	v9 =	vld [tilespmem:s21+$0xFFFFFF30];
	v10 =	vsub.f32 $0.0e+00, v4  }
0x344: {  	[tilespmem:s16+$0xFFFFFF90] =	vst v4  }
0x345: {  	v4 =	vsub.f32 $0.0e+00, v6;
	[tilespmem:s25+$0xFFFFFF90] =	vst v10  }
0x346: {  	[tilespmem:s16+$0x10] =	vst v6  }
0x347: {  	[tilespmem:s25+$0x10] =	vst v4;
	v4 =	vsub.f32 v7, v8  }
0x348: {  	v6 =	vld [tilespmem:s21+$0xFFFFE740];
	v5 =	vsub.f32 v5, v9  }
0x349: {  	v7 =	vld [tilespmem:s21+$0xFFFFFF40];
	v4 =	vmul.f32 v4, v2  }
0x34a: {  	v8 =	vld [tilespmem:s21+$0xFFFFE7C0];
	v5 =	vmul.f32 v5, v3  }
0x34b: {  	v9 =	vld [tilespmem:s21+$0xFFFFFFC0]  }
0x34c: {  	[tilespmem:s16+$0xFFFFFFA0] =	vst v5;
	v5 =	vsub.f32 $0.0e+00, v5;
	_ =	sdelay $0x1  }
0x34d: {  	[tilespmem:s25+$0xFFFFFFA0] =	vst v5;
	v5 =	vsub.f32 $0.0e+00, v4;
	v6 =	vsub.f32 v6, v7  }
0x34e: {  	[tilespmem:s16+$0x20] =	vst v4  }
0x34f: {  	[tilespmem:s25+$0x20] =	vst v5;
	v4 =	vmul.f32 v6, v3;
	v5 =	vsub.f32 v8, v9  }
0x350: {  	v6 =	vld [tilespmem:s21+$0xFFFFE750]  }
0x351: {  	v7 =	vld [tilespmem:s21+$0xFFFFFF50];
	v8 =	vsub.f32 $0.0e+00, v4;
	v5 =	vmul.f32 v5, v2  }
0x352: {  	v9 =	vld [tilespmem:s21+$0xFFFFFFD0]  }
0x353: {  	v10 =	vld [tilespmem:s21+$0xFFFFE7D0]  }
0x354: {  	[tilespmem:s16+$0xFFFFFFB0] =	vst v4  }
0x355: {  	v4 =	vsub.f32 $0.0e+00, v5;
	[tilespmem:s25+$0xFFFFFFB0] =	vst v8  }
0x356: {  	[tilespmem:s16+$0x30] =	vst v5;
	v5 =	vsub.f32 v6, v7  }
0x357: {  	[tilespmem:s25+$0x30] =	vst v4  }
0x358: {  	v4 =	vld [tilespmem:s21+$0xFFFFE7E0];
	v6 =	vsub.f32 v10, v9  }
0x359: {  	v5 =	vmul.f32 v5, v3;
	v7 =	vld [tilespmem:s21+$0xFFFFFF60]  }
0x35a: {  	v8 =	vld [tilespmem:s21+$0xFFFFE760];
	v6 =	vmul.f32 v6, v2  }
0x35b: {  	v10 =	vsub.f32 $0.0e+00, v5;
	v9 =	vld [tilespmem:s21+$0xFFFFFFE0]  }
0x35c: {  	[tilespmem:s16+$0xFFFFFFC0] =	vst v5;
	v5 =	vsub.f32 $0.0e+00, v6  }
0x35d: {  	[tilespmem:s25+$0xFFFFFFC0] =	vst v10  }
0x35e: {  	[tilespmem:s16+$0x40] =	vst v6  }
0x35f: {  	[tilespmem:s25+$0x40] =	vst v5;
	v5 =	vsub.f32 v8, v7  }
0x360: {  	v6 =	vld [tilespmem:s21+$0xFFFFE770];
	v4 =	vsub.f32 v4, v9  }
0x361: {  	v7 =	vld [tilespmem:s21+$0xFFFFFF70];
	v5 =	vmul.f32 v5, v3  }
0x362: {  	v8 =	vld [tilespmem:s21+$0xFFFFE7F0];
	v4 =	vmul.f32 v4, v2  }
0x363: {  	v10 =	vld [tilespmem:s21+$0xFFFFFFF0];
	v9 =	vsub.f32 $0.0e+00, v5  }
0x364: {  	[tilespmem:s16+$0xFFFFFFD0] =	vst v5  }
0x365: {  	v5 =	vsub.f32 $0.0e+00, v4;
	[tilespmem:s25+$0xFFFFFFD0] =	vst v9  }
0x366: {  	[tilespmem:s16+$0x50] =	vst v4;
	v4 =	vsub.f32 v6, v7  }
.Ltmp4:
0x367: {  	[tilespmem:s25+$0x50] =	vst v5;
	(pc) =	sbr.rel @p0 .LBB2_11-.Ltmp4, $4  }
0x368: {  	v5 =	vld [tilespmem:s21+$0xFFFFE780];
	v9 =	vmul.f32 v4, v3;
	v7 =	vsub.f32 v8, v10  }
0x369: {  	v6 =	vld [tilespmem:s21+$0xFFFFFF80]  }
0x36a: {  	v4 =	vld [tilespmem:s21+$0xFFFFE800];
	v10 =	vsub.f32 $0.0e+00, v9;
	v8 =	vmul.f32 v7, v2  }
0x36b: {  	v7 =	vld [tilespmem:s21+$0x0]  }
0x36c: {  	_ =	sdelay $0x1  }
0x36d: {  	v5 =	vsub.f32 v5, v6  }
0x36e: {  	[tilespmem:s22+$0xFFFFFFE0] =	vst v9  }
0x36f: {  	v63 =	vsub.f32 $0.0e+00, v8;
	[tilespmem:s14+$0xFFFFFFE0] =	vst v10;
	v3 =	vmul.f32 v5, v3;
	v4 =	vsub.f32 v4, v7  }
0x370: {  	[tilespmem:s22+$0x60] =	vst v8  }
0x371: {  	[tilespmem:s14+$0x60] =	vst v63;
	v5 =	vsub.f32 $0.0e+00, v3;
	v2 =	vmul.f32 v4, v2  }
0x372: {  	s20 =	sadd.s32 $0x1, s20;
	[tilespmem:s22+$0xFFFFFFF0] =	vst v3  }
0x373: {  	p0 =	sne.s32 s20, $0x35;
	[tilespmem:s14+$0xFFFFFFF0] =	vst v5;
	v3 =	vsub.f32 $0.0e+00, v2  }
.Ltmp5:
0x374: {  	[tilespmem:s22+$0x70] =	vst v2;
	(pc) =	sbr.rel @p0 .LBB2_4-.Ltmp5, $4  }
0x375: {  	s26 =	simm.s32 $0x680;
	[tilespmem:s14+$0x70] =	vst v3  }
0x376: {  	[spmem:s2] =	stream.indirect.scatter.add.f32 [tilespmem:s11], [sflag:$0x6], $0x80, s26, s0, $0xb8;
	[tilespmem:$0x1D900] =	vst v63  }
0x377: {  	s29 =	simm.s32 $0x880  }
0x378: {  	[spmem:s2] =	stream.indirect.scatter.add.f32 [tilespmem:s9], [sflag:$0x6], $0x80, s29, s0, $0xb8;
	[tilespmem:$0x1D900] =	vst v63  }
0x379: {  	_ =	swait.ge [sflag:s18], $0x1800  }
0x37a: {  	[sflag:s18] =	ssyncset.done $0x0  }
0x37b: {  	[sflag:s18] =	ssyncadd.s32 $0xFFFFE800  }
0x37c: {  	_ =	swait.ge [sflag:s18], $0x1800  }
0x37d: {  	[sflag:s18] =	ssyncset.done $0x0  }
0x37e: {  	[sflag:s18] =	ssyncadd.s32 $0xFFFFE800  }
0x37f: {  	[bflag:$0x0] =	sbarrier.arrive $0xFFFF  }
0x380: {  	s17 =	rddreg [dreg:$0xf]  }
0x381: {  	[tilespmem:s11], [sflag:$0x7] =	stream.linear.gather [spmem:s17], $0x1400, $0x38;
	[tilespmem:$0x1D900] =	vst v63  }
0x382: {  	_ =	swait.ge [sflag:s12], $0x1400  }
0x383: {  	[sflag:s12] =	ssyncset.done $0x0  }
0x384: {  	s14 =	sadd.s32 $0x0, s24;
	[sflag:s12] =	ssyncadd.s32 $0xFFFFEC00  }
0x385: {  	[hbm4b:s14+s3] =	stream.linear.scatter [tilespmem:s11], [sflag:$0x7], $0x1400, $0x38;
	[tilespmem:$0x1D900] =	vst v63  }
0x386: {  	_ =	swait.ge [sflag:s12], $0x1400  }
0x387: {  	s15 =	smov.u32 s17;
	s14 =	simm.s32 $0x280;
	[sflag:s12] =	ssyncset.done $0x0  }
.LBB2_14:
0x388: {  	p0 =	sne.s32 s14, $0x2580;
	[sflag:s12] =	ssyncadd.s32 $0xFFFFEC00;
	s15 =	sadd.s32 $0x1400, s15  }
0x389: {  	[tilespmem:s11], [sflag:$0x7] =	stream.linear.gather [spmem:s15], $0x1400, $0x38;
	[tilespmem:$0x1D900] =	vst v63  }
0x38a: {  	s16 =	smov.u32 s14;
	s14 =	sadd.s32 $0x280, s14;
	_ =	swait.ge [sflag:s12], $0x1400  }
.Ltmp6:
0x38b: {  	[sflag:s12] =	ssyncset.done $0x0;
	(pc) =	sbr.rel @p0 .LBB2_14-.Ltmp6, $4  }
0x38c: {  	s16 =	sadd.s32 s16, s24;
	[sflag:s12] =	ssyncadd.s32 $0xFFFFEC00  }
0x38d: {  	[hbm4b:s16+s3] =	stream.linear.scatter [tilespmem:s11], [sflag:$0x7], $0x1400, $0x38;
	[tilespmem:$0x1D900] =	vst v63  }
0x38e: {  	_ =	swait.ge [sflag:s12], $0x1400  }
0x38f: {  	[sflag:s12] =	ssyncset.done $0x0  }
0x390: {  	s15 =	rddreg [dreg:$0x1f]  }
0x391: {  	s14 =	rddreg [dreg:$0xe];
	s15 =	sadd.s32 $0x1, s15  }
0x392: {  	p0 =	sne.s32 s15, s14  }
.Ltmp7:
0x393: {  	_ = 	snop;
	(pc) =	sbr.rel @p0 .LBB2_1-.Ltmp7, $2  }
0x394: {  	_ =	sdelay $0x2  }
0x395: {  	[sflag:s12] =	ssyncadd.s32 $0xFFFFEC00  }
0x396: {  	_ =	sfence.sel $0x180000  }
0x397: {  	[bflag:$0x0] =	sbarrier.arrive $0xFFFF  }
0x398: {  	_ =	strace $0x90000047  }
0x399: {  	s0 =	stileid.u32;
	[bflag:$0x2] =	sbarrier.arrive $0xFFFF  }
0x39a: {  	p0 =	sne.s32 s0, $0x0;
	s0 =	rddreg [dreg:$0x3]  }
0x39b: {  	s0 =	sadd.s32 @!p0 $0x100000, s0  }
0x39c: {  	[sflag:s0] =	ssyncadd.tile.s32 @!p0 $0x1;
	_ =	shalt  }
.Lfunc_end2:
_tile_overlayer_lowered:
.L_overlay_start_2:
0x39d: {  	(tag) =	ssettag $0x2  }
0x39e: {  	s0 =	rddreg [dreg:$0x0];
	s2 =	stileid.u32  }
0x39f: {  	s1 =	rddreg [dreg:$0x1];
	p0 =	sne.s32 s2, $0x0  }
0x3a0: {  	s3 =	rddreg [dreg:$0x2];
	[bflag:$0x3] =	sbarrier.arrive $0xFFFF;
	s2 =	simm.s32 @!p0 $0x1C07  }
0x3a1: {  	[timem:s3], [sflag:s2] =	dma.local @!p0 [hbm:s0], s1  }
0x3a2: {  	s0 =	simm.s32 @!p0 $0x7  }
0x3a3: {  	_ =	swait.ge @!p0 [sflag:s0], s1  }
0x3a4: {  	s1 =	ssub.s32 @!p0 $0x0, s1;
	[sflag:s0] =	ssyncset.done @!p0 $0x0  }
0x3a5: {  	[sflag:s0] =	ssyncadd.s32 @!p0 s1  }
0x3a6: {  	[bflag:$0x3] =	sbarrier.arrive $0xFFFF  }
0x3a7: {  	_ =	shalt  }

</sc_bundles>
